<compile_context>
chip_gen: v7x
topology: tpu7x:2x2x1
jax: 0.10.2.dev20260603
libtpu: 0.0.44.dev20260713+nightly
codegen_flags: <defaults>
</compile_context>

<pallas_src>
import functools

import jax
import jax.numpy as jnp
from jax import lax
from jax.experimental import pallas as pl
from jax.experimental.pallas import tpu as pltpu
from jax.experimental.pallas import tpu_sc as plsc

EMB_DIM = 32
BATCH = 16384
NC = 2
NS = 16
NW = NC * NS
B_PER_W = BATCH // NW
L = 16
H = 8
NHALF = B_PER_W // H


def _rsqrt16(x):
    i = lax.bitcast_convert_type(x, jnp.int32)
    y = lax.bitcast_convert_type(jnp.int32(0x5F3759DF) - (i >> 1), jnp.float32)
    for _ in range(3):
        y = y * (jnp.float32(1.5) - jnp.float32(0.5) * x * y * y)
    return y


def _make_kernel():
    mesh = plsc.VectorSubcoreMesh(core_axis_name="c", subcore_axis_name="s")

    @functools.partial(
        pl.kernel,
        mesh=mesh,
        compiler_params=pltpu.CompilerParams(needs_layout_passes=False),
        out_type=jax.ShapeDtypeStruct((BATCH,), jnp.float32),
        scratch_types=[
            pltpu.VMEM((B_PER_W + L,), jnp.int32),
            pltpu.VMEM((B_PER_W + L,), jnp.int32),
            pltpu.VMEM((H * EMB_DIM, 128), jnp.float32),
            pltpu.VMEM((H * EMB_DIM, 128), jnp.float32),
            pltpu.VMEM((H * 8, EMB_DIM), jnp.float32),
            pltpu.VMEM((H * 8, EMB_DIM), jnp.float32),
            pltpu.VMEM((B_PER_W,), jnp.float32),
            pltpu.SemaphoreType.DMA,
            pltpu.SemaphoreType.DMA,
            pltpu.SemaphoreType.DMA,
            pltpu.SemaphoreType.DMA,
            pltpu.SemaphoreType.DMA,
        ],
    )
    def cosine_kernel(uids_hbm, jids_hbm, utabt_hbm, jtab_hbm, out_hbm,
                      uidx_v, jidx_v, uwin_a, uwin_b, jblk_a, jblk_b, outv,
                      sem_i, sem_ua, sem_ub, sem_ja, sem_jb):
        wid = lax.axis_index("s") * NC + lax.axis_index("c")
        base = wid * B_PER_W

        ci_u = pltpu.async_copy(uids_hbm.at[pl.ds(base, B_PER_W)],
                                uidx_v.at[pl.ds(0, B_PER_W)], sem_i)
        ci_j = pltpu.async_copy(jids_hbm.at[pl.ds(base, B_PER_W)],
                                jidx_v.at[pl.ds(0, B_PER_W)], sem_i)
        ci_u.wait()
        ci_j.wait()

        iota16 = lax.iota(jnp.int32, 16)
        lane8 = iota16 & 7
        zeros = jnp.zeros((L,), jnp.float32)
        eps = jnp.float32(1e-12)

        def enqueue_half(h, uwin, jblk, sem_u, sem_j):
            uvec = uidx_v[pl.ds(h * H, L)]
            jvec = jidx_v[pl.ds(h * H, L)]
            for k in range(H):
                u = uvec[k]
                j = jvec[k]
                uw = pl.multiple_of((u >> 7) << 7, 128)
                udst = pl.multiple_of(k * EMB_DIM, 8)
                pltpu.async_copy(
                    utabt_hbm.at[:, pl.ds(uw, 128)],
                    uwin.at[pl.ds(udst, EMB_DIM), :], sem_u)
                jb = pl.multiple_of((j >> 3) << 3, 8)
                jdst = pl.multiple_of(k * 8, 8)
                pltpu.async_copy(
                    jtab_hbm.at[pl.ds(jb, 8), :],
                    jblk.at[pl.ds(jdst, 8), :], sem_j)

        def drain_half(uwin, jblk, sem_u, sem_j):
            pltpu.make_async_copy(
                utabt_hbm.at[:, pl.ds(0, H * 128)].at[pl.ds(0, H * EMB_DIM), :],
                uwin, sem_u).wait()
            pltpu.make_async_copy(
                jtab_hbm.at[pl.ds(0, H * 8), :], jblk, sem_j).wait()

        def extract_half(h, uwin, jblk, rev):
            elem = (7 - lane8) if rev else lane8
            uvec = uidx_v[pl.ds(h * H, L)]
            jvec = jidx_v[pl.ds(h * H, L)]
            du = plsc.load_gather(uidx_v, [h * H + elem])
            dj = plsc.load_gather(jidx_v, [h * H + elem])
            del uvec, jvec
            ucol = du & 127
            jrow = elem * 8 + (dj & 7)
            d = zeros
            uu = zeros
            jj = zeros
            for f in range(EMB_DIM):
                urow = elem * EMB_DIM + f
                uf = plsc.load_gather(uwin, [urow, ucol])
                jf = plsc.load_gather(jblk, [jrow, jnp.full((L,), f, jnp.int32)])
                d = d + uf * jf
                uu = uu + uf * uf
                jj = jj + jf * jf
            uu = jnp.maximum(uu, eps)
            jj = jnp.maximum(jj, eps)
            return d * _rsqrt16(uu) * _rsqrt16(jj)

        enqueue_half(0, uwin_a, jblk_a, sem_ua, sem_ja)

        def pair_body(p, carry):
            h = p * 2
            enqueue_half(h + 1, uwin_b, jblk_b, sem_ub, sem_jb)
            drain_half(uwin_a, jblk_a, sem_ua, sem_ja)
            r_low = extract_half(h, uwin_a, jblk_a, rev=False)

            @pl.when(p < NHALF // 2 - 1)
            def _():
                enqueue_half(h + 2, uwin_a, jblk_a, sem_ua, sem_ja)

            drain_half(uwin_b, jblk_b, sem_ub, sem_jb)
            r_high = extract_half(h + 1, uwin_b, jblk_b, rev=True)
            merged = jnp.where(iota16 < 8, r_low, lax.rev(r_high, (0,)))
            outv[pl.ds(p * L, L)] = merged
            return carry

        lax.fori_loop(0, NHALF // 2, pair_body, 0)
        pltpu.sync_copy(outv, out_hbm.at[pl.ds(base, B_PER_W)])

    return cosine_kernel


_kernel_call = _make_kernel()


def kernel(user_ids, joke_ids, user_table, joke_table):
    out = _kernel_call(user_ids, joke_ids, user_table.T, joke_table)
    return out.reshape(BATCH, 1)

# --- scband reference (transcript-rebuilt; emitter-appended) ---
"""Pipeline reference for scband-joke-recommender-78683800863206 (READ-ONLY COPY).

The authoritative reference and input builder live on the scoring server;
editing this copy changes nothing except your own understanding.
"""

import jax, jax.numpy as jnp
import numpy as np

EMB_DIM = 32
NUM_USERS = 1000000
NUM_JOKES = 100000
BATCH = 16384


def setup_inputs(seed: int = 0) -> dict:
    key = jax.random.key(seed)
    k1, k2, k3, k4 = jax.random.split(key, 4)
    user_ids = jax.random.randint(k1, (BATCH,), 0, 1000000, dtype=jnp.int64 if jax.config.jax_enable_x64 else jnp.int32).astype(jnp.int32)
    joke_ids = jax.random.randint(k2, (BATCH,), 0, 100000, dtype=jnp.int32)
    # Embedding tables sized (vocab + 1, emb_dim) per the Keras module
    user_table = jax.random.uniform(k3, (NUM_USERS + 1, EMB_DIM), dtype=jnp.float32, minval=-0.05, maxval=0.05)
    joke_table = jax.random.uniform(k4, (NUM_JOKES + 1, EMB_DIM), dtype=jnp.float32, minval=-0.05, maxval=0.05)
    return {"user_ids": user_ids, "joke_ids": joke_ids, "user_table": user_table, "joke_table": joke_table}


def _l2_normalize(x, axis=1, eps=1e-12):
    sq = jnp.sum(jnp.square(x), axis=axis, keepdims=True)
    return x * jax.lax.rsqrt(jnp.maximum(sq, eps))


def reference(user_ids, joke_ids, user_table, joke_table):
    # user branch: embedding -> flatten -> dropout (identity at inference)
    user = jnp.take(user_table, user_ids, axis=0)  # [B, D]
    # joke branch
    joke = jnp.take(joke_table, joke_ids, axis=0)  # [B, D]
    # Dot(axes=1, normalize=True) == cosine similarity along axis 1
    user_n = _l2_normalize(user, axis=1)
    joke_n = _l2_normalize(joke, axis=1)
    out = jnp.sum(user_n * joke_n, axis=1, keepdims=True)  # [B, 1]
    return out

if __name__ == "__main__":
    import jax
    _d = setup_inputs()
    print(jax.jit(kernel)(*tuple(_d.values())))

</pallas_src>

<mosaic_0001>
#map = affine_map<(d0, d1) -> (0)>
#map1 = affine_map<(d0, d1) -> (0, 0)>
module attributes {stable_mosaic.version = 14 : i64} {
  func.func @cosine_kernel(%arg0: i32, %arg1: i32, %arg2: memref<16384xi32, #tpu.memory_space<hbm>>, %arg3: memref<16384xi32, #tpu.memory_space<hbm>>, %arg4: memref<32x1000001xf32, #tpu.memory_space<hbm>>, %arg5: memref<100001x32xf32, #tpu.memory_space<hbm>>, %arg6: memref<16384xf32, #tpu.memory_space<hbm>>, %arg7: memref<528xi32, #tpu.memory_space<vmem>>, %arg8: memref<528xi32, #tpu.memory_space<vmem>>, %arg9: memref<256x128xf32, #tpu.memory_space<vmem>>, %arg10: memref<256x128xf32, #tpu.memory_space<vmem>>, %arg11: memref<64x32xf32, #tpu.memory_space<vmem>>, %arg12: memref<64x32xf32, #tpu.memory_space<vmem>>, %arg13: memref<512xf32, #tpu.memory_space<vmem>>, %arg14: memref<!tpu.dma_semaphore, #tpu.memory_space<semaphore_mem>>, %arg15: memref<!tpu.dma_semaphore, #tpu.memory_space<semaphore_mem>>, %arg16: memref<!tpu.dma_semaphore, #tpu.memory_space<semaphore_mem>>, %arg17: memref<!tpu.dma_semaphore, #tpu.memory_space<semaphore_mem>>, %arg18: memref<!tpu.dma_semaphore, #tpu.memory_space<semaphore_mem>>) attributes {dimension_semantics = [#tpu.dimension_semantics<core_parallel>, #tpu.dimension_semantics<subcore_parallel>], iteration_bounds = array<i64: 2, 16>, scalar_prefetch = 0 : i64, scratch_operands = 12 : i64, tpu.core_type = #tpu.core_type<sc_vector_subcore>, window_params = [{transform_indices = #map}, {transform_indices = #map}, {transform_indices = #map1}, {transform_indices = #map1}, {transform_indices = #map}]} {
    %mul3A = arith.constant 2 : i32
    %mul3A_0 = arith.muli %arg1, %mul3A : i32
    %add3A = arith.addi %mul3A_0, %arg0 : i32
    %mul3A_1 = arith.constant 512 : i32
    %mul3A_2 = arith.muli %add3A, %mul3A_1 : i32
    %dma_start3A = arith.constant 0 : i32
    %dma_start3A_3 = tpu.memref_slice %arg7[%dma_start3A] : memref<528xi32, #tpu.memory_space<vmem>> -> memref<512xi32, #tpu.memory_space<vmem>>
    %dma_start3A_4 = tpu.memref_slice %arg2[%mul3A_2] : memref<16384xi32, #tpu.memory_space<hbm>> -> memref<512xi32, #tpu.memory_space<hbm>>
    %dma_start3A_5 = arith.constant 0 : i32
    %dma_start3A_6 = tpu.memref_slice %arg7[%dma_start3A_5] : memref<528xi32, #tpu.memory_space<vmem>> -> memref<512xi32, #tpu.memory_space<vmem>>
    %dma_start3A_7 = tpu.memref_slice %arg2[%mul3A_2] : memref<16384xi32, #tpu.memory_space<hbm>> -> memref<512xi32, #tpu.memory_space<hbm>>
    tpu.enqueue_dma source(%dma_start3A_7 : memref<512xi32, #tpu.memory_space<hbm>>) target(%dma_start3A_6 : memref<512xi32, #tpu.memory_space<vmem>>) target_semaphore(%arg14 : memref<!tpu.dma_semaphore, #tpu.memory_space<semaphore_mem>>)
    %dma_start3A_8 = arith.constant 0 : i32
    %dma_start3A_9 = tpu.memref_slice %arg8[%dma_start3A_8] : memref<528xi32, #tpu.memory_space<vmem>> -> memref<512xi32, #tpu.memory_space<vmem>>
    %dma_start3A_10 = tpu.memref_slice %arg3[%mul3A_2] : memref<16384xi32, #tpu.memory_space<hbm>> -> memref<512xi32, #tpu.memory_space<hbm>>
    %dma_start3A_11 = arith.constant 0 : i32
    %dma_start3A_12 = tpu.memref_slice %arg8[%dma_start3A_11] : memref<528xi32, #tpu.memory_space<vmem>> -> memref<512xi32, #tpu.memory_space<vmem>>
    %dma_start3A_13 = tpu.memref_slice %arg3[%mul3A_2] : memref<16384xi32, #tpu.memory_space<hbm>> -> memref<512xi32, #tpu.memory_space<hbm>>
    tpu.enqueue_dma source(%dma_start3A_13 : memref<512xi32, #tpu.memory_space<hbm>>) target(%dma_start3A_12 : memref<512xi32, #tpu.memory_space<vmem>>) target_semaphore(%arg14 : memref<!tpu.dma_semaphore, #tpu.memory_space<semaphore_mem>>)
    %dma_wait3A = arith.constant 0 : i32
    %dma_wait3A_14 = tpu.memref_slice %arg7[%dma_wait3A] : memref<528xi32, #tpu.memory_space<vmem>> -> memref<512xi32, #tpu.memory_space<vmem>>
    %dma_wait3A_15 = tpu.memref_slice %arg2[%mul3A_2] : memref<16384xi32, #tpu.memory_space<hbm>> -> memref<512xi32, #tpu.memory_space<hbm>>
    %dma_wait3A_16 = arith.constant 0 : i32
    %dma_wait3A_17 = tpu.memref_slice %arg7[%dma_wait3A_16] : memref<528xi32, #tpu.memory_space<vmem>> -> memref<512xi32, #tpu.memory_space<vmem>>
    %dma_wait3A_18 = tpu.memref_slice %arg2[%mul3A_2] : memref<16384xi32, #tpu.memory_space<hbm>> -> memref<512xi32, #tpu.memory_space<hbm>>
    tpu.wait_dma2 semaphore(%arg14 : memref<!tpu.dma_semaphore, #tpu.memory_space<semaphore_mem>>) src(%dma_wait3A_18 : memref<512xi32, #tpu.memory_space<hbm>>) dst(%dma_wait3A_17 : memref<512xi32, #tpu.memory_space<vmem>>)
    %dma_wait3A_19 = arith.constant 0 : i32
    %dma_wait3A_20 = tpu.memref_slice %arg8[%dma_wait3A_19] : memref<528xi32, #tpu.memory_space<vmem>> -> memref<512xi32, #tpu.memory_space<vmem>>
    %dma_wait3A_21 = tpu.memref_slice %arg3[%mul3A_2] : memref<16384xi32, #tpu.memory_space<hbm>> -> memref<512xi32, #tpu.memory_space<hbm>>
    %dma_wait3A_22 = arith.constant 0 : i32
    %dma_wait3A_23 = tpu.memref_slice %arg8[%dma_wait3A_22] : memref<528xi32, #tpu.memory_space<vmem>> -> memref<512xi32, #tpu.memory_space<vmem>>
    %dma_wait3A_24 = tpu.memref_slice %arg3[%mul3A_2] : memref<16384xi32, #tpu.memory_space<hbm>> -> memref<512xi32, #tpu.memory_space<hbm>>
    tpu.wait_dma2 semaphore(%arg14 : memref<!tpu.dma_semaphore, #tpu.memory_space<semaphore_mem>>) src(%dma_wait3A_24 : memref<512xi32, #tpu.memory_space<hbm>>) dst(%dma_wait3A_23 : memref<512xi32, #tpu.memory_space<vmem>>)
    %iota3A = tpu.iota {dimensions = array<i32: 0>} : vector<16xi32>
    %and3A = arith.constant 7 : i32
    %and3A_25 = vector.broadcast %and3A : i32 to vector<16xi32>
    %and3A_26 = arith.andi %iota3A, %and3A_25 : vector<16xi32>
    %broadcast_in_dim3A = arith.constant 0.000000e+00 : f32
    %broadcast_in_dim3A_27 = vector.broadcast %broadcast_in_dim3A : f32 to vector<16xf32>
    %get3A = arith.constant 0 : index
    %get3A_28 = tpu.vector_load %arg7[%get3A] {strides = array<i32>} : memref<528xi32, #tpu.memory_space<vmem>>, vector<16xi32>,
    %get3A_29 = arith.constant 0 : index
    %get3A_30 = tpu.vector_load %arg8[%get3A_29] {strides = array<i32>} : memref<528xi32, #tpu.memory_space<vmem>>, vector<16xi32>,
    %slice3A = vector.extract_strided_slice %get3A_28 {offsets = [0], sizes = [1], strides = [1]} : vector<16xi32> to vector<1xi32>
    %squeeze3A = vector.extract %slice3A[0] : i32 from vector<1xi32>
    %slice3A_31 = vector.extract_strided_slice %get3A_30 {offsets = [0], sizes = [1], strides = [1]} : vector<16xi32> to vector<1xi32>
    %squeeze3A_32 = vector.extract %slice3A_31[0] : i32 from vector<1xi32>
    %shift_right_arithmetic3A = arith.constant 7 : i32
    %shift_right_arithmetic3A_33 = arith.shrsi %squeeze3A, %shift_right_arithmetic3A : i32
    %shift_left3A = arith.constant 7 : i32
    %shift_left3A_34 = arith.shli %shift_right_arithmetic3A_33, %shift_left3A : i32
    %multiple_of3A = tpu.assume_multiple %shift_left3A_34, 128 : i32
    %multiple_of3A_35 = arith.constant 0 : i32
    %multiple_of3A_36 = tpu.assume_multiple %multiple_of3A_35, 8 : i32
    %dma_start3A_37 = arith.constant 0 : i32
    %dma_start3A_38 = tpu.memref_slice %arg9[%multiple_of3A_36, %dma_start3A_37] : memref<256x128xf32, #tpu.memory_space<vmem>> -> memref<32x128xf32, #tpu.memory_space<vmem>>
    %dma_start3A_39 = arith.constant 0 : i32
    %dma_start3A_40 = tpu.memref_slice %arg4[%dma_start3A_39, %multiple_of3A] : memref<32x1000001xf32, #tpu.memory_space<hbm>> -> memref<32x128xf32, #tpu.memory_space<hbm>>
    %dma_start3A_41 = arith.constant 0 : i32
    %dma_start3A_42 = tpu.memref_slice %arg9[%multiple_of3A_36, %dma_start3A_41] : memref<256x128xf32, #tpu.memory_space<vmem>> -> memref<32x128xf32, #tpu.memory_space<vmem>>
    %dma_start3A_43 = arith.constant 0 : i32
    %dma_start3A_44 = tpu.memref_slice %arg4[%dma_start3A_43, %multiple_of3A] : memref<32x1000001xf32, #tpu.memory_space<hbm>> -> memref<32x128xf32, #tpu.memory_space<hbm>>
    tpu.enqueue_dma source(%dma_start3A_44 : memref<32x128xf32, #tpu.memory_space<hbm>>) target(%dma_start3A_42 : memref<32x128xf32, #tpu.memory_space<vmem>>) target_semaphore(%arg15 : memref<!tpu.dma_semaphore, #tpu.memory_space<semaphore_mem>>)
    %shift_right_arithmetic3A_45 = arith.constant 3 : i32
    %shift_right_arithmetic3A_46 = arith.shrsi %squeeze3A_32, %shift_right_arithmetic3A_45 : i32
    %shift_left3A_47 = arith.constant 3 : i32
    %shift_left3A_48 = arith.shli %shift_right_arithmetic3A_46, %shift_left3A_47 : i32
    %multiple_of3A_49 = tpu.assume_multiple %shift_left3A_48, 8 : i32
    %multiple_of3A_50 = arith.constant 0 : i32
    %multiple_of3A_51 = tpu.assume_multiple %multiple_of3A_50, 8 : i32
    %dma_start3A_52 = arith.constant 0 : i32
    %dma_start3A_53 = tpu.memref_slice %arg11[%multiple_of3A_51, %dma_start3A_52] : memref<64x32xf32, #tpu.memory_space<vmem>> -> memref<8x32xf32, #tpu.memory_space<vmem>>
    %dma_start3A_54 = arith.constant 0 : i32
    %dma_start3A_55 = tpu.memref_slice %arg5[%multiple_of3A_49, %dma_start3A_54] : memref<100001x32xf32, #tpu.memory_space<hbm>> -> memref<8x32xf32, #tpu.memory_space<hbm>>
    %dma_start3A_56 = arith.constant 0 : i32
    %dma_start3A_57 = tpu.memref_slice %arg11[%multiple_of3A_51, %dma_start3A_56] : memref<64x32xf32, #tpu.memory_space<vmem>> -> memref<8x32xf32, #tpu.memory_space<vmem>>
    %dma_start3A_58 = arith.constant 0 : i32
    %dma_start3A_59 = tpu.memref_slice %arg5[%multiple_of3A_49, %dma_start3A_58] : memref<100001x32xf32, #tpu.memory_space<hbm>> -> memref<8x32xf32, #tpu.memory_space<hbm>>
    tpu.enqueue_dma source(%dma_start3A_59 : memref<8x32xf32, #tpu.memory_space<hbm>>) target(%dma_start3A_57 : memref<8x32xf32, #tpu.memory_space<vmem>>) target_semaphore(%arg17 : memref<!tpu.dma_semaphore, #tpu.memory_space<semaphore_mem>>)
    %slice3A_60 = vector.extract_strided_slice %get3A_28 {offsets = [1], sizes = [1], strides = [1]} : vector<16xi32> to vector<1xi32>
    %squeeze3A_61 = vector.extract %slice3A_60[0] : i32 from vector<1xi32>
    %slice3A_62 = vector.extract_strided_slice %get3A_30 {offsets = [1], sizes = [1], strides = [1]} : vector<16xi32> to vector<1xi32>
    %squeeze3A_63 = vector.extract %slice3A_62[0] : i32 from vector<1xi32>
    %shift_right_arithmetic3A_64 = arith.constant 7 : i32
    %shift_right_arithmetic3A_65 = arith.shrsi %squeeze3A_61, %shift_right_arithmetic3A_64 : i32
    %shift_left3A_66 = arith.constant 7 : i32
    %shift_left3A_67 = arith.shli %shift_right_arithmetic3A_65, %shift_left3A_66 : i32
    %multiple_of3A_68 = tpu.assume_multiple %shift_left3A_67, 128 : i32
    %multiple_of3A_69 = arith.constant 32 : i32
    %multiple_of3A_70 = tpu.assume_multiple %multiple_of3A_69, 8 : i32
    %dma_start3A_71 = arith.constant 0 : i32
    %dma_start3A_72 = tpu.memref_slice %arg9[%multiple_of3A_70, %dma_start3A_71] : memref<256x128xf32, #tpu.memory_space<vmem>> -> memref<32x128xf32, #tpu.memory_space<vmem>>
    %dma_start3A_73 = arith.constant 0 : i32
    %dma_start3A_74 = tpu.memref_slice %arg4[%dma_start3A_73, %multiple_of3A_68] : memref<32x1000001xf32, #tpu.memory_space<hbm>> -> memref<32x128xf32, #tpu.memory_space<hbm>>
    %dma_start3A_75 = arith.constant 0 : i32
    %dma_start3A_76 = tpu.memref_slice %arg9[%multiple_of3A_70, %dma_start3A_75] : memref<256x128xf32, #tpu.memory_space<vmem>> -> memref<32x128xf32, #tpu.memory_space<vmem>>
    %dma_start3A_77 = arith.constant 0 : i32
    %dma_start3A_78 = tpu.memref_slice %arg4[%dma_start3A_77, %multiple_of3A_68] : memref<32x1000001xf32, #tpu.memory_space<hbm>> -> memref<32x128xf32, #tpu.memory_space<hbm>>
    tpu.enqueue_dma source(%dma_start3A_78 : memref<32x128xf32, #tpu.memory_space<hbm>>) target(%dma_start3A_76 : memref<32x128xf32, #tpu.memory_space<vmem>>) target_semaphore(%arg15 : memref<!tpu.dma_semaphore, #tpu.memory_space<semaphore_mem>>)
    %shift_right_arithmetic3A_79 = arith.constant 3 : i32
    %shift_right_arithmetic3A_80 = arith.shrsi %squeeze3A_63, %shift_right_arithmetic3A_79 : i32
    %shift_left3A_81 = arith.constant 3 : i32
    %shift_left3A_82 = arith.shli %shift_right_arithmetic3A_80, %shift_left3A_81 : i32
    %multiple_of3A_83 = tpu.assume_multiple %shift_left3A_82, 8 : i32
    %multiple_of3A_84 = arith.constant 8 : i32
    %multiple_of3A_85 = tpu.assume_multiple %multiple_of3A_84, 8 : i32
    %dma_start3A_86 = arith.constant 0 : i32
    %dma_start3A_87 = tpu.memref_slice %arg11[%multiple_of3A_85, %dma_start3A_86] : memref<64x32xf32, #tpu.memory_space<vmem>> -> memref<8x32xf32, #tpu.memory_space<vmem>>
    %dma_start3A_88 = arith.constant 0 : i32
    %dma_start3A_89 = tpu.memref_slice %arg5[%multiple_of3A_83, %dma_start3A_88] : memref<100001x32xf32, #tpu.memory_space<hbm>> -> memref<8x32xf32, #tpu.memory_space<hbm>>
    %dma_start3A_90 = arith.constant 0 : i32
    %dma_start3A_91 = tpu.memref_slice %arg11[%multiple_of3A_85, %dma_start3A_90] : memref<64x32xf32, #tpu.memory_space<vmem>> -> memref<8x32xf32, #tpu.memory_space<vmem>>
    %dma_start3A_92 = arith.constant 0 : i32
    %dma_start3A_93 = tpu.memref_slice %arg5[%multiple_of3A_83, %dma_start3A_92] : memref<100001x32xf32, #tpu.memory_space<hbm>> -> memref<8x32xf32, #tpu.memory_space<hbm>>
    tpu.enqueue_dma source(%dma_start3A_93 : memref<8x32xf32, #tpu.memory_space<hbm>>) target(%dma_start3A_91 : memref<8x32xf32, #tpu.memory_space<vmem>>) target_semaphore(%arg17 : memref<!tpu.dma_semaphore, #tpu.memory_space<semaphore_mem>>)
    %slice3A_94 = vector.extract_strided_slice %get3A_28 {offsets = [2], sizes = [1], strides = [1]} : vector<16xi32> to vector<1xi32>
    %squeeze3A_95 = vector.extract %slice3A_94[0] : i32 from vector<1xi32>
    %slice3A_96 = vector.extract_strided_slice %get3A_30 {offsets = [2], sizes = [1], strides = [1]} : vector<16xi32> to vector<1xi32>
    %squeeze3A_97 = vector.extract %slice3A_96[0] : i32 from vector<1xi32>
    %shift_right_arithmetic3A_98 = arith.constant 7 : i32
    %shift_right_arithmetic3A_99 = arith.shrsi %squeeze3A_95, %shift_right_arithmetic3A_98 : i32
    %shift_left3A_100 = arith.constant 7 : i32
    %shift_left3A_101 = arith.shli %shift_right_arithmetic3A_99, %shift_left3A_100 : i32
    %multiple_of3A_102 = tpu.assume_multiple %shift_left3A_101, 128 : i32
    %multiple_of3A_103 = arith.constant 64 : i32
    %multiple_of3A_104 = tpu.assume_multiple %multiple_of3A_103, 8 : i32
    %dma_start3A_105 = arith.constant 0 : i32
    %dma_start3A_106 = tpu.memref_slice %arg9[%multiple_of3A_104, %dma_start3A_105] : memref<256x128xf32, #tpu.memory_space<vmem>> -> memref<32x128xf32, #tpu.memory_space<vmem>>
    %dma_start3A_107 = arith.constant 0 : i32
    %dma_start3A_108 = tpu.memref_slice %arg4[%dma_start3A_107, %multiple_of3A_102] : memref<32x1000001xf32, #tpu.memory_space<hbm>> -> memref<32x128xf32, #tpu.memory_space<hbm>>
    %dma_start3A_109 = arith.constant 0 : i32
    %dma_start3A_110 = tpu.memref_slice %arg9[%multiple_of3A_104, %dma_start3A_109] : memref<256x128xf32, #tpu.memory_space<vmem>> -> memref<32x128xf32, #tpu.memory_space<vmem>>
    %dma_start3A_111 = arith.constant 0 : i32
    %dma_start3A_112 = tpu.memref_slice %arg4[%dma_start3A_111, %multiple_of3A_102] : memref<32x1000001xf32, #tpu.memory_space<hbm>> -> memref<32x128xf32, #tpu.memory_space<hbm>>
    tpu.enqueue_dma source(%dma_start3A_112 : memref<32x128xf32, #tpu.memory_space<hbm>>) target(%dma_start3A_110 : memref<32x128xf32, #tpu.memory_space<vmem>>) target_semaphore(%arg15 : memref<!tpu.dma_semaphore, #tpu.memory_space<semaphore_mem>>)
    %shift_right_arithmetic3A_113 = arith.constant 3 : i32
    %shift_right_arithmetic3A_114 = arith.shrsi %squeeze3A_97, %shift_right_arithmetic3A_113 : i32
    %shift_left3A_115 = arith.constant 3 : i32
    %shift_left3A_116 = arith.shli %shift_right_arithmetic3A_114, %shift_left3A_115 : i32
    %multiple_of3A_117 = tpu.assume_multiple %shift_left3A_116, 8 : i32
    %multiple_of3A_118 = arith.constant 16 : i32
    %multiple_of3A_119 = tpu.assume_multiple %multiple_of3A_118, 8 : i32
    %dma_start3A_120 = arith.constant 0 : i32
    %dma_start3A_121 = tpu.memref_slice %arg11[%multiple_of3A_119, %dma_start3A_120] : memref<64x32xf32, #tpu.memory_space<vmem>> -> memref<8x32xf32, #tpu.memory_space<vmem>>
    %dma_start3A_122 = arith.constant 0 : i32
    %dma_start3A_123 = tpu.memref_slice %arg5[%multiple_of3A_117, %dma_start3A_122] : memref<100001x32xf32, #tpu.memory_space<hbm>> -> memref<8x32xf32, #tpu.memory_space<hbm>>
    %dma_start3A_124 = arith.constant 0 : i32
    %dma_start3A_125 = tpu.memref_slice %arg11[%multiple_of3A_119, %dma_start3A_124] : memref<64x32xf32, #tpu.memory_space<vmem>> -> memref<8x32xf32, #tpu.memory_space<vmem>>
    %dma_start3A_126 = arith.constant 0 : i32
    %dma_start3A_127 = tpu.memref_slice %arg5[%multiple_of3A_117, %dma_start3A_126] : memref<100001x32xf32, #tpu.memory_space<hbm>> -> memref<8x32xf32, #tpu.memory_space<hbm>>
    tpu.enqueue_dma source(%dma_start3A_127 : memref<8x32xf32, #tpu.memory_space<hbm>>) target(%dma_start3A_125 : memref<8x32xf32, #tpu.memory_space<vmem>>) target_semaphore(%arg17 : memref<!tpu.dma_semaphore, #tpu.memory_space<semaphore_mem>>)
    %slice3A_128 = vector.extract_strided_slice %get3A_28 {offsets = [3], sizes = [1], strides = [1]} : vector<16xi32> to vector<1xi32>
    %squeeze3A_129 = vector.extract %slice3A_128[0] : i32 from vector<1xi32>
    %slice3A_130 = vector.extract_strided_slice %get3A_30 {offsets = [3], sizes = [1], strides = [1]} : vector<16xi32> to vector<1xi32>
    %squeeze3A_131 = vector.extract %slice3A_130[0] : i32 from vector<1xi32>
    %shift_right_arithmetic3A_132 = arith.constant 7 : i32
    %shift_right_arithmetic3A_133 = arith.shrsi %squeeze3A_129, %shift_right_arithmetic3A_132 : i32
    %shift_left3A_134 = arith.constant 7 : i32
    %shift_left3A_135 = arith.shli %shift_right_arithmetic3A_133, %shift_left3A_134 : i32
    %multiple_of3A_136 = tpu.assume_multiple %shift_left3A_135, 128 : i32
    %multiple_of3A_137 = arith.constant 96 : i32
    %multiple_of3A_138 = tpu.assume_multiple %multiple_of3A_137, 8 : i32
    %dma_start3A_139 = arith.constant 0 : i32
    %dma_start3A_140 = tpu.memref_slice %arg9[%multiple_of3A_138, %dma_start3A_139] : memref<256x128xf32, #tpu.memory_space<vmem>> -> memref<32x128xf32, #tpu.memory_space<vmem>>
    %dma_start3A_141 = arith.constant 0 : i32
    %dma_start3A_142 = tpu.memref_slice %arg4[%dma_start3A_141, %multiple_of3A_136] : memref<32x1000001xf32, #tpu.memory_space<hbm>> -> memref<32x128xf32, #tpu.memory_space<hbm>>
    %dma_start3A_143 = arith.constant 0 : i32
    %dma_start3A_144 = tpu.memref_slice %arg9[%multiple_of3A_138, %dma_start3A_143] : memref<256x128xf32, #tpu.memory_space<vmem>> -> memref<32x128xf32, #tpu.memory_space<vmem>>
    %dma_start3A_145 = arith.constant 0 : i32
    %dma_start3A_146 = tpu.memref_slice %arg4[%dma_start3A_145, %multiple_of3A_136] : memref<32x1000001xf32, #tpu.memory_space<hbm>> -> memref<32x128xf32, #tpu.memory_space<hbm>>
    tpu.enqueue_dma source(%dma_start3A_146 : memref<32x128xf32, #tpu.memory_space<hbm>>) target(%dma_start3A_144 : memref<32x128xf32, #tpu.memory_space<vmem>>) target_semaphore(%arg15 : memref<!tpu.dma_semaphore, #tpu.memory_space<semaphore_mem>>)
    %shift_right_arithmetic3A_147 = arith.constant 3 : i32
    %shift_right_arithmetic3A_148 = arith.shrsi %squeeze3A_131, %shift_right_arithmetic3A_147 : i32
    %shift_left3A_149 = arith.constant 3 : i32
    %shift_left3A_150 = arith.shli %shift_right_arithmetic3A_148, %shift_left3A_149 : i32
    %multiple_of3A_151 = tpu.assume_multiple %shift_left3A_150, 8 : i32
    %multiple_of3A_152 = arith.constant 24 : i32
    %multiple_of3A_153 = tpu.assume_multiple %multiple_of3A_152, 8 : i32
    %dma_start3A_154 = arith.constant 0 : i32
    %dma_start3A_155 = tpu.memref_slice %arg11[%multiple_of3A_153, %dma_start3A_154] : memref<64x32xf32, #tpu.memory_space<vmem>> -> memref<8x32xf32, #tpu.memory_space<vmem>>
    %dma_start3A_156 = arith.constant 0 : i32
    %dma_start3A_157 = tpu.memref_slice %arg5[%multiple_of3A_151, %dma_start3A_156] : memref<100001x32xf32, #tpu.memory_space<hbm>> -> memref<8x32xf32, #tpu.memory_space<hbm>>
    %dma_start3A_158 = arith.constant 0 : i32
    %dma_start3A_159 = tpu.memref_slice %arg11[%multiple_of3A_153, %dma_start3A_158] : memref<64x32xf32, #tpu.memory_space<vmem>> -> memref<8x32xf32, #tpu.memory_space<vmem>>
    %dma_start3A_160 = arith.constant 0 : i32
    %dma_start3A_161 = tpu.memref_slice %arg5[%multiple_of3A_151, %dma_start3A_160] : memref<100001x32xf32, #tpu.memory_space<hbm>> -> memref<8x32xf32, #tpu.memory_space<hbm>>
    tpu.enqueue_dma source(%dma_start3A_161 : memref<8x32xf32, #tpu.memory_space<hbm>>) target(%dma_start3A_159 : memref<8x32xf32, #tpu.memory_space<vmem>>) target_semaphore(%arg17 : memref<!tpu.dma_semaphore, #tpu.memory_space<semaphore_mem>>)
    %slice3A_162 = vector.extract_strided_slice %get3A_28 {offsets = [4], sizes = [1], strides = [1]} : vector<16xi32> to vector<1xi32>
    %squeeze3A_163 = vector.extract %slice3A_162[0] : i32 from vector<1xi32>
    %slice3A_164 = vector.extract_strided_slice %get3A_30 {offsets = [4], sizes = [1], strides = [1]} : vector<16xi32> to vector<1xi32>
    %squeeze3A_165 = vector.extract %slice3A_164[0] : i32 from vector<1xi32>
    %shift_right_arithmetic3A_166 = arith.constant 7 : i32
    %shift_right_arithmetic3A_167 = arith.shrsi %squeeze3A_163, %shift_right_arithmetic3A_166 : i32
    %shift_left3A_168 = arith.constant 7 : i32
    %shift_left3A_169 = arith.shli %shift_right_arithmetic3A_167, %shift_left3A_168 : i32
    %multiple_of3A_170 = tpu.assume_multiple %shift_left3A_169, 128 : i32
    %multiple_of3A_171 = arith.constant 128 : i32
    %multiple_of3A_172 = tpu.assume_multiple %multiple_of3A_171, 8 : i32
    %dma_start3A_173 = arith.constant 0 : i32
    %dma_start3A_174 = tpu.memref_slice %arg9[%multiple_of3A_172, %dma_start3A_173] : memref<256x128xf32, #tpu.memory_space<vmem>> -> memref<32x128xf32, #tpu.memory_space<vmem>>
    %dma_start3A_175 = arith.constant 0 : i32
    %dma_start3A_176 = tpu.memref_slice %arg4[%dma_start3A_175, %multiple_of3A_170] : memref<32x1000001xf32, #tpu.memory_space<hbm>> -> memref<32x128xf32, #tpu.memory_space<hbm>>
    %dma_start3A_177 = arith.constant 0 : i32
    %dma_start3A_178 = tpu.memref_slice %arg9[%multiple_of3A_172, %dma_start3A_177] : memref<256x128xf32, #tpu.memory_space<vmem>> -> memref<32x128xf32, #tpu.memory_space<vmem>>
    %dma_start3A_179 = arith.constant 0 : i32
    %dma_start3A_180 = tpu.memref_slice %arg4[%dma_start3A_179, %multiple_of3A_170] : memref<32x1000001xf32, #tpu.memory_space<hbm>> -> memref<32x128xf32, #tpu.memory_space<hbm>>
    tpu.enqueue_dma source(%dma_start3A_180 : memref<32x128xf32, #tpu.memory_space<hbm>>) target(%dma_start3A_178 : memref<32x128xf32, #tpu.memory_space<vmem>>) target_semaphore(%arg15 : memref<!tpu.dma_semaphore, #tpu.memory_space<semaphore_mem>>)
    %shift_right_arithmetic3A_181 = arith.constant 3 : i32
    %shift_right_arithmetic3A_182 = arith.shrsi %squeeze3A_165, %shift_right_arithmetic3A_181 : i32
    %shift_left3A_183 = arith.constant 3 : i32
    %shift_left3A_184 = arith.shli %shift_right_arithmetic3A_182, %shift_left3A_183 : i32
    %multiple_of3A_185 = tpu.assume_multiple %shift_left3A_184, 8 : i32
    %multiple_of3A_186 = arith.constant 32 : i32
    %multiple_of3A_187 = tpu.assume_multiple %multiple_of3A_186, 8 : i32
    %dma_start3A_188 = arith.constant 0 : i32
    %dma_start3A_189 = tpu.memref_slice %arg11[%multiple_of3A_187, %dma_start3A_188] : memref<64x32xf32, #tpu.memory_space<vmem>> -> memref<8x32xf32, #tpu.memory_space<vmem>>
    %dma_start3A_190 = arith.constant 0 : i32
    %dma_start3A_191 = tpu.memref_slice %arg5[%multiple_of3A_185, %dma_start3A_190] : memref<100001x32xf32, #tpu.memory_space<hbm>> -> memref<8x32xf32, #tpu.memory_space<hbm>>
    %dma_start3A_192 = arith.constant 0 : i32
    %dma_start3A_193 = tpu.memref_slice %arg11[%multiple_of3A_187, %dma_start3A_192] : memref<64x32xf32, #tpu.memory_space<vmem>> -> memref<8x32xf32, #tpu.memory_space<vmem>>
    %dma_start3A_194 = arith.constant 0 : i32
    %dma_start3A_195 = tpu.memref_slice %arg5[%multiple_of3A_185, %dma_start3A_194] : memref<100001x32xf32, #tpu.memory_space<hbm>> -> memref<8x32xf32, #tpu.memory_space<hbm>>
    tpu.enqueue_dma source(%dma_start3A_195 : memref<8x32xf32, #tpu.memory_space<hbm>>) target(%dma_start3A_193 : memref<8x32xf32, #tpu.memory_space<vmem>>) target_semaphore(%arg17 : memref<!tpu.dma_semaphore, #tpu.memory_space<semaphore_mem>>)
    %slice3A_196 = vector.extract_strided_slice %get3A_28 {offsets = [5], sizes = [1], strides = [1]} : vector<16xi32> to vector<1xi32>
    %squeeze3A_197 = vector.extract %slice3A_196[0] : i32 from vector<1xi32>
    %slice3A_198 = vector.extract_strided_slice %get3A_30 {offsets = [5], sizes = [1], strides = [1]} : vector<16xi32> to vector<1xi32>
    %squeeze3A_199 = vector.extract %slice3A_198[0] : i32 from vector<1xi32>
    %shift_right_arithmetic3A_200 = arith.constant 7 : i32
    %shift_right_arithmetic3A_201 = arith.shrsi %squeeze3A_197, %shift_right_arithmetic3A_200 : i32
    %shift_left3A_202 = arith.constant 7 : i32
    %shift_left3A_203 = arith.shli %shift_right_arithmetic3A_201, %shift_left3A_202 : i32
    %multiple_of3A_204 = tpu.assume_multiple %shift_left3A_203, 128 : i32
    %multiple_of3A_205 = arith.constant 160 : i32
    %multiple_of3A_206 = tpu.assume_multiple %multiple_of3A_205, 8 : i32
    %dma_start3A_207 = arith.constant 0 : i32
    %dma_start3A_208 = tpu.memref_slice %arg9[%multiple_of3A_206, %dma_start3A_207] : memref<256x128xf32, #tpu.memory_space<vmem>> -> memref<32x128xf32, #tpu.memory_space<vmem>>
    %dma_start3A_209 = arith.constant 0 : i32
    %dma_start3A_210 = tpu.memref_slice %arg4[%dma_start3A_209, %multiple_of3A_204] : memref<32x1000001xf32, #tpu.memory_space<hbm>> -> memref<32x128xf32, #tpu.memory_space<hbm>>
    %dma_start3A_211 = arith.constant 0 : i32
    %dma_start3A_212 = tpu.memref_slice %arg9[%multiple_of3A_206, %dma_start3A_211] : memref<256x128xf32, #tpu.memory_space<vmem>> -> memref<32x128xf32, #tpu.memory_space<vmem>>
    %dma_start3A_213 = arith.constant 0 : i32
    %dma_start3A_214 = tpu.memref_slice %arg4[%dma_start3A_213, %multiple_of3A_204] : memref<32x1000001xf32, #tpu.memory_space<hbm>> -> memref<32x128xf32, #tpu.memory_space<hbm>>
    tpu.enqueue_dma source(%dma_start3A_214 : memref<32x128xf32, #tpu.memory_space<hbm>>) target(%dma_start3A_212 : memref<32x128xf32, #tpu.memory_space<vmem>>) target_semaphore(%arg15 : memref<!tpu.dma_semaphore, #tpu.memory_space<semaphore_mem>>)
    %shift_right_arithmetic3A_215 = arith.constant 3 : i32
    %shift_right_arithmetic3A_216 = arith.shrsi %squeeze3A_199, %shift_right_arithmetic3A_215 : i32
    %shift_left3A_217 = arith.constant 3 : i32
    %shift_left3A_218 = arith.shli %shift_right_arithmetic3A_216, %shift_left3A_217 : i32
    %multiple_of3A_219 = tpu.assume_multiple %shift_left3A_218, 8 : i32
    %multiple_of3A_220 = arith.constant 40 : i32
    %multiple_of3A_221 = tpu.assume_multiple %multiple_of3A_220, 8 : i32
    %dma_start3A_222 = arith.constant 0 : i32
    %dma_start3A_223 = tpu.memref_slice %arg11[%multiple_of3A_221, %dma_start3A_222] : memref<64x32xf32, #tpu.memory_space<vmem>> -> memref<8x32xf32, #tpu.memory_space<vmem>>
    %dma_start3A_224 = arith.constant 0 : i32
    %dma_start3A_225 = tpu.memref_slice %arg5[%multiple_of3A_219, %dma_start3A_224] : memref<100001x32xf32, #tpu.memory_space<hbm>> -> memref<8x32xf32, #tpu.memory_space<hbm>>
    %dma_start3A_226 = arith.constant 0 : i32
    %dma_start3A_227 = tpu.memref_slice %arg11[%multiple_of3A_221, %dma_start3A_226] : memref<64x32xf32, #tpu.memory_space<vmem>> -> memref<8x32xf32, #tpu.memory_space<vmem>>
    %dma_start3A_228 = arith.constant 0 : i32
    %dma_start3A_229 = tpu.memref_slice %arg5[%multiple_of3A_219, %dma_start3A_228] : memref<100001x32xf32, #tpu.memory_space<hbm>> -> memref<8x32xf32, #tpu.memory_space<hbm>>
    tpu.enqueue_dma source(%dma_start3A_229 : memref<8x32xf32, #tpu.memory_space<hbm>>) target(%dma_start3A_227 : memref<8x32xf32, #tpu.memory_space<vmem>>) target_semaphore(%arg17 : memref<!tpu.dma_semaphore, #tpu.memory_space<semaphore_mem>>)
    %slice3A_230 = vector.extract_strided_slice %get3A_28 {offsets = [6], sizes = [1], strides = [1]} : vector<16xi32> to vector<1xi32>
    %squeeze3A_231 = vector.extract %slice3A_230[0] : i32 from vector<1xi32>
    %slice3A_232 = vector.extract_strided_slice %get3A_30 {offsets = [6], sizes = [1], strides = [1]} : vector<16xi32> to vector<1xi32>
    %squeeze3A_233 = vector.extract %slice3A_232[0] : i32 from vector<1xi32>
    %shift_right_arithmetic3A_234 = arith.constant 7 : i32
    %shift_right_arithmetic3A_235 = arith.shrsi %squeeze3A_231, %shift_right_arithmetic3A_234 : i32
    %shift_left3A_236 = arith.constant 7 : i32
    %shift_left3A_237 = arith.shli %shift_right_arithmetic3A_235, %shift_left3A_236 : i32
    %multiple_of3A_238 = tpu.assume_multiple %shift_left3A_237, 128 : i32
    %multiple_of3A_239 = arith.constant 192 : i32
    %multiple_of3A_240 = tpu.assume_multiple %multiple_of3A_239, 8 : i32
    %dma_start3A_241 = arith.constant 0 : i32
    %dma_start3A_242 = tpu.memref_slice %arg9[%multiple_of3A_240, %dma_start3A_241] : memref<256x128xf32, #tpu.memory_space<vmem>> -> memref<32x128xf32, #tpu.memory_space<vmem>>
    %dma_start3A_243 = arith.constant 0 : i32
    %dma_start3A_244 = tpu.memref_slice %arg4[%dma_start3A_243, %multiple_of3A_238] : memref<32x1000001xf32, #tpu.memory_space<hbm>> -> memref<32x128xf32, #tpu.memory_space<hbm>>
    %dma_start3A_245 = arith.constant 0 : i32
    %dma_start3A_246 = tpu.memref_slice %arg9[%multiple_of3A_240, %dma_start3A_245] : memref<256x128xf32, #tpu.memory_space<vmem>> -> memref<32x128xf32, #tpu.memory_space<vmem>>
    %dma_start3A_247 = arith.constant 0 : i32
    %dma_start3A_248 = tpu.memref_slice %arg4[%dma_start3A_247, %multiple_of3A_238] : memref<32x1000001xf32, #tpu.memory_space<hbm>> -> memref<32x128xf32, #tpu.memory_space<hbm>>
    tpu.enqueue_dma source(%dma_start3A_248 : memref<32x128xf32, #tpu.memory_space<hbm>>) target(%dma_start3A_246 : memref<32x128xf32, #tpu.memory_space<vmem>>) target_semaphore(%arg15 : memref<!tpu.dma_semaphore, #tpu.memory_space<semaphore_mem>>)
    %shift_right_arithmetic3A_249 = arith.constant 3 : i32
    %shift_right_arithmetic3A_250 = arith.shrsi %squeeze3A_233, %shift_right_arithmetic3A_249 : i32
    %shift_left3A_251 = arith.constant 3 : i32
    %shift_left3A_252 = arith.shli %shift_right_arithmetic3A_250, %shift_left3A_251 : i32
    %multiple_of3A_253 = tpu.assume_multiple %shift_left3A_252, 8 : i32
    %multiple_of3A_254 = arith.constant 48 : i32
    %multiple_of3A_255 = tpu.assume_multiple %multiple_of3A_254, 8 : i32
    %dma_start3A_256 = arith.constant 0 : i32
    %dma_start3A_257 = tpu.memref_slice %arg11[%multiple_of3A_255, %dma_start3A_256] : memref<64x32xf32, #tpu.memory_space<vmem>> -> memref<8x32xf32, #tpu.memory_space<vmem>>
    %dma_start3A_258 = arith.constant 0 : i32
    %dma_start3A_259 = tpu.memref_slice %arg5[%multiple_of3A_253, %dma_start3A_258] : memref<100001x32xf32, #tpu.memory_space<hbm>> -> memref<8x32xf32, #tpu.memory_space<hbm>>
    %dma_start3A_260 = arith.constant 0 : i32
    %dma_start3A_261 = tpu.memref_slice %arg11[%multiple_of3A_255, %dma_start3A_260] : memref<64x32xf32, #tpu.memory_space<vmem>> -> memref<8x32xf32, #tpu.memory_space<vmem>>
    %dma_start3A_262 = arith.constant 0 : i32
    %dma_start3A_263 = tpu.memref_slice %arg5[%multiple_of3A_253, %dma_start3A_262] : memref<100001x32xf32, #tpu.memory_space<hbm>> -> memref<8x32xf32, #tpu.memory_space<hbm>>
    tpu.enqueue_dma source(%dma_start3A_263 : memref<8x32xf32, #tpu.memory_space<hbm>>) target(%dma_start3A_261 : memref<8x32xf32, #tpu.memory_space<vmem>>) target_semaphore(%arg17 : memref<!tpu.dma_semaphore, #tpu.memory_space<semaphore_mem>>)
    %slice3A_264 = vector.extract_strided_slice %get3A_28 {offsets = [7], sizes = [1], strides = [1]} : vector<16xi32> to vector<1xi32>
    %squeeze3A_265 = vector.extract %slice3A_264[0] : i32 from vector<1xi32>
    %slice3A_266 = vector.extract_strided_slice %get3A_30 {offsets = [7], sizes = [1], strides = [1]} : vector<16xi32> to vector<1xi32>
    %squeeze3A_267 = vector.extract %slice3A_266[0] : i32 from vector<1xi32>
    %shift_right_arithmetic3A_268 = arith.constant 7 : i32
    %shift_right_arithmetic3A_269 = arith.shrsi %squeeze3A_265, %shift_right_arithmetic3A_268 : i32
    %shift_left3A_270 = arith.constant 7 : i32
    %shift_left3A_271 = arith.shli %shift_right_arithmetic3A_269, %shift_left3A_270 : i32
    %multiple_of3A_272 = tpu.assume_multiple %shift_left3A_271, 128 : i32
    %multiple_of3A_273 = arith.constant 224 : i32
    %multiple_of3A_274 = tpu.assume_multiple %multiple_of3A_273, 8 : i32
    %dma_start3A_275 = arith.constant 0 : i32
    %dma_start3A_276 = tpu.memref_slice %arg9[%multiple_of3A_274, %dma_start3A_275] : memref<256x128xf32, #tpu.memory_space<vmem>> -> memref<32x128xf32, #tpu.memory_space<vmem>>
    %dma_start3A_277 = arith.constant 0 : i32
    %dma_start3A_278 = tpu.memref_slice %arg4[%dma_start3A_277, %multiple_of3A_272] : memref<32x1000001xf32, #tpu.memory_space<hbm>> -> memref<32x128xf32, #tpu.memory_space<hbm>>
    %dma_start3A_279 = arith.constant 0 : i32
    %dma_start3A_280 = tpu.memref_slice %arg9[%multiple_of3A_274, %dma_start3A_279] : memref<256x128xf32, #tpu.memory_space<vmem>> -> memref<32x128xf32, #tpu.memory_space<vmem>>
    %dma_start3A_281 = arith.constant 0 : i32
    %dma_start3A_282 = tpu.memref_slice %arg4[%dma_start3A_281, %multiple_of3A_272] : memref<32x1000001xf32, #tpu.memory_space<hbm>> -> memref<32x128xf32, #tpu.memory_space<hbm>>
    tpu.enqueue_dma source(%dma_start3A_282 : memref<32x128xf32, #tpu.memory_space<hbm>>) target(%dma_start3A_280 : memref<32x128xf32, #tpu.memory_space<vmem>>) target_semaphore(%arg15 : memref<!tpu.dma_semaphore, #tpu.memory_space<semaphore_mem>>)
    %shift_right_arithmetic3A_283 = arith.constant 3 : i32
    %shift_right_arithmetic3A_284 = arith.shrsi %squeeze3A_267, %shift_right_arithmetic3A_283 : i32
    %shift_left3A_285 = arith.constant 3 : i32
    %shift_left3A_286 = arith.shli %shift_right_arithmetic3A_284, %shift_left3A_285 : i32
    %multiple_of3A_287 = tpu.assume_multiple %shift_left3A_286, 8 : i32
    %multiple_of3A_288 = arith.constant 56 : i32
    %multiple_of3A_289 = tpu.assume_multiple %multiple_of3A_288, 8 : i32
    %dma_start3A_290 = arith.constant 0 : i32
    %dma_start3A_291 = tpu.memref_slice %arg11[%multiple_of3A_289, %dma_start3A_290] : memref<64x32xf32, #tpu.memory_space<vmem>> -> memref<8x32xf32, #tpu.memory_space<vmem>>
    %dma_start3A_292 = arith.constant 0 : i32
    %dma_start3A_293 = tpu.memref_slice %arg5[%multiple_of3A_287, %dma_start3A_292] : memref<100001x32xf32, #tpu.memory_space<hbm>> -> memref<8x32xf32, #tpu.memory_space<hbm>>
    %dma_start3A_294 = arith.constant 0 : i32
    %dma_start3A_295 = tpu.memref_slice %arg11[%multiple_of3A_289, %dma_start3A_294] : memref<64x32xf32, #tpu.memory_space<vmem>> -> memref<8x32xf32, #tpu.memory_space<vmem>>
    %dma_start3A_296 = arith.constant 0 : i32
    %dma_start3A_297 = tpu.memref_slice %arg5[%multiple_of3A_287, %dma_start3A_296] : memref<100001x32xf32, #tpu.memory_space<hbm>> -> memref<8x32xf32, #tpu.memory_space<hbm>>
    tpu.enqueue_dma source(%dma_start3A_297 : memref<8x32xf32, #tpu.memory_space<hbm>>) target(%dma_start3A_295 : memref<8x32xf32, #tpu.memory_space<vmem>>) target_semaphore(%arg17 : memref<!tpu.dma_semaphore, #tpu.memory_space<semaphore_mem>>)
    %scan3A = arith.constant 0 : i32
    %scan3A_298 = arith.constant 9.99999996E-13 : f32
    %scan3A_299 = arith.constant 0 : i32
    %scan3A_300 = arith.constant 32 : i32
    %scan3A_301 = arith.addi %scan3A_299, %scan3A_300 : i32
    %scan3A_302 = arith.constant 1 : i32
    scf.for %scan3A_304 = %scan3A_299 to %scan3A_301 step %scan3A_302  : i32 {
      %mul3A_305 = arith.constant 2 : i32
      %mul3A_306 = arith.muli %scan3A_304, %mul3A_305 : i32
      %add3A_307 = arith.constant 1 : i32
      %add3A_308 = arith.addi %mul3A_306, %add3A_307 : i32
      %mul3A_309 = arith.constant 8 : i32
      %mul3A_310 = arith.muli %add3A_308, %mul3A_309 : i32
      %get3A_311 = arith.index_cast %mul3A_310 : i32 to index
      %get3A_312 = tpu.vector_load %arg7[%get3A_311] {strides = array<i32>} : memref<528xi32, #tpu.memory_space<vmem>>, vector<16xi32>,
      %mul3A_313 = arith.constant 8 : i32
      %mul3A_314 = arith.muli %add3A_308, %mul3A_313 : i32
      %get3A_315 = arith.index_cast %mul3A_314 : i32 to index
      %get3A_316 = tpu.vector_load %arg8[%get3A_315] {strides = array<i32>} : memref<528xi32, #tpu.memory_space<vmem>>, vector<16xi32>,
      %slice3A_317 = vector.extract_strided_slice %get3A_312 {offsets = [0], sizes = [1], strides = [1]} : vector<16xi32> to vector<1xi32>
      %squeeze3A_318 = vector.extract %slice3A_317[0] : i32 from vector<1xi32>
      %slice3A_319 = vector.extract_strided_slice %get3A_316 {offsets = [0], sizes = [1], strides = [1]} : vector<16xi32> to vector<1xi32>
      %squeeze3A_320 = vector.extract %slice3A_319[0] : i32 from vector<1xi32>
      %shift_right_arithmetic3A_321 = arith.constant 7 : i32
      %shift_right_arithmetic3A_322 = arith.shrsi %squeeze3A_318, %shift_right_arithmetic3A_321 : i32
      %shift_left3A_323 = arith.constant 7 : i32
      %shift_left3A_324 = arith.shli %shift_right_arithmetic3A_322, %shift_left3A_323 : i32
      %multiple_of3A_325 = tpu.assume_multiple %shift_left3A_324, 128 : i32
      %multiple_of3A_326 = arith.constant 0 : i32
      %multiple_of3A_327 = tpu.assume_multiple %multiple_of3A_326, 8 : i32
      %dma_start3A_328 = arith.constant 0 : i32
      %dma_start3A_329 = tpu.memref_slice %arg10[%multiple_of3A_327, %dma_start3A_328] : memref<256x128xf32, #tpu.memory_space<vmem>> -> memref<32x128xf32, #tpu.memory_space<vmem>>
      %dma_start3A_330 = arith.constant 0 : i32
      %dma_start3A_331 = tpu.memref_slice %arg4[%dma_start3A_330, %multiple_of3A_325] : memref<32x1000001xf32, #tpu.memory_space<hbm>> -> memref<32x128xf32, #tpu.memory_space<hbm>>
      %dma_start3A_332 = arith.constant 0 : i32
      %dma_start3A_333 = tpu.memref_slice %arg10[%multiple_of3A_327, %dma_start3A_332] : memref<256x128xf32, #tpu.memory_space<vmem>> -> memref<32x128xf32, #tpu.memory_space<vmem>>
      %dma_start3A_334 = arith.constant 0 : i32
      %dma_start3A_335 = tpu.memref_slice %arg4[%dma_start3A_334, %multiple_of3A_325] : memref<32x1000001xf32, #tpu.memory_space<hbm>> -> memref<32x128xf32, #tpu.memory_space<hbm>>
      tpu.enqueue_dma source(%dma_start3A_335 : memref<32x128xf32, #tpu.memory_space<hbm>>) target(%dma_start3A_333 : memref<32x128xf32, #tpu.memory_space<vmem>>) target_semaphore(%arg16 : memref<!tpu.dma_semaphore, #tpu.memory_space<semaphore_mem>>)
      %shift_right_arithmetic3A_336 = arith.constant 3 : i32
      %shift_right_arithmetic3A_337 = arith.shrsi %squeeze3A_320, %shift_right_arithmetic3A_336 : i32
      %shift_left3A_338 = arith.constant 3 : i32
      %shift_left3A_339 = arith.shli %shift_right_arithmetic3A_337, %shift_left3A_338 : i32
      %multiple_of3A_340 = tpu.assume_multiple %shift_left3A_339, 8 : i32
      %multiple_of3A_341 = arith.constant 0 : i32
      %multiple_of3A_342 = tpu.assume_multiple %multiple_of3A_341, 8 : i32
      %dma_start3A_343 = arith.constant 0 : i32
      %dma_start3A_344 = tpu.memref_slice %arg12[%multiple_of3A_342, %dma_start3A_343] : memref<64x32xf32, #tpu.memory_space<vmem>> -> memref<8x32xf32, #tpu.memory_space<vmem>>
      %dma_start3A_345 = arith.constant 0 : i32
      %dma_start3A_346 = tpu.memref_slice %arg5[%multiple_of3A_340, %dma_start3A_345] : memref<100001x32xf32, #tpu.memory_space<hbm>> -> memref<8x32xf32, #tpu.memory_space<hbm>>
      %dma_start3A_347 = arith.constant 0 : i32
      %dma_start3A_348 = tpu.memref_slice %arg12[%multiple_of3A_342, %dma_start3A_347] : memref<64x32xf32, #tpu.memory_space<vmem>> -> memref<8x32xf32, #tpu.memory_space<vmem>>
      %dma_start3A_349 = arith.constant 0 : i32
      %dma_start3A_350 = tpu.memref_slice %arg5[%multiple_of3A_340, %dma_start3A_349] : memref<100001x32xf32, #tpu.memory_space<hbm>> -> memref<8x32xf32, #tpu.memory_space<hbm>>
      tpu.enqueue_dma source(%dma_start3A_350 : memref<8x32xf32, #tpu.memory_space<hbm>>) target(%dma_start3A_348 : memref<8x32xf32, #tpu.memory_space<vmem>>) target_semaphore(%arg18 : memref<!tpu.dma_semaphore, #tpu.memory_space<semaphore_mem>>)
      %slice3A_351 = vector.extract_strided_slice %get3A_312 {offsets = [1], sizes = [1], strides = [1]} : vector<16xi32> to vector<1xi32>
      %squeeze3A_352 = vector.extract %slice3A_351[0] : i32 from vector<1xi32>
      %slice3A_353 = vector.extract_strided_slice %get3A_316 {offsets = [1], sizes = [1], strides = [1]} : vector<16xi32> to vector<1xi32>
      %squeeze3A_354 = vector.extract %slice3A_353[0] : i32 from vector<1xi32>
      %shift_right_arithmetic3A_355 = arith.constant 7 : i32
      %shift_right_arithmetic3A_356 = arith.shrsi %squeeze3A_352, %shift_right_arithmetic3A_355 : i32
      %shift_left3A_357 = arith.constant 7 : i32
      %shift_left3A_358 = arith.shli %shift_right_arithmetic3A_356, %shift_left3A_357 : i32
      %multiple_of3A_359 = tpu.assume_multiple %shift_left3A_358, 128 : i32
      %multiple_of3A_360 = arith.constant 32 : i32
      %multiple_of3A_361 = tpu.assume_multiple %multiple_of3A_360, 8 : i32
      %dma_start3A_362 = arith.constant 0 : i32
      %dma_start3A_363 = tpu.memref_slice %arg10[%multiple_of3A_361, %dma_start3A_362] : memref<256x128xf32, #tpu.memory_space<vmem>> -> memref<32x128xf32, #tpu.memory_space<vmem>>
      %dma_start3A_364 = arith.constant 0 : i32
      %dma_start3A_365 = tpu.memref_slice %arg4[%dma_start3A_364, %multiple_of3A_359] : memref<32x1000001xf32, #tpu.memory_space<hbm>> -> memref<32x128xf32, #tpu.memory_space<hbm>>
      %dma_start3A_366 = arith.constant 0 : i32
      %dma_start3A_367 = tpu.memref_slice %arg10[%multiple_of3A_361, %dma_start3A_366] : memref<256x128xf32, #tpu.memory_space<vmem>> -> memref<32x128xf32, #tpu.memory_space<vmem>>
      %dma_start3A_368 = arith.constant 0 : i32
      %dma_start3A_369 = tpu.memref_slice %arg4[%dma_start3A_368, %multiple_of3A_359] : memref<32x1000001xf32, #tpu.memory_space<hbm>> -> memref<32x128xf32, #tpu.memory_space<hbm>>
      tpu.enqueue_dma source(%dma_start3A_369 : memref<32x128xf32, #tpu.memory_space<hbm>>) target(%dma_start3A_367 : memref<32x128xf32, #tpu.memory_space<vmem>>) target_semaphore(%arg16 : memref<!tpu.dma_semaphore, #tpu.memory_space<semaphore_mem>>)
      %shift_right_arithmetic3A_370 = arith.constant 3 : i32
      %shift_right_arithmetic3A_371 = arith.shrsi %squeeze3A_354, %shift_right_arithmetic3A_370 : i32
      %shift_left3A_372 = arith.constant 3 : i32
      %shift_left3A_373 = arith.shli %shift_right_arithmetic3A_371, %shift_left3A_372 : i32
      %multiple_of3A_374 = tpu.assume_multiple %shift_left3A_373, 8 : i32
      %multiple_of3A_375 = arith.constant 8 : i32
      %multiple_of3A_376 = tpu.assume_multiple %multiple_of3A_375, 8 : i32
      %dma_start3A_377 = arith.constant 0 : i32
      %dma_start3A_378 = tpu.memref_slice %arg12[%multiple_of3A_376, %dma_start3A_377] : memref<64x32xf32, #tpu.memory_space<vmem>> -> memref<8x32xf32, #tpu.memory_space<vmem>>
      %dma_start3A_379 = arith.constant 0 : i32
      %dma_start3A_380 = tpu.memref_slice %arg5[%multiple_of3A_374, %dma_start3A_379] : memref<100001x32xf32, #tpu.memory_space<hbm>> -> memref<8x32xf32, #tpu.memory_space<hbm>>
      %dma_start3A_381 = arith.constant 0 : i32
      %dma_start3A_382 = tpu.memref_slice %arg12[%multiple_of3A_376, %dma_start3A_381] : memref<64x32xf32, #tpu.memory_space<vmem>> -> memref<8x32xf32, #tpu.memory_space<vmem>>
      %dma_start3A_383 = arith.constant 0 : i32
      %dma_start3A_384 = tpu.memref_slice %arg5[%multiple_of3A_374, %dma_start3A_383] : memref<100001x32xf32, #tpu.memory_space<hbm>> -> memref<8x32xf32, #tpu.memory_space<hbm>>
      tpu.enqueue_dma source(%dma_start3A_384 : memref<8x32xf32, #tpu.memory_space<hbm>>) target(%dma_start3A_382 : memref<8x32xf32, #tpu.memory_space<vmem>>) target_semaphore(%arg18 : memref<!tpu.dma_semaphore, #tpu.memory_space<semaphore_mem>>)
      %slice3A_385 = vector.extract_strided_slice %get3A_312 {offsets = [2], sizes = [1], strides = [1]} : vector<16xi32> to vector<1xi32>
      %squeeze3A_386 = vector.extract %slice3A_385[0] : i32 from vector<1xi32>
      %slice3A_387 = vector.extract_strided_slice %get3A_316 {offsets = [2], sizes = [1], strides = [1]} : vector<16xi32> to vector<1xi32>
      %squeeze3A_388 = vector.extract %slice3A_387[0] : i32 from vector<1xi32>
      %shift_right_arithmetic3A_389 = arith.constant 7 : i32
      %shift_right_arithmetic3A_390 = arith.shrsi %squeeze3A_386, %shift_right_arithmetic3A_389 : i32
      %shift_left3A_391 = arith.constant 7 : i32
      %shift_left3A_392 = arith.shli %shift_right_arithmetic3A_390, %shift_left3A_391 : i32
      %multiple_of3A_393 = tpu.assume_multiple %shift_left3A_392, 128 : i32
      %multiple_of3A_394 = arith.constant 64 : i32
      %multiple_of3A_395 = tpu.assume_multiple %multiple_of3A_394, 8 : i32
      %dma_start3A_396 = arith.constant 0 : i32
      %dma_start3A_397 = tpu.memref_slice %arg10[%multiple_of3A_395, %dma_start3A_396] : memref<256x128xf32, #tpu.memory_space<vmem>> -> memref<32x128xf32, #tpu.memory_space<vmem>>
      %dma_start3A_398 = arith.constant 0 : i32
      %dma_start3A_399 = tpu.memref_slice %arg4[%dma_start3A_398, %multiple_of3A_393] : memref<32x1000001xf32, #tpu.memory_space<hbm>> -> memref<32x128xf32, #tpu.memory_space<hbm>>
      %dma_start3A_400 = arith.constant 0 : i32
      %dma_start3A_401 = tpu.memref_slice %arg10[%multiple_of3A_395, %dma_start3A_400] : memref<256x128xf32, #tpu.memory_space<vmem>> -> memref<32x128xf32, #tpu.memory_space<vmem>>
      %dma_start3A_402 = arith.constant 0 : i32
      %dma_start3A_403 = tpu.memref_slice %arg4[%dma_start3A_402, %multiple_of3A_393] : memref<32x1000001xf32, #tpu.memory_space<hbm>> -> memref<32x128xf32, #tpu.memory_space<hbm>>
      tpu.enqueue_dma source(%dma_start3A_403 : memref<32x128xf32, #tpu.memory_space<hbm>>) target(%dma_start3A_401 : memref<32x128xf32, #tpu.memory_space<vmem>>) target_semaphore(%arg16 : memref<!tpu.dma_semaphore, #tpu.memory_space<semaphore_mem>>)
      %shift_right_arithmetic3A_404 = arith.constant 3 : i32
      %shift_right_arithmetic3A_405 = arith.shrsi %squeeze3A_388, %shift_right_arithmetic3A_404 : i32
      %shift_left3A_406 = arith.constant 3 : i32
      %shift_left3A_407 = arith.shli %shift_right_arithmetic3A_405, %shift_left3A_406 : i32
      %multiple_of3A_408 = tpu.assume_multiple %shift_left3A_407, 8 : i32
      %multiple_of3A_409 = arith.constant 16 : i32
      %multiple_of3A_410 = tpu.assume_multiple %multiple_of3A_409, 8 : i32
      %dma_start3A_411 = arith.constant 0 : i32
      %dma_start3A_412 = tpu.memref_slice %arg12[%multiple_of3A_410, %dma_start3A_411] : memref<64x32xf32, #tpu.memory_space<vmem>> -> memref<8x32xf32, #tpu.memory_space<vmem>>
      %dma_start3A_413 = arith.constant 0 : i32
      %dma_start3A_414 = tpu.memref_slice %arg5[%multiple_of3A_408, %dma_start3A_413] : memref<100001x32xf32, #tpu.memory_space<hbm>> -> memref<8x32xf32, #tpu.memory_space<hbm>>
      %dma_start3A_415 = arith.constant 0 : i32
      %dma_start3A_416 = tpu.memref_slice %arg12[%multiple_of3A_410, %dma_start3A_415] : memref<64x32xf32, #tpu.memory_space<vmem>> -> memref<8x32xf32, #tpu.memory_space<vmem>>
      %dma_start3A_417 = arith.constant 0 : i32
      %dma_start3A_418 = tpu.memref_slice %arg5[%multiple_of3A_408, %dma_start3A_417] : memref<100001x32xf32, #tpu.memory_space<hbm>> -> memref<8x32xf32, #tpu.memory_space<hbm>>
      tpu.enqueue_dma source(%dma_start3A_418 : memref<8x32xf32, #tpu.memory_space<hbm>>) target(%dma_start3A_416 : memref<8x32xf32, #tpu.memory_space<vmem>>) target_semaphore(%arg18 : memref<!tpu.dma_semaphore, #tpu.memory_space<semaphore_mem>>)
      %slice3A_419 = vector.extract_strided_slice %get3A_312 {offsets = [3], sizes = [1], strides = [1]} : vector<16xi32> to vector<1xi32>
      %squeeze3A_420 = vector.extract %slice3A_419[0] : i32 from vector<1xi32>
      %slice3A_421 = vector.extract_strided_slice %get3A_316 {offsets = [3], sizes = [1], strides = [1]} : vector<16xi32> to vector<1xi32>
      %squeeze3A_422 = vector.extract %slice3A_421[0] : i32 from vector<1xi32>
      %shift_right_arithmetic3A_423 = arith.constant 7 : i32
      %shift_right_arithmetic3A_424 = arith.shrsi %squeeze3A_420, %shift_right_arithmetic3A_423 : i32
      %shift_left3A_425 = arith.constant 7 : i32
      %shift_left3A_426 = arith.shli %shift_right_arithmetic3A_424, %shift_left3A_425 : i32
      %multiple_of3A_427 = tpu.assume_multiple %shift_left3A_426, 128 : i32
      %multiple_of3A_428 = arith.constant 96 : i32
      %multiple_of3A_429 = tpu.assume_multiple %multiple_of3A_428, 8 : i32
      %dma_start3A_430 = arith.constant 0 : i32
      %dma_start3A_431 = tpu.memref_slice %arg10[%multiple_of3A_429, %dma_start3A_430] : memref<256x128xf32, #tpu.memory_space<vmem>> -> memref<32x128xf32, #tpu.memory_space<vmem>>
      %dma_start3A_432 = arith.constant 0 : i32
      %dma_start3A_433 = tpu.memref_slice %arg4[%dma_start3A_432, %multiple_of3A_427] : memref<32x1000001xf32, #tpu.memory_space<hbm>> -> memref<32x128xf32, #tpu.memory_space<hbm>>
      %dma_start3A_434 = arith.constant 0 : i32
      %dma_start3A_435 = tpu.memref_slice %arg10[%multiple_of3A_429, %dma_start3A_434] : memref<256x128xf32, #tpu.memory_space<vmem>> -> memref<32x128xf32, #tpu.memory_space<vmem>>
      %dma_start3A_436 = arith.constant 0 : i32
      %dma_start3A_437 = tpu.memref_slice %arg4[%dma_start3A_436, %multiple_of3A_427] : memref<32x1000001xf32, #tpu.memory_space<hbm>> -> memref<32x128xf32, #tpu.memory_space<hbm>>
      tpu.enqueue_dma source(%dma_start3A_437 : memref<32x128xf32, #tpu.memory_space<hbm>>) target(%dma_start3A_435 : memref<32x128xf32, #tpu.memory_space<vmem>>) target_semaphore(%arg16 : memref<!tpu.dma_semaphore, #tpu.memory_space<semaphore_mem>>)
      %shift_right_arithmetic3A_438 = arith.constant 3 : i32
      %shift_right_arithmetic3A_439 = arith.shrsi %squeeze3A_422, %shift_right_arithmetic3A_438 : i32
      %shift_left3A_440 = arith.constant 3 : i32
      %shift_left3A_441 = arith.shli %shift_right_arithmetic3A_439, %shift_left3A_440 : i32
      %multiple_of3A_442 = tpu.assume_multiple %shift_left3A_441, 8 : i32
      %multiple_of3A_443 = arith.constant 24 : i32
      %multiple_of3A_444 = tpu.assume_multiple %multiple_of3A_443, 8 : i32
      %dma_start3A_445 = arith.constant 0 : i32
      %dma_start3A_446 = tpu.memref_slice %arg12[%multiple_of3A_444, %dma_start3A_445] : memref<64x32xf32, #tpu.memory_space<vmem>> -> memref<8x32xf32, #tpu.memory_space<vmem>>
      %dma_start3A_447 = arith.constant 0 : i32
      %dma_start3A_448 = tpu.memref_slice %arg5[%multiple_of3A_442, %dma_start3A_447] : memref<100001x32xf32, #tpu.memory_space<hbm>> -> memref<8x32xf32, #tpu.memory_space<hbm>>
      %dma_start3A_449 = arith.constant 0 : i32
      %dma_start3A_450 = tpu.memref_slice %arg12[%multiple_of3A_444, %dma_start3A_449] : memref<64x32xf32, #tpu.memory_space<vmem>> -> memref<8x32xf32, #tpu.memory_space<vmem>>
      %dma_start3A_451 = arith.constant 0 : i32
      %dma_start3A_452 = tpu.memref_slice %arg5[%multiple_of3A_442, %dma_start3A_451] : memref<100001x32xf32, #tpu.memory_space<hbm>> -> memref<8x32xf32, #tpu.memory_space<hbm>>
      tpu.enqueue_dma source(%dma_start3A_452 : memref<8x32xf32, #tpu.memory_space<hbm>>) target(%dma_start3A_450 : memref<8x32xf32, #tpu.memory_space<vmem>>) target_semaphore(%arg18 : memref<!tpu.dma_semaphore, #tpu.memory_space<semaphore_mem>>)
      %slice3A_453 = vector.extract_strided_slice %get3A_312 {offsets = [4], sizes = [1], strides = [1]} : vector<16xi32> to vector<1xi32>
      %squeeze3A_454 = vector.extract %slice3A_453[0] : i32 from vector<1xi32>
      %slice3A_455 = vector.extract_strided_slice %get3A_316 {offsets = [4], sizes = [1], strides = [1]} : vector<16xi32> to vector<1xi32>
      %squeeze3A_456 = vector.extract %slice3A_455[0] : i32 from vector<1xi32>
      %shift_right_arithmetic3A_457 = arith.constant 7 : i32
      %shift_right_arithmetic3A_458 = arith.shrsi %squeeze3A_454, %shift_right_arithmetic3A_457 : i32
      %shift_left3A_459 = arith.constant 7 : i32
      %shift_left3A_460 = arith.shli %shift_right_arithmetic3A_458, %shift_left3A_459 : i32
      %multiple_of3A_461 = tpu.assume_multiple %shift_left3A_460, 128 : i32
      %multiple_of3A_462 = arith.constant 128 : i32
      %multiple_of3A_463 = tpu.assume_multiple %multiple_of3A_462, 8 : i32
      %dma_start3A_464 = arith.constant 0 : i32
      %dma_start3A_465 = tpu.memref_slice %arg10[%multiple_of3A_463, %dma_start3A_464] : memref<256x128xf32, #tpu.memory_space<vmem>> -> memref<32x128xf32, #tpu.memory_space<vmem>>
      %dma_start3A_466 = arith.constant 0 : i32
      %dma_start3A_467 = tpu.memref_slice %arg4[%dma_start3A_466, %multiple_of3A_461] : memref<32x1000001xf32, #tpu.memory_space<hbm>> -> memref<32x128xf32, #tpu.memory_space<hbm>>
      %dma_start3A_468 = arith.constant 0 : i32
      %dma_start3A_469 = tpu.memref_slice %arg10[%multiple_of3A_463, %dma_start3A_468] : memref<256x128xf32, #tpu.memory_space<vmem>> -> memref<32x128xf32, #tpu.memory_space<vmem>>
      %dma_start3A_470 = arith.constant 0 : i32
      %dma_start3A_471 = tpu.memref_slice %arg4[%dma_start3A_470, %multiple_of3A_461] : memref<32x1000001xf32, #tpu.memory_space<hbm>> -> memref<32x128xf32, #tpu.memory_space<hbm>>
      tpu.enqueue_dma source(%dma_start3A_471 : memref<32x128xf32, #tpu.memory_space<hbm>>) target(%dma_start3A_469 : memref<32x128xf32, #tpu.memory_space<vmem>>) target_semaphore(%arg16 : memref<!tpu.dma_semaphore, #tpu.memory_space<semaphore_mem>>)
      %shift_right_arithmetic3A_472 = arith.constant 3 : i32
      %shift_right_arithmetic3A_473 = arith.shrsi %squeeze3A_456, %shift_right_arithmetic3A_472 : i32
      %shift_left3A_474 = arith.constant 3 : i32
      %shift_left3A_475 = arith.shli %shift_right_arithmetic3A_473, %shift_left3A_474 : i32
      %multiple_of3A_476 = tpu.assume_multiple %shift_left3A_475, 8 : i32
      %multiple_of3A_477 = arith.constant 32 : i32
      %multiple_of3A_478 = tpu.assume_multiple %multiple_of3A_477, 8 : i32
      %dma_start3A_479 = arith.constant 0 : i32
      %dma_start3A_480 = tpu.memref_slice %arg12[%multiple_of3A_478, %dma_start3A_479] : memref<64x32xf32, #tpu.memory_space<vmem>> -> memref<8x32xf32, #tpu.memory_space<vmem>>
      %dma_start3A_481 = arith.constant 0 : i32
      %dma_start3A_482 = tpu.memref_slice %arg5[%multiple_of3A_476, %dma_start3A_481] : memref<100001x32xf32, #tpu.memory_space<hbm>> -> memref<8x32xf32, #tpu.memory_space<hbm>>
      %dma_start3A_483 = arith.constant 0 : i32
      %dma_start3A_484 = tpu.memref_slice %arg12[%multiple_of3A_478, %dma_start3A_483] : memref<64x32xf32, #tpu.memory_space<vmem>> -> memref<8x32xf32, #tpu.memory_space<vmem>>
      %dma_start3A_485 = arith.constant 0 : i32
      %dma_start3A_486 = tpu.memref_slice %arg5[%multiple_of3A_476, %dma_start3A_485] : memref<100001x32xf32, #tpu.memory_space<hbm>> -> memref<8x32xf32, #tpu.memory_space<hbm>>
      tpu.enqueue_dma source(%dma_start3A_486 : memref<8x32xf32, #tpu.memory_space<hbm>>) target(%dma_start3A_484 : memref<8x32xf32, #tpu.memory_space<vmem>>) target_semaphore(%arg18 : memref<!tpu.dma_semaphore, #tpu.memory_space<semaphore_mem>>)
      %slice3A_487 = vector.extract_strided_slice %get3A_312 {offsets = [5], sizes = [1], strides = [1]} : vector<16xi32> to vector<1xi32>
      %squeeze3A_488 = vector.extract %slice3A_487[0] : i32 from vector<1xi32>
      %slice3A_489 = vector.extract_strided_slice %get3A_316 {offsets = [5], sizes = [1], strides = [1]} : vector<16xi32> to vector<1xi32>
      %squeeze3A_490 = vector.extract %slice3A_489[0] : i32 from vector<1xi32>
      %shift_right_arithmetic3A_491 = arith.constant 7 : i32
      %shift_right_arithmetic3A_492 = arith.shrsi %squeeze3A_488, %shift_right_arithmetic3A_491 : i32
      %shift_left3A_493 = arith.constant 7 : i32
      %shift_left3A_494 = arith.shli %shift_right_arithmetic3A_492, %shift_left3A_493 : i32
      %multiple_of3A_495 = tpu.assume_multiple %shift_left3A_494, 128 : i32
      %multiple_of3A_496 = arith.constant 160 : i32
      %multiple_of3A_497 = tpu.assume_multiple %multiple_of3A_496, 8 : i32
      %dma_start3A_498 = arith.constant 0 : i32
      %dma_start3A_499 = tpu.memref_slice %arg10[%multiple_of3A_497, %dma_start3A_498] : memref<256x128xf32, #tpu.memory_space<vmem>> -> memref<32x128xf32, #tpu.memory_space<vmem>>
      %dma_start3A_500 = arith.constant 0 : i32
      %dma_start3A_501 = tpu.memref_slice %arg4[%dma_start3A_500, %multiple_of3A_495] : memref<32x1000001xf32, #tpu.memory_space<hbm>> -> memref<32x128xf32, #tpu.memory_space<hbm>>
      %dma_start3A_502 = arith.constant 0 : i32
      %dma_start3A_503 = tpu.memref_slice %arg10[%multiple_of3A_497, %dma_start3A_502] : memref<256x128xf32, #tpu.memory_space<vmem>> -> memref<32x128xf32, #tpu.memory_space<vmem>>
      %dma_start3A_504 = arith.constant 0 : i32
      %dma_start3A_505 = tpu.memref_slice %arg4[%dma_start3A_504, %multiple_of3A_495] : memref<32x1000001xf32, #tpu.memory_space<hbm>> -> memref<32x128xf32, #tpu.memory_space<hbm>>
      tpu.enqueue_dma source(%dma_start3A_505 : memref<32x128xf32, #tpu.memory_space<hbm>>) target(%dma_start3A_503 : memref<32x128xf32, #tpu.memory_space<vmem>>) target_semaphore(%arg16 : memref<!tpu.dma_semaphore, #tpu.memory_space<semaphore_mem>>)
      %shift_right_arithmetic3A_506 = arith.constant 3 : i32
      %shift_right_arithmetic3A_507 = arith.shrsi %squeeze3A_490, %shift_right_arithmetic3A_506 : i32
      %shift_left3A_508 = arith.constant 3 : i32
      %shift_left3A_509 = arith.shli %shift_right_arithmetic3A_507, %shift_left3A_508 : i32
      %multiple_of3A_510 = tpu.assume_multiple %shift_left3A_509, 8 : i32
      %multiple_of3A_511 = arith.constant 40 : i32
      %multiple_of3A_512 = tpu.assume_multiple %multiple_of3A_511, 8 : i32
      %dma_start3A_513 = arith.constant 0 : i32
      %dma_start3A_514 = tpu.memref_slice %arg12[%multiple_of3A_512, %dma_start3A_513] : memref<64x32xf32, #tpu.memory_space<vmem>> -> memref<8x32xf32, #tpu.memory_space<vmem>>
      %dma_start3A_515 = arith.constant 0 : i32
      %dma_start3A_516 = tpu.memref_slice %arg5[%multiple_of3A_510, %dma_start3A_515] : memref<100001x32xf32, #tpu.memory_space<hbm>> -> memref<8x32xf32, #tpu.memory_space<hbm>>
      %dma_start3A_517 = arith.constant 0 : i32
      %dma_start3A_518 = tpu.memref_slice %arg12[%multiple_of3A_512, %dma_start3A_517] : memref<64x32xf32, #tpu.memory_space<vmem>> -> memref<8x32xf32, #tpu.memory_space<vmem>>
      %dma_start3A_519 = arith.constant 0 : i32
      %dma_start3A_520 = tpu.memref_slice %arg5[%multiple_of3A_510, %dma_start3A_519] : memref<100001x32xf32, #tpu.memory_space<hbm>> -> memref<8x32xf32, #tpu.memory_space<hbm>>
      tpu.enqueue_dma source(%dma_start3A_520 : memref<8x32xf32, #tpu.memory_space<hbm>>) target(%dma_start3A_518 : memref<8x32xf32, #tpu.memory_space<vmem>>) target_semaphore(%arg18 : memref<!tpu.dma_semaphore, #tpu.memory_space<semaphore_mem>>)
      %slice3A_521 = vector.extract_strided_slice %get3A_312 {offsets = [6], sizes = [1], strides = [1]} : vector<16xi32> to vector<1xi32>
      %squeeze3A_522 = vector.extract %slice3A_521[0] : i32 from vector<1xi32>
      %slice3A_523 = vector.extract_strided_slice %get3A_316 {offsets = [6], sizes = [1], strides = [1]} : vector<16xi32> to vector<1xi32>
      %squeeze3A_524 = vector.extract %slice3A_523[0] : i32 from vector<1xi32>
      %shift_right_arithmetic3A_525 = arith.constant 7 : i32
      %shift_right_arithmetic3A_526 = arith.shrsi %squeeze3A_522, %shift_right_arithmetic3A_525 : i32
      %shift_left3A_527 = arith.constant 7 : i32
      %shift_left3A_528 = arith.shli %shift_right_arithmetic3A_526, %shift_left3A_527 : i32
      %multiple_of3A_529 = tpu.assume_multiple %shift_left3A_528, 128 : i32
      %multiple_of3A_530 = arith.constant 192 : i32
      %multiple_of3A_531 = tpu.assume_multiple %multiple_of3A_530, 8 : i32
      %dma_start3A_532 = arith.constant 0 : i32
      %dma_start3A_533 = tpu.memref_slice %arg10[%multiple_of3A_531, %dma_start3A_532] : memref<256x128xf32, #tpu.memory_space<vmem>> -> memref<32x128xf32, #tpu.memory_space<vmem>>
      %dma_start3A_534 = arith.constant 0 : i32
      %dma_start3A_535 = tpu.memref_slice %arg4[%dma_start3A_534, %multiple_of3A_529] : memref<32x1000001xf32, #tpu.memory_space<hbm>> -> memref<32x128xf32, #tpu.memory_space<hbm>>
      %dma_start3A_536 = arith.constant 0 : i32
      %dma_start3A_537 = tpu.memref_slice %arg10[%multiple_of3A_531, %dma_start3A_536] : memref<256x128xf32, #tpu.memory_space<vmem>> -> memref<32x128xf32, #tpu.memory_space<vmem>>
      %dma_start3A_538 = arith.constant 0 : i32
      %dma_start3A_539 = tpu.memref_slice %arg4[%dma_start3A_538, %multiple_of3A_529] : memref<32x1000001xf32, #tpu.memory_space<hbm>> -> memref<32x128xf32, #tpu.memory_space<hbm>>
      tpu.enqueue_dma source(%dma_start3A_539 : memref<32x128xf32, #tpu.memory_space<hbm>>) target(%dma_start3A_537 : memref<32x128xf32, #tpu.memory_space<vmem>>) target_semaphore(%arg16 : memref<!tpu.dma_semaphore, #tpu.memory_space<semaphore_mem>>)
      %shift_right_arithmetic3A_540 = arith.constant 3 : i32
      %shift_right_arithmetic3A_541 = arith.shrsi %squeeze3A_524, %shift_right_arithmetic3A_540 : i32
      %shift_left3A_542 = arith.constant 3 : i32
      %shift_left3A_543 = arith.shli %shift_right_arithmetic3A_541, %shift_left3A_542 : i32
      %multiple_of3A_544 = tpu.assume_multiple %shift_left3A_543, 8 : i32
      %multiple_of3A_545 = arith.constant 48 : i32
      %multiple_of3A_546 = tpu.assume_multiple %multiple_of3A_545, 8 : i32
      %dma_start3A_547 = arith.constant 0 : i32
      %dma_start3A_548 = tpu.memref_slice %arg12[%multiple_of3A_546, %dma_start3A_547] : memref<64x32xf32, #tpu.memory_space<vmem>> -> memref<8x32xf32, #tpu.memory_space<vmem>>
      %dma_start3A_549 = arith.constant 0 : i32
      %dma_start3A_550 = tpu.memref_slice %arg5[%multiple_of3A_544, %dma_start3A_549] : memref<100001x32xf32, #tpu.memory_space<hbm>> -> memref<8x32xf32, #tpu.memory_space<hbm>>
      %dma_start3A_551 = arith.constant 0 : i32
      %dma_start3A_552 = tpu.memref_slice %arg12[%multiple_of3A_546, %dma_start3A_551] : memref<64x32xf32, #tpu.memory_space<vmem>> -> memref<8x32xf32, #tpu.memory_space<vmem>>
      %dma_start3A_553 = arith.constant 0 : i32
      %dma_start3A_554 = tpu.memref_slice %arg5[%multiple_of3A_544, %dma_start3A_553] : memref<100001x32xf32, #tpu.memory_space<hbm>> -> memref<8x32xf32, #tpu.memory_space<hbm>>
      tpu.enqueue_dma source(%dma_start3A_554 : memref<8x32xf32, #tpu.memory_space<hbm>>) target(%dma_start3A_552 : memref<8x32xf32, #tpu.memory_space<vmem>>) target_semaphore(%arg18 : memref<!tpu.dma_semaphore, #tpu.memory_space<semaphore_mem>>)
      %slice3A_555 = vector.extract_strided_slice %get3A_312 {offsets = [7], sizes = [1], strides = [1]} : vector<16xi32> to vector<1xi32>
      %squeeze3A_556 = vector.extract %slice3A_555[0] : i32 from vector<1xi32>
      %slice3A_557 = vector.extract_strided_slice %get3A_316 {offsets = [7], sizes = [1], strides = [1]} : vector<16xi32> to vector<1xi32>
      %squeeze3A_558 = vector.extract %slice3A_557[0] : i32 from vector<1xi32>
      %shift_right_arithmetic3A_559 = arith.constant 7 : i32
      %shift_right_arithmetic3A_560 = arith.shrsi %squeeze3A_556, %shift_right_arithmetic3A_559 : i32
      %shift_left3A_561 = arith.constant 7 : i32
      %shift_left3A_562 = arith.shli %shift_right_arithmetic3A_560, %shift_left3A_561 : i32
      %multiple_of3A_563 = tpu.assume_multiple %shift_left3A_562, 128 : i32
      %multiple_of3A_564 = arith.constant 224 : i32
      %multiple_of3A_565 = tpu.assume_multiple %multiple_of3A_564, 8 : i32
      %dma_start3A_566 = arith.constant 0 : i32
      %dma_start3A_567 = tpu.memref_slice %arg10[%multiple_of3A_565, %dma_start3A_566] : memref<256x128xf32, #tpu.memory_space<vmem>> -> memref<32x128xf32, #tpu.memory_space<vmem>>
      %dma_start3A_568 = arith.constant 0 : i32
      %dma_start3A_569 = tpu.memref_slice %arg4[%dma_start3A_568, %multiple_of3A_563] : memref<32x1000001xf32, #tpu.memory_space<hbm>> -> memref<32x128xf32, #tpu.memory_space<hbm>>
      %dma_start3A_570 = arith.constant 0 : i32
      %dma_start3A_571 = tpu.memref_slice %arg10[%multiple_of3A_565, %dma_start3A_570] : memref<256x128xf32, #tpu.memory_space<vmem>> -> memref<32x128xf32, #tpu.memory_space<vmem>>
      %dma_start3A_572 = arith.constant 0 : i32
      %dma_start3A_573 = tpu.memref_slice %arg4[%dma_start3A_572, %multiple_of3A_563] : memref<32x1000001xf32, #tpu.memory_space<hbm>> -> memref<32x128xf32, #tpu.memory_space<hbm>>
      tpu.enqueue_dma source(%dma_start3A_573 : memref<32x128xf32, #tpu.memory_space<hbm>>) target(%dma_start3A_571 : memref<32x128xf32, #tpu.memory_space<vmem>>) target_semaphore(%arg16 : memref<!tpu.dma_semaphore, #tpu.memory_space<semaphore_mem>>)
      %shift_right_arithmetic3A_574 = arith.constant 3 : i32
      %shift_right_arithmetic3A_575 = arith.shrsi %squeeze3A_558, %shift_right_arithmetic3A_574 : i32
      %shift_left3A_576 = arith.constant 3 : i32
      %shift_left3A_577 = arith.shli %shift_right_arithmetic3A_575, %shift_left3A_576 : i32
      %multiple_of3A_578 = tpu.assume_multiple %shift_left3A_577, 8 : i32
      %multiple_of3A_579 = arith.constant 56 : i32
      %multiple_of3A_580 = tpu.assume_multiple %multiple_of3A_579, 8 : i32
      %dma_start3A_581 = arith.constant 0 : i32
      %dma_start3A_582 = tpu.memref_slice %arg12[%multiple_of3A_580, %dma_start3A_581] : memref<64x32xf32, #tpu.memory_space<vmem>> -> memref<8x32xf32, #tpu.memory_space<vmem>>
      %dma_start3A_583 = arith.constant 0 : i32
      %dma_start3A_584 = tpu.memref_slice %arg5[%multiple_of3A_578, %dma_start3A_583] : memref<100001x32xf32, #tpu.memory_space<hbm>> -> memref<8x32xf32, #tpu.memory_space<hbm>>
      %dma_start3A_585 = arith.constant 0 : i32
      %dma_start3A_586 = tpu.memref_slice %arg12[%multiple_of3A_580, %dma_start3A_585] : memref<64x32xf32, #tpu.memory_space<vmem>> -> memref<8x32xf32, #tpu.memory_space<vmem>>
      %dma_start3A_587 = arith.constant 0 : i32
      %dma_start3A_588 = tpu.memref_slice %arg5[%multiple_of3A_578, %dma_start3A_587] : memref<100001x32xf32, #tpu.memory_space<hbm>> -> memref<8x32xf32, #tpu.memory_space<hbm>>
      tpu.enqueue_dma source(%dma_start3A_588 : memref<8x32xf32, #tpu.memory_space<hbm>>) target(%dma_start3A_586 : memref<8x32xf32, #tpu.memory_space<vmem>>) target_semaphore(%arg18 : memref<!tpu.dma_semaphore, #tpu.memory_space<semaphore_mem>>)
      %dma_wait3A_589 = arith.constant 0 : i32
      %dma_wait3A_590 = arith.constant 0 : i32
      %dma_wait3A_591 = tpu.memref_slice %arg4[%dma_wait3A_589, %dma_wait3A_590] : memref<32x1000001xf32, #tpu.memory_space<hbm>> -> memref<32x1024xf32, #tpu.memory_space<hbm>>
      %dma_wait3A_592 = arith.constant 0 : i32
      %dma_wait3A_593 = arith.constant 0 : i32
      %dma_wait3A_594 = tpu.memref_slice %dma_wait3A_591[%dma_wait3A_592, %dma_wait3A_593] : memref<32x1024xf32, #tpu.memory_space<hbm>> -> memref<256x1024xf32, #tpu.memory_space<hbm>>
      %dma_wait3A_595 = arith.constant 0 : i32
      %dma_wait3A_596 = arith.constant 0 : i32
      %dma_wait3A_597 = tpu.memref_slice %arg4[%dma_wait3A_595, %dma_wait3A_596] : memref<32x1000001xf32, #tpu.memory_space<hbm>> -> memref<32x1024xf32, #tpu.memory_space<hbm>>
      %dma_wait3A_598 = arith.constant 0 : i32
      %dma_wait3A_599 = arith.constant 0 : i32
      %dma_wait3A_600 = tpu.memref_slice %dma_wait3A_597[%dma_wait3A_598, %dma_wait3A_599] : memref<32x1024xf32, #tpu.memory_space<hbm>> -> memref<256x1024xf32, #tpu.memory_space<hbm>>
      tpu.wait_dma2 semaphore(%arg15 : memref<!tpu.dma_semaphore, #tpu.memory_space<semaphore_mem>>) src(%dma_wait3A_600 : memref<256x1024xf32, #tpu.memory_space<hbm>>) dst(%arg9 : memref<256x128xf32, #tpu.memory_space<vmem>>)
      %dma_wait3A_601 = arith.constant 0 : i32
      %dma_wait3A_602 = arith.constant 0 : i32
      %dma_wait3A_603 = tpu.memref_slice %arg5[%dma_wait3A_601, %dma_wait3A_602] : memref<100001x32xf32, #tpu.memory_space<hbm>> -> memref<64x32xf32, #tpu.memory_space<hbm>>
      %dma_wait3A_604 = arith.constant 0 : i32
      %dma_wait3A_605 = arith.constant 0 : i32
      %dma_wait3A_606 = tpu.memref_slice %arg5[%dma_wait3A_604, %dma_wait3A_605] : memref<100001x32xf32, #tpu.memory_space<hbm>> -> memref<64x32xf32, #tpu.memory_space<hbm>>
      tpu.wait_dma2 semaphore(%arg17 : memref<!tpu.dma_semaphore, #tpu.memory_space<semaphore_mem>>) src(%dma_wait3A_606 : memref<64x32xf32, #tpu.memory_space<hbm>>) dst(%arg11 : memref<64x32xf32, #tpu.memory_space<vmem>>)
      %mul3A_607 = arith.constant 8 : i32
      %mul3A_608 = arith.muli %mul3A_306, %mul3A_607 : i32
      %get3A_609 = arith.index_cast %mul3A_608 : i32 to index
      %get3A_610 = tpu.vector_load %arg7[%get3A_609] {strides = array<i32>} : memref<528xi32, #tpu.memory_space<vmem>>, vector<16xi32>,
      %mul3A_611 = arith.constant 8 : i32
      %mul3A_612 = arith.muli %mul3A_306, %mul3A_611 : i32
      %get3A_613 = arith.index_cast %mul3A_612 : i32 to index
      %get3A_614 = tpu.vector_load %arg8[%get3A_613] {strides = array<i32>} : memref<528xi32, #tpu.memory_space<vmem>>, vector<16xi32>,
      %mul3A_615 = arith.constant 8 : i32
      %mul3A_616 = arith.muli %mul3A_306, %mul3A_615 : i32
      %add3A_617 = vector.broadcast %mul3A_616 : i32 to vector<16xi32>
      %add3A_618 = arith.addi %add3A_617, %and3A_26 : vector<16xi32>
      %gather3A = tpu.vector_load_idx %arg7[%add3A_618] : memref<528xi32, #tpu.memory_space<vmem>>[vector<16xi32>], vector<16xi32>,
      %mul3A_619 = arith.constant 8 : i32
      %mul3A_620 = arith.muli %mul3A_306, %mul3A_619 : i32
      %add3A_621 = vector.broadcast %mul3A_620 : i32 to vector<16xi32>
      %add3A_622 = arith.addi %add3A_621, %and3A_26 : vector<16xi32>
      %gather3A_623 = tpu.vector_load_idx %arg8[%add3A_622] : memref<528xi32, #tpu.memory_space<vmem>>[vector<16xi32>], vector<16xi32>,
      %and3A_624 = arith.constant 127 : i32
      %and3A_625 = vector.broadcast %and3A_624 : i32 to vector<16xi32>
      %and3A_626 = arith.andi %gather3A, %and3A_625 : vector<16xi32>
      %mul3A_627 = arith.constant 8 : i32
      %mul3A_628 = vector.broadcast %mul3A_627 : i32 to vector<16xi32>
      %mul3A_629 = arith.muli %and3A_26, %mul3A_628 : vector<16xi32>
      %and3A_630 = arith.constant 7 : i32
      %and3A_631 = vector.broadcast %and3A_630 : i32 to vector<16xi32>
      %and3A_632 = arith.andi %gather3A_623, %and3A_631 : vector<16xi32>
      %add3A_633 = arith.addi %mul3A_629, %and3A_632 : vector<16xi32>
      %mul3A_634 = arith.constant 32 : i32
      %mul3A_635 = vector.broadcast %mul3A_634 : i32 to vector<16xi32>
      %mul3A_636 = arith.muli %and3A_26, %mul3A_635 : vector<16xi32>
      %add3A_637 = arith.constant 0 : i32
      %add3A_638 = vector.broadcast %add3A_637 : i32 to vector<16xi32>
      %add3A_639 = arith.addi %mul3A_636, %add3A_638 : vector<16xi32>
      %gather3A_640 = tpu.vector_load_idx %arg9[%add3A_639, %and3A_626] : memref<256x128xf32, #tpu.memory_space<vmem>>[vector<16xi32>, vector<16xi32>], vector<16xf32>,
      %broadcast_in_dim3A_641 = arith.constant 0 : i32
      %broadcast_in_dim3A_642 = vector.broadcast %broadcast_in_dim3A_641 : i32 to vector<16xi32>
      %gather3A_643 = tpu.vector_load_idx %arg11[%add3A_633, %broadcast_in_dim3A_642] : memref<64x32xf32, #tpu.memory_space<vmem>>[vector<16xi32>, vector<16xi32>], vector<16xf32>,
      %mul3A_644 = arith.mulf %gather3A_640, %gather3A_643 : vector<16xf32>
      %add3A_645 = arith.addf %broadcast_in_dim3A_27, %mul3A_644 : vector<16xf32>
      %mul3A_646 = arith.mulf %gather3A_640, %gather3A_640 : vector<16xf32>
      %add3A_647 = arith.addf %broadcast_in_dim3A_27, %mul3A_646 : vector<16xf32>
      %mul3A_648 = arith.mulf %gather3A_643, %gather3A_643 : vector<16xf32>
      %add3A_649 = arith.addf %broadcast_in_dim3A_27, %mul3A_648 : vector<16xf32>
      %mul3A_650 = arith.constant 32 : i32
      %mul3A_651 = vector.broadcast %mul3A_650 : i32 to vector<16xi32>
      %mul3A_652 = arith.muli %and3A_26, %mul3A_651 : vector<16xi32>
      %add3A_653 = arith.constant 1 : i32
      %add3A_654 = vector.broadcast %add3A_653 : i32 to vector<16xi32>
      %add3A_655 = arith.addi %mul3A_652, %add3A_654 : vector<16xi32>
      %gather3A_656 = tpu.vector_load_idx %arg9[%add3A_655, %and3A_626] : memref<256x128xf32, #tpu.memory_space<vmem>>[vector<16xi32>, vector<16xi32>], vector<16xf32>,
      %broadcast_in_dim3A_657 = arith.constant 1 : i32
      %broadcast_in_dim3A_658 = vector.broadcast %broadcast_in_dim3A_657 : i32 to vector<16xi32>
      %gather3A_659 = tpu.vector_load_idx %arg11[%add3A_633, %broadcast_in_dim3A_658] : memref<64x32xf32, #tpu.memory_space<vmem>>[vector<16xi32>, vector<16xi32>], vector<16xf32>,
      %mul3A_660 = arith.mulf %gather3A_656, %gather3A_659 : vector<16xf32>
      %add3A_661 = arith.addf %add3A_645, %mul3A_660 : vector<16xf32>
      %mul3A_662 = arith.mulf %gather3A_656, %gather3A_656 : vector<16xf32>
      %add3A_663 = arith.addf %add3A_647, %mul3A_662 : vector<16xf32>
      %mul3A_664 = arith.mulf %gather3A_659, %gather3A_659 : vector<16xf32>
      %add3A_665 = arith.addf %add3A_649, %mul3A_664 : vector<16xf32>
      %mul3A_666 = arith.constant 32 : i32
      %mul3A_667 = vector.broadcast %mul3A_666 : i32 to vector<16xi32>
      %mul3A_668 = arith.muli %and3A_26, %mul3A_667 : vector<16xi32>
      %add3A_669 = arith.constant 2 : i32
      %add3A_670 = vector.broadcast %add3A_669 : i32 to vector<16xi32>
      %add3A_671 = arith.addi %mul3A_668, %add3A_670 : vector<16xi32>
      %gather3A_672 = tpu.vector_load_idx %arg9[%add3A_671, %and3A_626] : memref<256x128xf32, #tpu.memory_space<vmem>>[vector<16xi32>, vector<16xi32>], vector<16xf32>,
      %broadcast_in_dim3A_673 = arith.constant 2 : i32
      %broadcast_in_dim3A_674 = vector.broadcast %broadcast_in_dim3A_673 : i32 to vector<16xi32>
      %gather3A_675 = tpu.vector_load_idx %arg11[%add3A_633, %broadcast_in_dim3A_674] : memref<64x32xf32, #tpu.memory_space<vmem>>[vector<16xi32>, vector<16xi32>], vector<16xf32>,
      %mul3A_676 = arith.mulf %gather3A_672, %gather3A_675 : vector<16xf32>
      %add3A_677 = arith.addf %add3A_661, %mul3A_676 : vector<16xf32>
      %mul3A_678 = arith.mulf %gather3A_672, %gather3A_672 : vector<16xf32>
      %add3A_679 = arith.addf %add3A_663, %mul3A_678 : vector<16xf32>
      %mul3A_680 = arith.mulf %gather3A_675, %gather3A_675 : vector<16xf32>
      %add3A_681 = arith.addf %add3A_665, %mul3A_680 : vector<16xf32>
      %mul3A_682 = arith.constant 32 : i32
      %mul3A_683 = vector.broadcast %mul3A_682 : i32 to vector<16xi32>
      %mul3A_684 = arith.muli %and3A_26, %mul3A_683 : vector<16xi32>
      %add3A_685 = arith.constant 3 : i32
      %add3A_686 = vector.broadcast %add3A_685 : i32 to vector<16xi32>
      %add3A_687 = arith.addi %mul3A_684, %add3A_686 : vector<16xi32>
      %gather3A_688 = tpu.vector_load_idx %arg9[%add3A_687, %and3A_626] : memref<256x128xf32, #tpu.memory_space<vmem>>[vector<16xi32>, vector<16xi32>], vector<16xf32>,
      %broadcast_in_dim3A_689 = arith.constant 3 : i32
      %broadcast_in_dim3A_690 = vector.broadcast %broadcast_in_dim3A_689 : i32 to vector<16xi32>
      %gather3A_691 = tpu.vector_load_idx %arg11[%add3A_633, %broadcast_in_dim3A_690] : memref<64x32xf32, #tpu.memory_space<vmem>>[vector<16xi32>, vector<16xi32>], vector<16xf32>,
      %mul3A_692 = arith.mulf %gather3A_688, %gather3A_691 : vector<16xf32>
      %add3A_693 = arith.addf %add3A_677, %mul3A_692 : vector<16xf32>
      %mul3A_694 = arith.mulf %gather3A_688, %gather3A_688 : vector<16xf32>
      %add3A_695 = arith.addf %add3A_679, %mul3A_694 : vector<16xf32>
      %mul3A_696 = arith.mulf %gather3A_691, %gather3A_691 : vector<16xf32>
      %add3A_697 = arith.addf %add3A_681, %mul3A_696 : vector<16xf32>
      %mul3A_698 = arith.constant 32 : i32
      %mul3A_699 = vector.broadcast %mul3A_698 : i32 to vector<16xi32>
      %mul3A_700 = arith.muli %and3A_26, %mul3A_699 : vector<16xi32>
      %add3A_701 = arith.constant 4 : i32
      %add3A_702 = vector.broadcast %add3A_701 : i32 to vector<16xi32>
      %add3A_703 = arith.addi %mul3A_700, %add3A_702 : vector<16xi32>
      %gather3A_704 = tpu.vector_load_idx %arg9[%add3A_703, %and3A_626] : memref<256x128xf32, #tpu.memory_space<vmem>>[vector<16xi32>, vector<16xi32>], vector<16xf32>,
      %broadcast_in_dim3A_705 = arith.constant 4 : i32
      %broadcast_in_dim3A_706 = vector.broadcast %broadcast_in_dim3A_705 : i32 to vector<16xi32>
      %gather3A_707 = tpu.vector_load_idx %arg11[%add3A_633, %broadcast_in_dim3A_706] : memref<64x32xf32, #tpu.memory_space<vmem>>[vector<16xi32>, vector<16xi32>], vector<16xf32>,
      %mul3A_708 = arith.mulf %gather3A_704, %gather3A_707 : vector<16xf32>
      %add3A_709 = arith.addf %add3A_693, %mul3A_708 : vector<16xf32>
      %mul3A_710 = arith.mulf %gather3A_704, %gather3A_704 : vector<16xf32>
      %add3A_711 = arith.addf %add3A_695, %mul3A_710 : vector<16xf32>
      %mul3A_712 = arith.mulf %gather3A_707, %gather3A_707 : vector<16xf32>
      %add3A_713 = arith.addf %add3A_697, %mul3A_712 : vector<16xf32>
      %mul3A_714 = arith.constant 32 : i32
      %mul3A_715 = vector.broadcast %mul3A_714 : i32 to vector<16xi32>
      %mul3A_716 = arith.muli %and3A_26, %mul3A_715 : vector<16xi32>
      %add3A_717 = arith.constant 5 : i32
      %add3A_718 = vector.broadcast %add3A_717 : i32 to vector<16xi32>
      %add3A_719 = arith.addi %mul3A_716, %add3A_718 : vector<16xi32>
      %gather3A_720 = tpu.vector_load_idx %arg9[%add3A_719, %and3A_626] : memref<256x128xf32, #tpu.memory_space<vmem>>[vector<16xi32>, vector<16xi32>], vector<16xf32>,
      %broadcast_in_dim3A_721 = arith.constant 5 : i32
      %broadcast_in_dim3A_722 = vector.broadcast %broadcast_in_dim3A_721 : i32 to vector<16xi32>
      %gather3A_723 = tpu.vector_load_idx %arg11[%add3A_633, %broadcast_in_dim3A_722] : memref<64x32xf32, #tpu.memory_space<vmem>>[vector<16xi32>, vector<16xi32>], vector<16xf32>,
      %mul3A_724 = arith.mulf %gather3A_720, %gather3A_723 : vector<16xf32>
      %add3A_725 = arith.addf %add3A_709, %mul3A_724 : vector<16xf32>
      %mul3A_726 = arith.mulf %gather3A_720, %gather3A_720 : vector<16xf32>
      %add3A_727 = arith.addf %add3A_711, %mul3A_726 : vector<16xf32>
      %mul3A_728 = arith.mulf %gather3A_723, %gather3A_723 : vector<16xf32>
      %add3A_729 = arith.addf %add3A_713, %mul3A_728 : vector<16xf32>
      %mul3A_730 = arith.constant 32 : i32
      %mul3A_731 = vector.broadcast %mul3A_730 : i32 to vector<16xi32>
      %mul3A_732 = arith.muli %and3A_26, %mul3A_731 : vector<16xi32>
      %add3A_733 = arith.constant 6 : i32
      %add3A_734 = vector.broadcast %add3A_733 : i32 to vector<16xi32>
      %add3A_735 = arith.addi %mul3A_732, %add3A_734 : vector<16xi32>
      %gather3A_736 = tpu.vector_load_idx %arg9[%add3A_735, %and3A_626] : memref<256x128xf32, #tpu.memory_space<vmem>>[vector<16xi32>, vector<16xi32>], vector<16xf32>,
      %broadcast_in_dim3A_737 = arith.constant 6 : i32
      %broadcast_in_dim3A_738 = vector.broadcast %broadcast_in_dim3A_737 : i32 to vector<16xi32>
      %gather3A_739 = tpu.vector_load_idx %arg11[%add3A_633, %broadcast_in_dim3A_738] : memref<64x32xf32, #tpu.memory_space<vmem>>[vector<16xi32>, vector<16xi32>], vector<16xf32>,
      %mul3A_740 = arith.mulf %gather3A_736, %gather3A_739 : vector<16xf32>
      %add3A_741 = arith.addf %add3A_725, %mul3A_740 : vector<16xf32>
      %mul3A_742 = arith.mulf %gather3A_736, %gather3A_736 : vector<16xf32>
      %add3A_743 = arith.addf %add3A_727, %mul3A_742 : vector<16xf32>
      %mul3A_744 = arith.mulf %gather3A_739, %gather3A_739 : vector<16xf32>
      %add3A_745 = arith.addf %add3A_729, %mul3A_744 : vector<16xf32>
      %mul3A_746 = arith.constant 32 : i32
      %mul3A_747 = vector.broadcast %mul3A_746 : i32 to vector<16xi32>
      %mul3A_748 = arith.muli %and3A_26, %mul3A_747 : vector<16xi32>
      %add3A_749 = arith.constant 7 : i32
      %add3A_750 = vector.broadcast %add3A_749 : i32 to vector<16xi32>
      %add3A_751 = arith.addi %mul3A_748, %add3A_750 : vector<16xi32>
      %gather3A_752 = tpu.vector_load_idx %arg9[%add3A_751, %and3A_626] : memref<256x128xf32, #tpu.memory_space<vmem>>[vector<16xi32>, vector<16xi32>], vector<16xf32>,
      %broadcast_in_dim3A_753 = arith.constant 7 : i32
      %broadcast_in_dim3A_754 = vector.broadcast %broadcast_in_dim3A_753 : i32 to vector<16xi32>
      %gather3A_755 = tpu.vector_load_idx %arg11[%add3A_633, %broadcast_in_dim3A_754] : memref<64x32xf32, #tpu.memory_space<vmem>>[vector<16xi32>, vector<16xi32>], vector<16xf32>,
      %mul3A_756 = arith.mulf %gather3A_752, %gather3A_755 : vector<16xf32>
      %add3A_757 = arith.addf %add3A_741, %mul3A_756 : vector<16xf32>
      %mul3A_758 = arith.mulf %gather3A_752, %gather3A_752 : vector<16xf32>
      %add3A_759 = arith.addf %add3A_743, %mul3A_758 : vector<16xf32>
      %mul3A_760 = arith.mulf %gather3A_755, %gather3A_755 : vector<16xf32>
      %add3A_761 = arith.addf %add3A_745, %mul3A_760 : vector<16xf32>
      %mul3A_762 = arith.constant 32 : i32
      %mul3A_763 = vector.broadcast %mul3A_762 : i32 to vector<16xi32>
      %mul3A_764 = arith.muli %and3A_26, %mul3A_763 : vector<16xi32>
      %add3A_765 = arith.constant 8 : i32
      %add3A_766 = vector.broadcast %add3A_765 : i32 to vector<16xi32>
      %add3A_767 = arith.addi %mul3A_764, %add3A_766 : vector<16xi32>
      %gather3A_768 = tpu.vector_load_idx %arg9[%add3A_767, %and3A_626] : memref<256x128xf32, #tpu.memory_space<vmem>>[vector<16xi32>, vector<16xi32>], vector<16xf32>,
      %broadcast_in_dim3A_769 = arith.constant 8 : i32
      %broadcast_in_dim3A_770 = vector.broadcast %broadcast_in_dim3A_769 : i32 to vector<16xi32>
      %gather3A_771 = tpu.vector_load_idx %arg11[%add3A_633, %broadcast_in_dim3A_770] : memref<64x32xf32, #tpu.memory_space<vmem>>[vector<16xi32>, vector<16xi32>], vector<16xf32>,
      %mul3A_772 = arith.mulf %gather3A_768, %gather3A_771 : vector<16xf32>
      %add3A_773 = arith.addf %add3A_757, %mul3A_772 : vector<16xf32>
      %mul3A_774 = arith.mulf %gather3A_768, %gather3A_768 : vector<16xf32>
      %add3A_775 = arith.addf %add3A_759, %mul3A_774 : vector<16xf32>
      %mul3A_776 = arith.mulf %gather3A_771, %gather3A_771 : vector<16xf32>
      %add3A_777 = arith.addf %add3A_761, %mul3A_776 : vector<16xf32>
      %mul3A_778 = arith.constant 32 : i32
      %mul3A_779 = vector.broadcast %mul3A_778 : i32 to vector<16xi32>
      %mul3A_780 = arith.muli %and3A_26, %mul3A_779 : vector<16xi32>
      %add3A_781 = arith.constant 9 : i32
      %add3A_782 = vector.broadcast %add3A_781 : i32 to vector<16xi32>
      %add3A_783 = arith.addi %mul3A_780, %add3A_782 : vector<16xi32>
      %gather3A_784 = tpu.vector_load_idx %arg9[%add3A_783, %and3A_626] : memref<256x128xf32, #tpu.memory_space<vmem>>[vector<16xi32>, vector<16xi32>], vector<16xf32>,
      %broadcast_in_dim3A_785 = arith.constant 9 : i32
      %broadcast_in_dim3A_786 = vector.broadcast %broadcast_in_dim3A_785 : i32 to vector<16xi32>
      %gather3A_787 = tpu.vector_load_idx %arg11[%add3A_633, %broadcast_in_dim3A_786] : memref<64x32xf32, #tpu.memory_space<vmem>>[vector<16xi32>, vector<16xi32>], vector<16xf32>,
      %mul3A_788 = arith.mulf %gather3A_784, %gather3A_787 : vector<16xf32>
      %add3A_789 = arith.addf %add3A_773, %mul3A_788 : vector<16xf32>
      %mul3A_790 = arith.mulf %gather3A_784, %gather3A_784 : vector<16xf32>
      %add3A_791 = arith.addf %add3A_775, %mul3A_790 : vector<16xf32>
      %mul3A_792 = arith.mulf %gather3A_787, %gather3A_787 : vector<16xf32>
      %add3A_793 = arith.addf %add3A_777, %mul3A_792 : vector<16xf32>
      %mul3A_794 = arith.constant 32 : i32
      %mul3A_795 = vector.broadcast %mul3A_794 : i32 to vector<16xi32>
      %mul3A_796 = arith.muli %and3A_26, %mul3A_795 : vector<16xi32>
      %add3A_797 = arith.constant 10 : i32
      %add3A_798 = vector.broadcast %add3A_797 : i32 to vector<16xi32>
      %add3A_799 = arith.addi %mul3A_796, %add3A_798 : vector<16xi32>
      %gather3A_800 = tpu.vector_load_idx %arg9[%add3A_799, %and3A_626] : memref<256x128xf32, #tpu.memory_space<vmem>>[vector<16xi32>, vector<16xi32>], vector<16xf32>,
      %broadcast_in_dim3A_801 = arith.constant 10 : i32
      %broadcast_in_dim3A_802 = vector.broadcast %broadcast_in_dim3A_801 : i32 to vector<16xi32>
      %gather3A_803 = tpu.vector_load_idx %arg11[%add3A_633, %broadcast_in_dim3A_802] : memref<64x32xf32, #tpu.memory_space<vmem>>[vector<16xi32>, vector<16xi32>], vector<16xf32>,
      %mul3A_804 = arith.mulf %gather3A_800, %gather3A_803 : vector<16xf32>
      %add3A_805 = arith.addf %add3A_789, %mul3A_804 : vector<16xf32>
      %mul3A_806 = arith.mulf %gather3A_800, %gather3A_800 : vector<16xf32>
      %add3A_807 = arith.addf %add3A_791, %mul3A_806 : vector<16xf32>
      %mul3A_808 = arith.mulf %gather3A_803, %gather3A_803 : vector<16xf32>
      %add3A_809 = arith.addf %add3A_793, %mul3A_808 : vector<16xf32>
      %mul3A_810 = arith.constant 32 : i32
      %mul3A_811 = vector.broadcast %mul3A_810 : i32 to vector<16xi32>
      %mul3A_812 = arith.muli %and3A_26, %mul3A_811 : vector<16xi32>
      %add3A_813 = arith.constant 11 : i32
      %add3A_814 = vector.broadcast %add3A_813 : i32 to vector<16xi32>
      %add3A_815 = arith.addi %mul3A_812, %add3A_814 : vector<16xi32>
      %gather3A_816 = tpu.vector_load_idx %arg9[%add3A_815, %and3A_626] : memref<256x128xf32, #tpu.memory_space<vmem>>[vector<16xi32>, vector<16xi32>], vector<16xf32>,
      %broadcast_in_dim3A_817 = arith.constant 11 : i32
      %broadcast_in_dim3A_818 = vector.broadcast %broadcast_in_dim3A_817 : i32 to vector<16xi32>
      %gather3A_819 = tpu.vector_load_idx %arg11[%add3A_633, %broadcast_in_dim3A_818] : memref<64x32xf32, #tpu.memory_space<vmem>>[vector<16xi32>, vector<16xi32>], vector<16xf32>,
      %mul3A_820 = arith.mulf %gather3A_816, %gather3A_819 : vector<16xf32>
      %add3A_821 = arith.addf %add3A_805, %mul3A_820 : vector<16xf32>
      %mul3A_822 = arith.mulf %gather3A_816, %gather3A_816 : vector<16xf32>
      %add3A_823 = arith.addf %add3A_807, %mul3A_822 : vector<16xf32>
      %mul3A_824 = arith.mulf %gather3A_819, %gather3A_819 : vector<16xf32>
      %add3A_825 = arith.addf %add3A_809, %mul3A_824 : vector<16xf32>
      %mul3A_826 = arith.constant 32 : i32
      %mul3A_827 = vector.broadcast %mul3A_826 : i32 to vector<16xi32>
      %mul3A_828 = arith.muli %and3A_26, %mul3A_827 : vector<16xi32>
      %add3A_829 = arith.constant 12 : i32
      %add3A_830 = vector.broadcast %add3A_829 : i32 to vector<16xi32>
      %add3A_831 = arith.addi %mul3A_828, %add3A_830 : vector<16xi32>
      %gather3A_832 = tpu.vector_load_idx %arg9[%add3A_831, %and3A_626] : memref<256x128xf32, #tpu.memory_space<vmem>>[vector<16xi32>, vector<16xi32>], vector<16xf32>,
      %broadcast_in_dim3A_833 = arith.constant 12 : i32
      %broadcast_in_dim3A_834 = vector.broadcast %broadcast_in_dim3A_833 : i32 to vector<16xi32>
      %gather3A_835 = tpu.vector_load_idx %arg11[%add3A_633, %broadcast_in_dim3A_834] : memref<64x32xf32, #tpu.memory_space<vmem>>[vector<16xi32>, vector<16xi32>], vector<16xf32>,
      %mul3A_836 = arith.mulf %gather3A_832, %gather3A_835 : vector<16xf32>
      %add3A_837 = arith.addf %add3A_821, %mul3A_836 : vector<16xf32>
      %mul3A_838 = arith.mulf %gather3A_832, %gather3A_832 : vector<16xf32>
      %add3A_839 = arith.addf %add3A_823, %mul3A_838 : vector<16xf32>
      %mul3A_840 = arith.mulf %gather3A_835, %gather3A_835 : vector<16xf32>
      %add3A_841 = arith.addf %add3A_825, %mul3A_840 : vector<16xf32>
      %mul3A_842 = arith.constant 32 : i32
      %mul3A_843 = vector.broadcast %mul3A_842 : i32 to vector<16xi32>
      %mul3A_844 = arith.muli %and3A_26, %mul3A_843 : vector<16xi32>
      %add3A_845 = arith.constant 13 : i32
      %add3A_846 = vector.broadcast %add3A_845 : i32 to vector<16xi32>
      %add3A_847 = arith.addi %mul3A_844, %add3A_846 : vector<16xi32>
      %gather3A_848 = tpu.vector_load_idx %arg9[%add3A_847, %and3A_626] : memref<256x128xf32, #tpu.memory_space<vmem>>[vector<16xi32>, vector<16xi32>], vector<16xf32>,
      %broadcast_in_dim3A_849 = arith.constant 13 : i32
      %broadcast_in_dim3A_850 = vector.broadcast %broadcast_in_dim3A_849 : i32 to vector<16xi32>
      %gather3A_851 = tpu.vector_load_idx %arg11[%add3A_633, %broadcast_in_dim3A_850] : memref<64x32xf32, #tpu.memory_space<vmem>>[vector<16xi32>, vector<16xi32>], vector<16xf32>,
      %mul3A_852 = arith.mulf %gather3A_848, %gather3A_851 : vector<16xf32>
      %add3A_853 = arith.addf %add3A_837, %mul3A_852 : vector<16xf32>
      %mul3A_854 = arith.mulf %gather3A_848, %gather3A_848 : vector<16xf32>
      %add3A_855 = arith.addf %add3A_839, %mul3A_854 : vector<16xf32>
      %mul3A_856 = arith.mulf %gather3A_851, %gather3A_851 : vector<16xf32>
      %add3A_857 = arith.addf %add3A_841, %mul3A_856 : vector<16xf32>
      %mul3A_858 = arith.constant 32 : i32
      %mul3A_859 = vector.broadcast %mul3A_858 : i32 to vector<16xi32>
      %mul3A_860 = arith.muli %and3A_26, %mul3A_859 : vector<16xi32>
      %add3A_861 = arith.constant 14 : i32
      %add3A_862 = vector.broadcast %add3A_861 : i32 to vector<16xi32>
      %add3A_863 = arith.addi %mul3A_860, %add3A_862 : vector<16xi32>
      %gather3A_864 = tpu.vector_load_idx %arg9[%add3A_863, %and3A_626] : memref<256x128xf32, #tpu.memory_space<vmem>>[vector<16xi32>, vector<16xi32>], vector<16xf32>,
      %broadcast_in_dim3A_865 = arith.constant 14 : i32
      %broadcast_in_dim3A_866 = vector.broadcast %broadcast_in_dim3A_865 : i32 to vector<16xi32>
      %gather3A_867 = tpu.vector_load_idx %arg11[%add3A_633, %broadcast_in_dim3A_866] : memref<64x32xf32, #tpu.memory_space<vmem>>[vector<16xi32>, vector<16xi32>], vector<16xf32>,
      %mul3A_868 = arith.mulf %gather3A_864, %gather3A_867 : vector<16xf32>
      %add3A_869 = arith.addf %add3A_853, %mul3A_868 : vector<16xf32>
      %mul3A_870 = arith.mulf %gather3A_864, %gather3A_864 : vector<16xf32>
      %add3A_871 = arith.addf %add3A_855, %mul3A_870 : vector<16xf32>
      %mul3A_872 = arith.mulf %gather3A_867, %gather3A_867 : vector<16xf32>
      %add3A_873 = arith.addf %add3A_857, %mul3A_872 : vector<16xf32>
      %mul3A_874 = arith.constant 32 : i32
      %mul3A_875 = vector.broadcast %mul3A_874 : i32 to vector<16xi32>
      %mul3A_876 = arith.muli %and3A_26, %mul3A_875 : vector<16xi32>
      %add3A_877 = arith.constant 15 : i32
      %add3A_878 = vector.broadcast %add3A_877 : i32 to vector<16xi32>
      %add3A_879 = arith.addi %mul3A_876, %add3A_878 : vector<16xi32>
      %gather3A_880 = tpu.vector_load_idx %arg9[%add3A_879, %and3A_626] : memref<256x128xf32, #tpu.memory_space<vmem>>[vector<16xi32>, vector<16xi32>], vector<16xf32>,
      %broadcast_in_dim3A_881 = arith.constant 15 : i32
      %broadcast_in_dim3A_882 = vector.broadcast %broadcast_in_dim3A_881 : i32 to vector<16xi32>
      %gather3A_883 = tpu.vector_load_idx %arg11[%add3A_633, %broadcast_in_dim3A_882] : memref<64x32xf32, #tpu.memory_space<vmem>>[vector<16xi32>, vector<16xi32>], vector<16xf32>,
      %mul3A_884 = arith.mulf %gather3A_880, %gather3A_883 : vector<16xf32>
      %add3A_885 = arith.addf %add3A_869, %mul3A_884 : vector<16xf32>
      %mul3A_886 = arith.mulf %gather3A_880, %gather3A_880 : vector<16xf32>
      %add3A_887 = arith.addf %add3A_871, %mul3A_886 : vector<16xf32>
      %mul3A_888 = arith.mulf %gather3A_883, %gather3A_883 : vector<16xf32>
      %add3A_889 = arith.addf %add3A_873, %mul3A_888 : vector<16xf32>
      %mul3A_890 = arith.constant 32 : i32
      %mul3A_891 = vector.broadcast %mul3A_890 : i32 to vector<16xi32>
      %mul3A_892 = arith.muli %and3A_26, %mul3A_891 : vector<16xi32>
      %add3A_893 = arith.constant 16 : i32
      %add3A_894 = vector.broadcast %add3A_893 : i32 to vector<16xi32>
      %add3A_895 = arith.addi %mul3A_892, %add3A_894 : vector<16xi32>
      %gather3A_896 = tpu.vector_load_idx %arg9[%add3A_895, %and3A_626] : memref<256x128xf32, #tpu.memory_space<vmem>>[vector<16xi32>, vector<16xi32>], vector<16xf32>,
      %broadcast_in_dim3A_897 = arith.constant 16 : i32
      %broadcast_in_dim3A_898 = vector.broadcast %broadcast_in_dim3A_897 : i32 to vector<16xi32>
      %gather3A_899 = tpu.vector_load_idx %arg11[%add3A_633, %broadcast_in_dim3A_898] : memref<64x32xf32, #tpu.memory_space<vmem>>[vector<16xi32>, vector<16xi32>], vector<16xf32>,
      %mul3A_900 = arith.mulf %gather3A_896, %gather3A_899 : vector<16xf32>
      %add3A_901 = arith.addf %add3A_885, %mul3A_900 : vector<16xf32>
      %mul3A_902 = arith.mulf %gather3A_896, %gather3A_896 : vector<16xf32>
      %add3A_903 = arith.addf %add3A_887, %mul3A_902 : vector<16xf32>
      %mul3A_904 = arith.mulf %gather3A_899, %gather3A_899 : vector<16xf32>
      %add3A_905 = arith.addf %add3A_889, %mul3A_904 : vector<16xf32>
      %mul3A_906 = arith.constant 32 : i32
      %mul3A_907 = vector.broadcast %mul3A_906 : i32 to vector<16xi32>
      %mul3A_908 = arith.muli %and3A_26, %mul3A_907 : vector<16xi32>
      %add3A_909 = arith.constant 17 : i32
      %add3A_910 = vector.broadcast %add3A_909 : i32 to vector<16xi32>
      %add3A_911 = arith.addi %mul3A_908, %add3A_910 : vector<16xi32>
      %gather3A_912 = tpu.vector_load_idx %arg9[%add3A_911, %and3A_626] : memref<256x128xf32, #tpu.memory_space<vmem>>[vector<16xi32>, vector<16xi32>], vector<16xf32>,
      %broadcast_in_dim3A_913 = arith.constant 17 : i32
      %broadcast_in_dim3A_914 = vector.broadcast %broadcast_in_dim3A_913 : i32 to vector<16xi32>
      %gather3A_915 = tpu.vector_load_idx %arg11[%add3A_633, %broadcast_in_dim3A_914] : memref<64x32xf32, #tpu.memory_space<vmem>>[vector<16xi32>, vector<16xi32>], vector<16xf32>,
      %mul3A_916 = arith.mulf %gather3A_912, %gather3A_915 : vector<16xf32>
      %add3A_917 = arith.addf %add3A_901, %mul3A_916 : vector<16xf32>
      %mul3A_918 = arith.mulf %gather3A_912, %gather3A_912 : vector<16xf32>
      %add3A_919 = arith.addf %add3A_903, %mul3A_918 : vector<16xf32>
      %mul3A_920 = arith.mulf %gather3A_915, %gather3A_915 : vector<16xf32>
      %add3A_921 = arith.addf %add3A_905, %mul3A_920 : vector<16xf32>
      %mul3A_922 = arith.constant 32 : i32
      %mul3A_923 = vector.broadcast %mul3A_922 : i32 to vector<16xi32>
      %mul3A_924 = arith.muli %and3A_26, %mul3A_923 : vector<16xi32>
      %add3A_925 = arith.constant 18 : i32
      %add3A_926 = vector.broadcast %add3A_925 : i32 to vector<16xi32>
      %add3A_927 = arith.addi %mul3A_924, %add3A_926 : vector<16xi32>
      %gather3A_928 = tpu.vector_load_idx %arg9[%add3A_927, %and3A_626] : memref<256x128xf32, #tpu.memory_space<vmem>>[vector<16xi32>, vector<16xi32>], vector<16xf32>,
      %broadcast_in_dim3A_929 = arith.constant 18 : i32
      %broadcast_in_dim3A_930 = vector.broadcast %broadcast_in_dim3A_929 : i32 to vector<16xi32>
      %gather3A_931 = tpu.vector_load_idx %arg11[%add3A_633, %broadcast_in_dim3A_930] : memref<64x32xf32, #tpu.memory_space<vmem>>[vector<16xi32>, vector<16xi32>], vector<16xf32>,
      %mul3A_932 = arith.mulf %gather3A_928, %gather3A_931 : vector<16xf32>
      %add3A_933 = arith.addf %add3A_917, %mul3A_932 : vector<16xf32>
      %mul3A_934 = arith.mulf %gather3A_928, %gather3A_928 : vector<16xf32>
      %add3A_935 = arith.addf %add3A_919, %mul3A_934 : vector<16xf32>
      %mul3A_936 = arith.mulf %gather3A_931, %gather3A_931 : vector<16xf32>
      %add3A_937 = arith.addf %add3A_921, %mul3A_936 : vector<16xf32>
      %mul3A_938 = arith.constant 32 : i32
      %mul3A_939 = vector.broadcast %mul3A_938 : i32 to vector<16xi32>
      %mul3A_940 = arith.muli %and3A_26, %mul3A_939 : vector<16xi32>
      %add3A_941 = arith.constant 19 : i32
      %add3A_942 = vector.broadcast %add3A_941 : i32 to vector<16xi32>
      %add3A_943 = arith.addi %mul3A_940, %add3A_942 : vector<16xi32>
      %gather3A_944 = tpu.vector_load_idx %arg9[%add3A_943, %and3A_626] : memref<256x128xf32, #tpu.memory_space<vmem>>[vector<16xi32>, vector<16xi32>], vector<16xf32>,
      %broadcast_in_dim3A_945 = arith.constant 19 : i32
      %broadcast_in_dim3A_946 = vector.broadcast %broadcast_in_dim3A_945 : i32 to vector<16xi32>
      %gather3A_947 = tpu.vector_load_idx %arg11[%add3A_633, %broadcast_in_dim3A_946] : memref<64x32xf32, #tpu.memory_space<vmem>>[vector<16xi32>, vector<16xi32>], vector<16xf32>,
      %mul3A_948 = arith.mulf %gather3A_944, %gather3A_947 : vector<16xf32>
      %add3A_949 = arith.addf %add3A_933, %mul3A_948 : vector<16xf32>
      %mul3A_950 = arith.mulf %gather3A_944, %gather3A_944 : vector<16xf32>
      %add3A_951 = arith.addf %add3A_935, %mul3A_950 : vector<16xf32>
      %mul3A_952 = arith.mulf %gather3A_947, %gather3A_947 : vector<16xf32>
      %add3A_953 = arith.addf %add3A_937, %mul3A_952 : vector<16xf32>
      %mul3A_954 = arith.constant 32 : i32
      %mul3A_955 = vector.broadcast %mul3A_954 : i32 to vector<16xi32>
      %mul3A_956 = arith.muli %and3A_26, %mul3A_955 : vector<16xi32>
      %add3A_957 = arith.constant 20 : i32
      %add3A_958 = vector.broadcast %add3A_957 : i32 to vector<16xi32>
      %add3A_959 = arith.addi %mul3A_956, %add3A_958 : vector<16xi32>
      %gather3A_960 = tpu.vector_load_idx %arg9[%add3A_959, %and3A_626] : memref<256x128xf32, #tpu.memory_space<vmem>>[vector<16xi32>, vector<16xi32>], vector<16xf32>,
      %broadcast_in_dim3A_961 = arith.constant 20 : i32
      %broadcast_in_dim3A_962 = vector.broadcast %broadcast_in_dim3A_961 : i32 to vector<16xi32>
      %gather3A_963 = tpu.vector_load_idx %arg11[%add3A_633, %broadcast_in_dim3A_962] : memref<64x32xf32, #tpu.memory_space<vmem>>[vector<16xi32>, vector<16xi32>], vector<16xf32>,
      %mul3A_964 = arith.mulf %gather3A_960, %gather3A_963 : vector<16xf32>
      %add3A_965 = arith.addf %add3A_949, %mul3A_964 : vector<16xf32>
      %mul3A_966 = arith.mulf %gather3A_960, %gather3A_960 : vector<16xf32>
      %add3A_967 = arith.addf %add3A_951, %mul3A_966 : vector<16xf32>
      %mul3A_968 = arith.mulf %gather3A_963, %gather3A_963 : vector<16xf32>
      %add3A_969 = arith.addf %add3A_953, %mul3A_968 : vector<16xf32>
      %mul3A_970 = arith.constant 32 : i32
      %mul3A_971 = vector.broadcast %mul3A_970 : i32 to vector<16xi32>
      %mul3A_972 = arith.muli %and3A_26, %mul3A_971 : vector<16xi32>
      %add3A_973 = arith.constant 21 : i32
      %add3A_974 = vector.broadcast %add3A_973 : i32 to vector<16xi32>
      %add3A_975 = arith.addi %mul3A_972, %add3A_974 : vector<16xi32>
      %gather3A_976 = tpu.vector_load_idx %arg9[%add3A_975, %and3A_626] : memref<256x128xf32, #tpu.memory_space<vmem>>[vector<16xi32>, vector<16xi32>], vector<16xf32>,
      %broadcast_in_dim3A_977 = arith.constant 21 : i32
      %broadcast_in_dim3A_978 = vector.broadcast %broadcast_in_dim3A_977 : i32 to vector<16xi32>
      %gather3A_979 = tpu.vector_load_idx %arg11[%add3A_633, %broadcast_in_dim3A_978] : memref<64x32xf32, #tpu.memory_space<vmem>>[vector<16xi32>, vector<16xi32>], vector<16xf32>,
      %mul3A_980 = arith.mulf %gather3A_976, %gather3A_979 : vector<16xf32>
      %add3A_981 = arith.addf %add3A_965, %mul3A_980 : vector<16xf32>
      %mul3A_982 = arith.mulf %gather3A_976, %gather3A_976 : vector<16xf32>
      %add3A_983 = arith.addf %add3A_967, %mul3A_982 : vector<16xf32>
      %mul3A_984 = arith.mulf %gather3A_979, %gather3A_979 : vector<16xf32>
      %add3A_985 = arith.addf %add3A_969, %mul3A_984 : vector<16xf32>
      %mul3A_986 = arith.constant 32 : i32
      %mul3A_987 = vector.broadcast %mul3A_986 : i32 to vector<16xi32>
      %mul3A_988 = arith.muli %and3A_26, %mul3A_987 : vector<16xi32>
      %add3A_989 = arith.constant 22 : i32
      %add3A_990 = vector.broadcast %add3A_989 : i32 to vector<16xi32>
      %add3A_991 = arith.addi %mul3A_988, %add3A_990 : vector<16xi32>
      %gather3A_992 = tpu.vector_load_idx %arg9[%add3A_991, %and3A_626] : memref<256x128xf32, #tpu.memory_space<vmem>>[vector<16xi32>, vector<16xi32>], vector<16xf32>,
      %broadcast_in_dim3A_993 = arith.constant 22 : i32
      %broadcast_in_dim3A_994 = vector.broadcast %broadcast_in_dim3A_993 : i32 to vector<16xi32>
      %gather3A_995 = tpu.vector_load_idx %arg11[%add3A_633, %broadcast_in_dim3A_994] : memref<64x32xf32, #tpu.memory_space<vmem>>[vector<16xi32>, vector<16xi32>], vector<16xf32>,
      %mul3A_996 = arith.mulf %gather3A_992, %gather3A_995 : vector<16xf32>
      %add3A_997 = arith.addf %add3A_981, %mul3A_996 : vector<16xf32>
      %mul3A_998 = arith.mulf %gather3A_992, %gather3A_992 : vector<16xf32>
      %add3A_999 = arith.addf %add3A_983, %mul3A_998 : vector<16xf32>
      %mul3A_1000 = arith.mulf %gather3A_995, %gather3A_995 : vector<16xf32>
      %add3A_1001 = arith.addf %add3A_985, %mul3A_1000 : vector<16xf32>
      %mul3A_1002 = arith.constant 32 : i32
      %mul3A_1003 = vector.broadcast %mul3A_1002 : i32 to vector<16xi32>
      %mul3A_1004 = arith.muli %and3A_26, %mul3A_1003 : vector<16xi32>
      %add3A_1005 = arith.constant 23 : i32
      %add3A_1006 = vector.broadcast %add3A_1005 : i32 to vector<16xi32>
      %add3A_1007 = arith.addi %mul3A_1004, %add3A_1006 : vector<16xi32>
      %gather3A_1008 = tpu.vector_load_idx %arg9[%add3A_1007, %and3A_626] : memref<256x128xf32, #tpu.memory_space<vmem>>[vector<16xi32>, vector<16xi32>], vector<16xf32>,
      %broadcast_in_dim3A_1009 = arith.constant 23 : i32
      %broadcast_in_dim3A_1010 = vector.broadcast %broadcast_in_dim3A_1009 : i32 to vector<16xi32>
      %gather3A_1011 = tpu.vector_load_idx %arg11[%add3A_633, %broadcast_in_dim3A_1010] : memref<64x32xf32, #tpu.memory_space<vmem>>[vector<16xi32>, vector<16xi32>], vector<16xf32>,
      %mul3A_1012 = arith.mulf %gather3A_1008, %gather3A_1011 : vector<16xf32>
      %add3A_1013 = arith.addf %add3A_997, %mul3A_1012 : vector<16xf32>
      %mul3A_1014 = arith.mulf %gather3A_1008, %gather3A_1008 : vector<16xf32>
      %add3A_1015 = arith.addf %add3A_999, %mul3A_1014 : vector<16xf32>
      %mul3A_1016 = arith.mulf %gather3A_1011, %gather3A_1011 : vector<16xf32>
      %add3A_1017 = arith.addf %add3A_1001, %mul3A_1016 : vector<16xf32>
      %mul3A_1018 = arith.constant 32 : i32
      %mul3A_1019 = vector.broadcast %mul3A_1018 : i32 to vector<16xi32>
      %mul3A_1020 = arith.muli %and3A_26, %mul3A_1019 : vector<16xi32>
      %add3A_1021 = arith.constant 24 : i32
      %add3A_1022 = vector.broadcast %add3A_1021 : i32 to vector<16xi32>
      %add3A_1023 = arith.addi %mul3A_1020, %add3A_1022 : vector<16xi32>
      %gather3A_1024 = tpu.vector_load_idx %arg9[%add3A_1023, %and3A_626] : memref<256x128xf32, #tpu.memory_space<vmem>>[vector<16xi32>, vector<16xi32>], vector<16xf32>,
      %broadcast_in_dim3A_1025 = arith.constant 24 : i32
      %broadcast_in_dim3A_1026 = vector.broadcast %broadcast_in_dim3A_1025 : i32 to vector<16xi32>
      %gather3A_1027 = tpu.vector_load_idx %arg11[%add3A_633, %broadcast_in_dim3A_1026] : memref<64x32xf32, #tpu.memory_space<vmem>>[vector<16xi32>, vector<16xi32>], vector<16xf32>,
      %mul3A_1028 = arith.mulf %gather3A_1024, %gather3A_1027 : vector<16xf32>
      %add3A_1029 = arith.addf %add3A_1013, %mul3A_1028 : vector<16xf32>
      %mul3A_1030 = arith.mulf %gather3A_1024, %gather3A_1024 : vector<16xf32>
      %add3A_1031 = arith.addf %add3A_1015, %mul3A_1030 : vector<16xf32>
      %mul3A_1032 = arith.mulf %gather3A_1027, %gather3A_1027 : vector<16xf32>
      %add3A_1033 = arith.addf %add3A_1017, %mul3A_1032 : vector<16xf32>
      %mul3A_1034 = arith.constant 32 : i32
      %mul3A_1035 = vector.broadcast %mul3A_1034 : i32 to vector<16xi32>
      %mul3A_1036 = arith.muli %and3A_26, %mul3A_1035 : vector<16xi32>
      %add3A_1037 = arith.constant 25 : i32
      %add3A_1038 = vector.broadcast %add3A_1037 : i32 to vector<16xi32>
      %add3A_1039 = arith.addi %mul3A_1036, %add3A_1038 : vector<16xi32>
      %gather3A_1040 = tpu.vector_load_idx %arg9[%add3A_1039, %and3A_626] : memref<256x128xf32, #tpu.memory_space<vmem>>[vector<16xi32>, vector<16xi32>], vector<16xf32>,
      %broadcast_in_dim3A_1041 = arith.constant 25 : i32
      %broadcast_in_dim3A_1042 = vector.broadcast %broadcast_in_dim3A_1041 : i32 to vector<16xi32>
      %gather3A_1043 = tpu.vector_load_idx %arg11[%add3A_633, %broadcast_in_dim3A_1042] : memref<64x32xf32, #tpu.memory_space<vmem>>[vector<16xi32>, vector<16xi32>], vector<16xf32>,
      %mul3A_1044 = arith.mulf %gather3A_1040, %gather3A_1043 : vector<16xf32>
      %add3A_1045 = arith.addf %add3A_1029, %mul3A_1044 : vector<16xf32>
      %mul3A_1046 = arith.mulf %gather3A_1040, %gather3A_1040 : vector<16xf32>
      %add3A_1047 = arith.addf %add3A_1031, %mul3A_1046 : vector<16xf32>
      %mul3A_1048 = arith.mulf %gather3A_1043, %gather3A_1043 : vector<16xf32>
      %add3A_1049 = arith.addf %add3A_1033, %mul3A_1048 : vector<16xf32>
      %mul3A_1050 = arith.constant 32 : i32
      %mul3A_1051 = vector.broadcast %mul3A_1050 : i32 to vector<16xi32>
      %mul3A_1052 = arith.muli %and3A_26, %mul3A_1051 : vector<16xi32>
      %add3A_1053 = arith.constant 26 : i32
      %add3A_1054 = vector.broadcast %add3A_1053 : i32 to vector<16xi32>
      %add3A_1055 = arith.addi %mul3A_1052, %add3A_1054 : vector<16xi32>
      %gather3A_1056 = tpu.vector_load_idx %arg9[%add3A_1055, %and3A_626] : memref<256x128xf32, #tpu.memory_space<vmem>>[vector<16xi32>, vector<16xi32>], vector<16xf32>,
      %broadcast_in_dim3A_1057 = arith.constant 26 : i32
      %broadcast_in_dim3A_1058 = vector.broadcast %broadcast_in_dim3A_1057 : i32 to vector<16xi32>
      %gather3A_1059 = tpu.vector_load_idx %arg11[%add3A_633, %broadcast_in_dim3A_1058] : memref<64x32xf32, #tpu.memory_space<vmem>>[vector<16xi32>, vector<16xi32>], vector<16xf32>,
      %mul3A_1060 = arith.mulf %gather3A_1056, %gather3A_1059 : vector<16xf32>
      %add3A_1061 = arith.addf %add3A_1045, %mul3A_1060 : vector<16xf32>
      %mul3A_1062 = arith.mulf %gather3A_1056, %gather3A_1056 : vector<16xf32>
      %add3A_1063 = arith.addf %add3A_1047, %mul3A_1062 : vector<16xf32>
      %mul3A_1064 = arith.mulf %gather3A_1059, %gather3A_1059 : vector<16xf32>
      %add3A_1065 = arith.addf %add3A_1049, %mul3A_1064 : vector<16xf32>
      %mul3A_1066 = arith.constant 32 : i32
      %mul3A_1067 = vector.broadcast %mul3A_1066 : i32 to vector<16xi32>
      %mul3A_1068 = arith.muli %and3A_26, %mul3A_1067 : vector<16xi32>
      %add3A_1069 = arith.constant 27 : i32
      %add3A_1070 = vector.broadcast %add3A_1069 : i32 to vector<16xi32>
      %add3A_1071 = arith.addi %mul3A_1068, %add3A_1070 : vector<16xi32>
      %gather3A_1072 = tpu.vector_load_idx %arg9[%add3A_1071, %and3A_626] : memref<256x128xf32, #tpu.memory_space<vmem>>[vector<16xi32>, vector<16xi32>], vector<16xf32>,
      %broadcast_in_dim3A_1073 = arith.constant 27 : i32
      %broadcast_in_dim3A_1074 = vector.broadcast %broadcast_in_dim3A_1073 : i32 to vector<16xi32>
      %gather3A_1075 = tpu.vector_load_idx %arg11[%add3A_633, %broadcast_in_dim3A_1074] : memref<64x32xf32, #tpu.memory_space<vmem>>[vector<16xi32>, vector<16xi32>], vector<16xf32>,
      %mul3A_1076 = arith.mulf %gather3A_1072, %gather3A_1075 : vector<16xf32>
      %add3A_1077 = arith.addf %add3A_1061, %mul3A_1076 : vector<16xf32>
      %mul3A_1078 = arith.mulf %gather3A_1072, %gather3A_1072 : vector<16xf32>
      %add3A_1079 = arith.addf %add3A_1063, %mul3A_1078 : vector<16xf32>
      %mul3A_1080 = arith.mulf %gather3A_1075, %gather3A_1075 : vector<16xf32>
      %add3A_1081 = arith.addf %add3A_1065, %mul3A_1080 : vector<16xf32>
      %mul3A_1082 = arith.constant 32 : i32
      %mul3A_1083 = vector.broadcast %mul3A_1082 : i32 to vector<16xi32>
      %mul3A_1084 = arith.muli %and3A_26, %mul3A_1083 : vector<16xi32>
      %add3A_1085 = arith.constant 28 : i32
      %add3A_1086 = vector.broadcast %add3A_1085 : i32 to vector<16xi32>
      %add3A_1087 = arith.addi %mul3A_1084, %add3A_1086 : vector<16xi32>
      %gather3A_1088 = tpu.vector_load_idx %arg9[%add3A_1087, %and3A_626] : memref<256x128xf32, #tpu.memory_space<vmem>>[vector<16xi32>, vector<16xi32>], vector<16xf32>,
      %broadcast_in_dim3A_1089 = arith.constant 28 : i32
      %broadcast_in_dim3A_1090 = vector.broadcast %broadcast_in_dim3A_1089 : i32 to vector<16xi32>
      %gather3A_1091 = tpu.vector_load_idx %arg11[%add3A_633, %broadcast_in_dim3A_1090] : memref<64x32xf32, #tpu.memory_space<vmem>>[vector<16xi32>, vector<16xi32>], vector<16xf32>,
      %mul3A_1092 = arith.mulf %gather3A_1088, %gather3A_1091 : vector<16xf32>
      %add3A_1093 = arith.addf %add3A_1077, %mul3A_1092 : vector<16xf32>
      %mul3A_1094 = arith.mulf %gather3A_1088, %gather3A_1088 : vector<16xf32>
      %add3A_1095 = arith.addf %add3A_1079, %mul3A_1094 : vector<16xf32>
      %mul3A_1096 = arith.mulf %gather3A_1091, %gather3A_1091 : vector<16xf32>
      %add3A_1097 = arith.addf %add3A_1081, %mul3A_1096 : vector<16xf32>
      %mul3A_1098 = arith.constant 32 : i32
      %mul3A_1099 = vector.broadcast %mul3A_1098 : i32 to vector<16xi32>
      %mul3A_1100 = arith.muli %and3A_26, %mul3A_1099 : vector<16xi32>
      %add3A_1101 = arith.constant 29 : i32
      %add3A_1102 = vector.broadcast %add3A_1101 : i32 to vector<16xi32>
      %add3A_1103 = arith.addi %mul3A_1100, %add3A_1102 : vector<16xi32>
      %gather3A_1104 = tpu.vector_load_idx %arg9[%add3A_1103, %and3A_626] : memref<256x128xf32, #tpu.memory_space<vmem>>[vector<16xi32>, vector<16xi32>], vector<16xf32>,
      %broadcast_in_dim3A_1105 = arith.constant 29 : i32
      %broadcast_in_dim3A_1106 = vector.broadcast %broadcast_in_dim3A_1105 : i32 to vector<16xi32>
      %gather3A_1107 = tpu.vector_load_idx %arg11[%add3A_633, %broadcast_in_dim3A_1106] : memref<64x32xf32, #tpu.memory_space<vmem>>[vector<16xi32>, vector<16xi32>], vector<16xf32>,
      %mul3A_1108 = arith.mulf %gather3A_1104, %gather3A_1107 : vector<16xf32>
      %add3A_1109 = arith.addf %add3A_1093, %mul3A_1108 : vector<16xf32>
      %mul3A_1110 = arith.mulf %gather3A_1104, %gather3A_1104 : vector<16xf32>
      %add3A_1111 = arith.addf %add3A_1095, %mul3A_1110 : vector<16xf32>
      %mul3A_1112 = arith.mulf %gather3A_1107, %gather3A_1107 : vector<16xf32>
      %add3A_1113 = arith.addf %add3A_1097, %mul3A_1112 : vector<16xf32>
      %mul3A_1114 = arith.constant 32 : i32
      %mul3A_1115 = vector.broadcast %mul3A_1114 : i32 to vector<16xi32>
      %mul3A_1116 = arith.muli %and3A_26, %mul3A_1115 : vector<16xi32>
      %add3A_1117 = arith.constant 30 : i32
      %add3A_1118 = vector.broadcast %add3A_1117 : i32 to vector<16xi32>
      %add3A_1119 = arith.addi %mul3A_1116, %add3A_1118 : vector<16xi32>
      %gather3A_1120 = tpu.vector_load_idx %arg9[%add3A_1119, %and3A_626] : memref<256x128xf32, #tpu.memory_space<vmem>>[vector<16xi32>, vector<16xi32>], vector<16xf32>,
      %broadcast_in_dim3A_1121 = arith.constant 30 : i32
      %broadcast_in_dim3A_1122 = vector.broadcast %broadcast_in_dim3A_1121 : i32 to vector<16xi32>
      %gather3A_1123 = tpu.vector_load_idx %arg11[%add3A_633, %broadcast_in_dim3A_1122] : memref<64x32xf32, #tpu.memory_space<vmem>>[vector<16xi32>, vector<16xi32>], vector<16xf32>,
      %mul3A_1124 = arith.mulf %gather3A_1120, %gather3A_1123 : vector<16xf32>
      %add3A_1125 = arith.addf %add3A_1109, %mul3A_1124 : vector<16xf32>
      %mul3A_1126 = arith.mulf %gather3A_1120, %gather3A_1120 : vector<16xf32>
      %add3A_1127 = arith.addf %add3A_1111, %mul3A_1126 : vector<16xf32>
      %mul3A_1128 = arith.mulf %gather3A_1123, %gather3A_1123 : vector<16xf32>
      %add3A_1129 = arith.addf %add3A_1113, %mul3A_1128 : vector<16xf32>
      %mul3A_1130 = arith.constant 32 : i32
      %mul3A_1131 = vector.broadcast %mul3A_1130 : i32 to vector<16xi32>
      %mul3A_1132 = arith.muli %and3A_26, %mul3A_1131 : vector<16xi32>
      %add3A_1133 = arith.constant 31 : i32
      %add3A_1134 = vector.broadcast %add3A_1133 : i32 to vector<16xi32>
      %add3A_1135 = arith.addi %mul3A_1132, %add3A_1134 : vector<16xi32>
      %gather3A_1136 = tpu.vector_load_idx %arg9[%add3A_1135, %and3A_626] : memref<256x128xf32, #tpu.memory_space<vmem>>[vector<16xi32>, vector<16xi32>], vector<16xf32>,
      %broadcast_in_dim3A_1137 = arith.constant 31 : i32
      %broadcast_in_dim3A_1138 = vector.broadcast %broadcast_in_dim3A_1137 : i32 to vector<16xi32>
      %gather3A_1139 = tpu.vector_load_idx %arg11[%add3A_633, %broadcast_in_dim3A_1138] : memref<64x32xf32, #tpu.memory_space<vmem>>[vector<16xi32>, vector<16xi32>], vector<16xf32>,
      %mul3A_1140 = arith.mulf %gather3A_1136, %gather3A_1139 : vector<16xf32>
      %add3A_1141 = arith.addf %add3A_1125, %mul3A_1140 : vector<16xf32>
      %mul3A_1142 = arith.mulf %gather3A_1136, %gather3A_1136 : vector<16xf32>
      %add3A_1143 = arith.addf %add3A_1127, %mul3A_1142 : vector<16xf32>
      %mul3A_1144 = arith.mulf %gather3A_1139, %gather3A_1139 : vector<16xf32>
      %add3A_1145 = arith.addf %add3A_1129, %mul3A_1144 : vector<16xf32>
      %max3A = vector.broadcast %scan3A_298 : f32 to vector<16xf32>
      %max3A_1146 = arith.maximumf %add3A_1143, %max3A : vector<16xf32>
      %max3A_1147 = vector.broadcast %scan3A_298 : f32 to vector<16xf32>
      %max3A_1148 = arith.maximumf %add3A_1145, %max3A_1147 : vector<16xf32>
      %bitcast_convert_type3A = tpu.bitcast %max3A_1146 : vector<16xf32> -> vector<16xi32>
      %shift_right_arithmetic3A_1149 = arith.constant 1 : i32
      %shift_right_arithmetic3A_1150 = vector.broadcast %shift_right_arithmetic3A_1149 : i32 to vector<16xi32>
      %shift_right_arithmetic3A_1151 = arith.shrsi %bitcast_convert_type3A, %shift_right_arithmetic3A_1150 : vector<16xi32>
      %sub3A = arith.constant 1597463007 : i32
      %sub3A_1152 = vector.broadcast %sub3A : i32 to vector<16xi32>
      %sub3A_1153 = arith.subi %sub3A_1152, %shift_right_arithmetic3A_1151 : vector<16xi32>
      %bitcast_convert_type3A_1154 = tpu.bitcast %sub3A_1153 : vector<16xi32> -> vector<16xf32>
      %mul3A_1155 = arith.constant 5.000000e-01 : f32
      %mul3A_1156 = vector.broadcast %mul3A_1155 : f32 to vector<16xf32>
      %mul3A_1157 = arith.mulf %mul3A_1156, %max3A_1146 : vector<16xf32>
      %mul3A_1158 = arith.mulf %mul3A_1157, %bitcast_convert_type3A_1154 : vector<16xf32>
      %mul3A_1159 = arith.mulf %mul3A_1158, %bitcast_convert_type3A_1154 : vector<16xf32>
      %sub3A_1160 = arith.constant 1.500000e+00 : f32
      %sub3A_1161 = vector.broadcast %sub3A_1160 : f32 to vector<16xf32>
      %sub3A_1162 = arith.subf %sub3A_1161, %mul3A_1159 : vector<16xf32>
      %mul3A_1163 = arith.mulf %bitcast_convert_type3A_1154, %sub3A_1162 : vector<16xf32>
      %mul3A_1164 = arith.constant 5.000000e-01 : f32
      %mul3A_1165 = vector.broadcast %mul3A_1164 : f32 to vector<16xf32>
      %mul3A_1166 = arith.mulf %mul3A_1165, %max3A_1146 : vector<16xf32>
      %mul3A_1167 = arith.mulf %mul3A_1166, %mul3A_1163 : vector<16xf32>
      %mul3A_1168 = arith.mulf %mul3A_1167, %mul3A_1163 : vector<16xf32>
      %sub3A_1169 = arith.constant 1.500000e+00 : f32
      %sub3A_1170 = vector.broadcast %sub3A_1169 : f32 to vector<16xf32>
      %sub3A_1171 = arith.subf %sub3A_1170, %mul3A_1168 : vector<16xf32>
      %mul3A_1172 = arith.mulf %mul3A_1163, %sub3A_1171 : vector<16xf32>
      %mul3A_1173 = arith.constant 5.000000e-01 : f32
      %mul3A_1174 = vector.broadcast %mul3A_1173 : f32 to vector<16xf32>
      %mul3A_1175 = arith.mulf %mul3A_1174, %max3A_1146 : vector<16xf32>
      %mul3A_1176 = arith.mulf %mul3A_1175, %mul3A_1172 : vector<16xf32>
      %mul3A_1177 = arith.mulf %mul3A_1176, %mul3A_1172 : vector<16xf32>
      %sub3A_1178 = arith.constant 1.500000e+00 : f32
      %sub3A_1179 = vector.broadcast %sub3A_1178 : f32 to vector<16xf32>
      %sub3A_1180 = arith.subf %sub3A_1179, %mul3A_1177 : vector<16xf32>
      %mul3A_1181 = arith.mulf %mul3A_1172, %sub3A_1180 : vector<16xf32>
      %mul3A_1182 = arith.mulf %add3A_1141, %mul3A_1181 : vector<16xf32>
      %bitcast_convert_type3A_1183 = tpu.bitcast %max3A_1148 : vector<16xf32> -> vector<16xi32>
      %shift_right_arithmetic3A_1184 = arith.constant 1 : i32
      %shift_right_arithmetic3A_1185 = vector.broadcast %shift_right_arithmetic3A_1184 : i32 to vector<16xi32>
      %shift_right_arithmetic3A_1186 = arith.shrsi %bitcast_convert_type3A_1183, %shift_right_arithmetic3A_1185 : vector<16xi32>
      %sub3A_1187 = arith.constant 1597463007 : i32
      %sub3A_1188 = vector.broadcast %sub3A_1187 : i32 to vector<16xi32>
      %sub3A_1189 = arith.subi %sub3A_1188, %shift_right_arithmetic3A_1186 : vector<16xi32>
      %bitcast_convert_type3A_1190 = tpu.bitcast %sub3A_1189 : vector<16xi32> -> vector<16xf32>
      %mul3A_1191 = arith.constant 5.000000e-01 : f32
      %mul3A_1192 = vector.broadcast %mul3A_1191 : f32 to vector<16xf32>
      %mul3A_1193 = arith.mulf %mul3A_1192, %max3A_1148 : vector<16xf32>
      %mul3A_1194 = arith.mulf %mul3A_1193, %bitcast_convert_type3A_1190 : vector<16xf32>
      %mul3A_1195 = arith.mulf %mul3A_1194, %bitcast_convert_type3A_1190 : vector<16xf32>
      %sub3A_1196 = arith.constant 1.500000e+00 : f32
      %sub3A_1197 = vector.broadcast %sub3A_1196 : f32 to vector<16xf32>
      %sub3A_1198 = arith.subf %sub3A_1197, %mul3A_1195 : vector<16xf32>
      %mul3A_1199 = arith.mulf %bitcast_convert_type3A_1190, %sub3A_1198 : vector<16xf32>
      %mul3A_1200 = arith.constant 5.000000e-01 : f32
      %mul3A_1201 = vector.broadcast %mul3A_1200 : f32 to vector<16xf32>
      %mul3A_1202 = arith.mulf %mul3A_1201, %max3A_1148 : vector<16xf32>
      %mul3A_1203 = arith.mulf %mul3A_1202, %mul3A_1199 : vector<16xf32>
      %mul3A_1204 = arith.mulf %mul3A_1203, %mul3A_1199 : vector<16xf32>
      %sub3A_1205 = arith.constant 1.500000e+00 : f32
      %sub3A_1206 = vector.broadcast %sub3A_1205 : f32 to vector<16xf32>
      %sub3A_1207 = arith.subf %sub3A_1206, %mul3A_1204 : vector<16xf32>
      %mul3A_1208 = arith.mulf %mul3A_1199, %sub3A_1207 : vector<16xf32>
      %mul3A_1209 = arith.constant 5.000000e-01 : f32
      %mul3A_1210 = vector.broadcast %mul3A_1209 : f32 to vector<16xf32>
      %mul3A_1211 = arith.mulf %mul3A_1210, %max3A_1148 : vector<16xf32>
      %mul3A_1212 = arith.mulf %mul3A_1211, %mul3A_1208 : vector<16xf32>
      %mul3A_1213 = arith.mulf %mul3A_1212, %mul3A_1208 : vector<16xf32>
      %sub3A_1214 = arith.constant 1.500000e+00 : f32
      %sub3A_1215 = vector.broadcast %sub3A_1214 : f32 to vector<16xf32>
      %sub3A_1216 = arith.subf %sub3A_1215, %mul3A_1213 : vector<16xf32>
      %mul3A_1217 = arith.mulf %mul3A_1208, %sub3A_1216 : vector<16xf32>
      %mul3A_1218 = arith.mulf %mul3A_1182, %mul3A_1217 : vector<16xf32>
      %lt3A = arith.constant 31 : i32
      %lt3A_1219 = arith.cmpi slt, %scan3A_304, %lt3A : i32
      %convert_element_type3A = arith.extui %lt3A_1219 : i1 to i32
      %cond3A = arith.constant 0 : i32
      %cond3A_1220 = arith.cmpi ne, %convert_element_type3A, %cond3A : i32
      scf.if %cond3A_1220 {
        %add3A_1870 = arith.constant 2 : i32
        %add3A_1871 = arith.addi %mul3A_306, %add3A_1870 : i32
        %mul3A_1872 = arith.constant 8 : i32
        %mul3A_1873 = arith.muli %add3A_1871, %mul3A_1872 : i32
        %get3A_1874 = arith.index_cast %mul3A_1873 : i32 to index
        %get3A_1875 = tpu.vector_load %arg7[%get3A_1874] {strides = array<i32>} : memref<528xi32, #tpu.memory_space<vmem>>, vector<16xi32>,
        %mul3A_1876 = arith.constant 8 : i32
        %mul3A_1877 = arith.muli %add3A_1871, %mul3A_1876 : i32
        %get3A_1878 = arith.index_cast %mul3A_1877 : i32 to index
        %get3A_1879 = tpu.vector_load %arg8[%get3A_1878] {strides = array<i32>} : memref<528xi32, #tpu.memory_space<vmem>>, vector<16xi32>,
        %slice3A_1880 = vector.extract_strided_slice %get3A_1875 {offsets = [0], sizes = [1], strides = [1]} : vector<16xi32> to vector<1xi32>
        %squeeze3A_1881 = vector.extract %slice3A_1880[0] : i32 from vector<1xi32>
        %slice3A_1882 = vector.extract_strided_slice %get3A_1879 {offsets = [0], sizes = [1], strides = [1]} : vector<16xi32> to vector<1xi32>
        %squeeze3A_1883 = vector.extract %slice3A_1882[0] : i32 from vector<1xi32>
        %shift_right_arithmetic3A_1884 = arith.constant 7 : i32
        %shift_right_arithmetic3A_1885 = arith.shrsi %squeeze3A_1881, %shift_right_arithmetic3A_1884 : i32
        %shift_left3A_1886 = arith.constant 7 : i32
        %shift_left3A_1887 = arith.shli %shift_right_arithmetic3A_1885, %shift_left3A_1886 : i32
        %multiple_of3A_1888 = tpu.assume_multiple %shift_left3A_1887, 128 : i32
        %multiple_of3A_1889 = arith.constant 0 : i32
        %multiple_of3A_1890 = tpu.assume_multiple %multiple_of3A_1889, 8 : i32
        %dma_start3A_1891 = arith.constant 0 : i32
        %dma_start3A_1892 = tpu.memref_slice %arg9[%multiple_of3A_1890, %dma_start3A_1891] : memref<256x128xf32, #tpu.memory_space<vmem>> -> memref<32x128xf32, #tpu.memory_space<vmem>>
        %dma_start3A_1893 = arith.constant 0 : i32
        %dma_start3A_1894 = tpu.memref_slice %arg4[%dma_start3A_1893, %multiple_of3A_1888] : memref<32x1000001xf32, #tpu.memory_space<hbm>> -> memref<32x128xf32, #tpu.memory_space<hbm>>
        %dma_start3A_1895 = arith.constant 0 : i32
        %dma_start3A_1896 = tpu.memref_slice %arg9[%multiple_of3A_1890, %dma_start3A_1895] : memref<256x128xf32, #tpu.memory_space<vmem>> -> memref<32x128xf32, #tpu.memory_space<vmem>>
        %dma_start3A_1897 = arith.constant 0 : i32
        %dma_start3A_1898 = tpu.memref_slice %arg4[%dma_start3A_1897, %multiple_of3A_1888] : memref<32x1000001xf32, #tpu.memory_space<hbm>> -> memref<32x128xf32, #tpu.memory_space<hbm>>
        tpu.enqueue_dma source(%dma_start3A_1898 : memref<32x128xf32, #tpu.memory_space<hbm>>) target(%dma_start3A_1896 : memref<32x128xf32, #tpu.memory_space<vmem>>) target_semaphore(%arg15 : memref<!tpu.dma_semaphore, #tpu.memory_space<semaphore_mem>>)
        %shift_right_arithmetic3A_1899 = arith.constant 3 : i32
        %shift_right_arithmetic3A_1900 = arith.shrsi %squeeze3A_1883, %shift_right_arithmetic3A_1899 : i32
        %shift_left3A_1901 = arith.constant 3 : i32
        %shift_left3A_1902 = arith.shli %shift_right_arithmetic3A_1900, %shift_left3A_1901 : i32
        %multiple_of3A_1903 = tpu.assume_multiple %shift_left3A_1902, 8 : i32
        %multiple_of3A_1904 = arith.constant 0 : i32
        %multiple_of3A_1905 = tpu.assume_multiple %multiple_of3A_1904, 8 : i32
        %dma_start3A_1906 = arith.constant 0 : i32
        %dma_start3A_1907 = tpu.memref_slice %arg11[%multiple_of3A_1905, %dma_start3A_1906] : memref<64x32xf32, #tpu.memory_space<vmem>> -> memref<8x32xf32, #tpu.memory_space<vmem>>
        %dma_start3A_1908 = arith.constant 0 : i32
        %dma_start3A_1909 = tpu.memref_slice %arg5[%multiple_of3A_1903, %dma_start3A_1908] : memref<100001x32xf32, #tpu.memory_space<hbm>> -> memref<8x32xf32, #tpu.memory_space<hbm>>
        %dma_start3A_1910 = arith.constant 0 : i32
        %dma_start3A_1911 = tpu.memref_slice %arg11[%multiple_of3A_1905, %dma_start3A_1910] : memref<64x32xf32, #tpu.memory_space<vmem>> -> memref<8x32xf32, #tpu.memory_space<vmem>>
        %dma_start3A_1912 = arith.constant 0 : i32
        %dma_start3A_1913 = tpu.memref_slice %arg5[%multiple_of3A_1903, %dma_start3A_1912] : memref<100001x32xf32, #tpu.memory_space<hbm>> -> memref<8x32xf32, #tpu.memory_space<hbm>>
        tpu.enqueue_dma source(%dma_start3A_1913 : memref<8x32xf32, #tpu.memory_space<hbm>>) target(%dma_start3A_1911 : memref<8x32xf32, #tpu.memory_space<vmem>>) target_semaphore(%arg17 : memref<!tpu.dma_semaphore, #tpu.memory_space<semaphore_mem>>)
        %slice3A_1914 = vector.extract_strided_slice %get3A_1875 {offsets = [1], sizes = [1], strides = [1]} : vector<16xi32> to vector<1xi32>
        %squeeze3A_1915 = vector.extract %slice3A_1914[0] : i32 from vector<1xi32>
        %slice3A_1916 = vector.extract_strided_slice %get3A_1879 {offsets = [1], sizes = [1], strides = [1]} : vector<16xi32> to vector<1xi32>
        %squeeze3A_1917 = vector.extract %slice3A_1916[0] : i32 from vector<1xi32>
        %shift_right_arithmetic3A_1918 = arith.constant 7 : i32
        %shift_right_arithmetic3A_1919 = arith.shrsi %squeeze3A_1915, %shift_right_arithmetic3A_1918 : i32
        %shift_left3A_1920 = arith.constant 7 : i32
        %shift_left3A_1921 = arith.shli %shift_right_arithmetic3A_1919, %shift_left3A_1920 : i32
        %multiple_of3A_1922 = tpu.assume_multiple %shift_left3A_1921, 128 : i32
        %multiple_of3A_1923 = arith.constant 32 : i32
        %multiple_of3A_1924 = tpu.assume_multiple %multiple_of3A_1923, 8 : i32
        %dma_start3A_1925 = arith.constant 0 : i32
        %dma_start3A_1926 = tpu.memref_slice %arg9[%multiple_of3A_1924, %dma_start3A_1925] : memref<256x128xf32, #tpu.memory_space<vmem>> -> memref<32x128xf32, #tpu.memory_space<vmem>>
        %dma_start3A_1927 = arith.constant 0 : i32
        %dma_start3A_1928 = tpu.memref_slice %arg4[%dma_start3A_1927, %multiple_of3A_1922] : memref<32x1000001xf32, #tpu.memory_space<hbm>> -> memref<32x128xf32, #tpu.memory_space<hbm>>
        %dma_start3A_1929 = arith.constant 0 : i32
        %dma_start3A_1930 = tpu.memref_slice %arg9[%multiple_of3A_1924, %dma_start3A_1929] : memref<256x128xf32, #tpu.memory_space<vmem>> -> memref<32x128xf32, #tpu.memory_space<vmem>>
        %dma_start3A_1931 = arith.constant 0 : i32
        %dma_start3A_1932 = tpu.memref_slice %arg4[%dma_start3A_1931, %multiple_of3A_1922] : memref<32x1000001xf32, #tpu.memory_space<hbm>> -> memref<32x128xf32, #tpu.memory_space<hbm>>
        tpu.enqueue_dma source(%dma_start3A_1932 : memref<32x128xf32, #tpu.memory_space<hbm>>) target(%dma_start3A_1930 : memref<32x128xf32, #tpu.memory_space<vmem>>) target_semaphore(%arg15 : memref<!tpu.dma_semaphore, #tpu.memory_space<semaphore_mem>>)
        %shift_right_arithmetic3A_1933 = arith.constant 3 : i32
        %shift_right_arithmetic3A_1934 = arith.shrsi %squeeze3A_1917, %shift_right_arithmetic3A_1933 : i32
        %shift_left3A_1935 = arith.constant 3 : i32
        %shift_left3A_1936 = arith.shli %shift_right_arithmetic3A_1934, %shift_left3A_1935 : i32
        %multiple_of3A_1937 = tpu.assume_multiple %shift_left3A_1936, 8 : i32
        %multiple_of3A_1938 = arith.constant 8 : i32
        %multiple_of3A_1939 = tpu.assume_multiple %multiple_of3A_1938, 8 : i32
        %dma_start3A_1940 = arith.constant 0 : i32
        %dma_start3A_1941 = tpu.memref_slice %arg11[%multiple_of3A_1939, %dma_start3A_1940] : memref<64x32xf32, #tpu.memory_space<vmem>> -> memref<8x32xf32, #tpu.memory_space<vmem>>
        %dma_start3A_1942 = arith.constant 0 : i32
        %dma_start3A_1943 = tpu.memref_slice %arg5[%multiple_of3A_1937, %dma_start3A_1942] : memref<100001x32xf32, #tpu.memory_space<hbm>> -> memref<8x32xf32, #tpu.memory_space<hbm>>
        %dma_start3A_1944 = arith.constant 0 : i32
        %dma_start3A_1945 = tpu.memref_slice %arg11[%multiple_of3A_1939, %dma_start3A_1944] : memref<64x32xf32, #tpu.memory_space<vmem>> -> memref<8x32xf32, #tpu.memory_space<vmem>>
        %dma_start3A_1946 = arith.constant 0 : i32
        %dma_start3A_1947 = tpu.memref_slice %arg5[%multiple_of3A_1937, %dma_start3A_1946] : memref<100001x32xf32, #tpu.memory_space<hbm>> -> memref<8x32xf32, #tpu.memory_space<hbm>>
        tpu.enqueue_dma source(%dma_start3A_1947 : memref<8x32xf32, #tpu.memory_space<hbm>>) target(%dma_start3A_1945 : memref<8x32xf32, #tpu.memory_space<vmem>>) target_semaphore(%arg17 : memref<!tpu.dma_semaphore, #tpu.memory_space<semaphore_mem>>)
        %slice3A_1948 = vector.extract_strided_slice %get3A_1875 {offsets = [2], sizes = [1], strides = [1]} : vector<16xi32> to vector<1xi32>
        %squeeze3A_1949 = vector.extract %slice3A_1948[0] : i32 from vector<1xi32>
        %slice3A_1950 = vector.extract_strided_slice %get3A_1879 {offsets = [2], sizes = [1], strides = [1]} : vector<16xi32> to vector<1xi32>
        %squeeze3A_1951 = vector.extract %slice3A_1950[0] : i32 from vector<1xi32>
        %shift_right_arithmetic3A_1952 = arith.constant 7 : i32
        %shift_right_arithmetic3A_1953 = arith.shrsi %squeeze3A_1949, %shift_right_arithmetic3A_1952 : i32
        %shift_left3A_1954 = arith.constant 7 : i32
        %shift_left3A_1955 = arith.shli %shift_right_arithmetic3A_1953, %shift_left3A_1954 : i32
        %multiple_of3A_1956 = tpu.assume_multiple %shift_left3A_1955, 128 : i32
        %multiple_of3A_1957 = arith.constant 64 : i32
        %multiple_of3A_1958 = tpu.assume_multiple %multiple_of3A_1957, 8 : i32
        %dma_start3A_1959 = arith.constant 0 : i32
        %dma_start3A_1960 = tpu.memref_slice %arg9[%multiple_of3A_1958, %dma_start3A_1959] : memref<256x128xf32, #tpu.memory_space<vmem>> -> memref<32x128xf32, #tpu.memory_space<vmem>>
        %dma_start3A_1961 = arith.constant 0 : i32
        %dma_start3A_1962 = tpu.memref_slice %arg4[%dma_start3A_1961, %multiple_of3A_1956] : memref<32x1000001xf32, #tpu.memory_space<hbm>> -> memref<32x128xf32, #tpu.memory_space<hbm>>
        %dma_start3A_1963 = arith.constant 0 : i32
        %dma_start3A_1964 = tpu.memref_slice %arg9[%multiple_of3A_1958, %dma_start3A_1963] : memref<256x128xf32, #tpu.memory_space<vmem>> -> memref<32x128xf32, #tpu.memory_space<vmem>>
        %dma_start3A_1965 = arith.constant 0 : i32
        %dma_start3A_1966 = tpu.memref_slice %arg4[%dma_start3A_1965, %multiple_of3A_1956] : memref<32x1000001xf32, #tpu.memory_space<hbm>> -> memref<32x128xf32, #tpu.memory_space<hbm>>
        tpu.enqueue_dma source(%dma_start3A_1966 : memref<32x128xf32, #tpu.memory_space<hbm>>) target(%dma_start3A_1964 : memref<32x128xf32, #tpu.memory_space<vmem>>) target_semaphore(%arg15 : memref<!tpu.dma_semaphore, #tpu.memory_space<semaphore_mem>>)
        %shift_right_arithmetic3A_1967 = arith.constant 3 : i32
        %shift_right_arithmetic3A_1968 = arith.shrsi %squeeze3A_1951, %shift_right_arithmetic3A_1967 : i32
        %shift_left3A_1969 = arith.constant 3 : i32
        %shift_left3A_1970 = arith.shli %shift_right_arithmetic3A_1968, %shift_left3A_1969 : i32
        %multiple_of3A_1971 = tpu.assume_multiple %shift_left3A_1970, 8 : i32
        %multiple_of3A_1972 = arith.constant 16 : i32
        %multiple_of3A_1973 = tpu.assume_multiple %multiple_of3A_1972, 8 : i32
        %dma_start3A_1974 = arith.constant 0 : i32
        %dma_start3A_1975 = tpu.memref_slice %arg11[%multiple_of3A_1973, %dma_start3A_1974] : memref<64x32xf32, #tpu.memory_space<vmem>> -> memref<8x32xf32, #tpu.memory_space<vmem>>
        %dma_start3A_1976 = arith.constant 0 : i32
        %dma_start3A_1977 = tpu.memref_slice %arg5[%multiple_of3A_1971, %dma_start3A_1976] : memref<100001x32xf32, #tpu.memory_space<hbm>> -> memref<8x32xf32, #tpu.memory_space<hbm>>
        %dma_start3A_1978 = arith.constant 0 : i32
        %dma_start3A_1979 = tpu.memref_slice %arg11[%multiple_of3A_1973, %dma_start3A_1978] : memref<64x32xf32, #tpu.memory_space<vmem>> -> memref<8x32xf32, #tpu.memory_space<vmem>>
        %dma_start3A_1980 = arith.constant 0 : i32
        %dma_start3A_1981 = tpu.memref_slice %arg5[%multiple_of3A_1971, %dma_start3A_1980] : memref<100001x32xf32, #tpu.memory_space<hbm>> -> memref<8x32xf32, #tpu.memory_space<hbm>>
        tpu.enqueue_dma source(%dma_start3A_1981 : memref<8x32xf32, #tpu.memory_space<hbm>>) target(%dma_start3A_1979 : memref<8x32xf32, #tpu.memory_space<vmem>>) target_semaphore(%arg17 : memref<!tpu.dma_semaphore, #tpu.memory_space<semaphore_mem>>)
        %slice3A_1982 = vector.extract_strided_slice %get3A_1875 {offsets = [3], sizes = [1], strides = [1]} : vector<16xi32> to vector<1xi32>
        %squeeze3A_1983 = vector.extract %slice3A_1982[0] : i32 from vector<1xi32>
        %slice3A_1984 = vector.extract_strided_slice %get3A_1879 {offsets = [3], sizes = [1], strides = [1]} : vector<16xi32> to vector<1xi32>
        %squeeze3A_1985 = vector.extract %slice3A_1984[0] : i32 from vector<1xi32>
        %shift_right_arithmetic3A_1986 = arith.constant 7 : i32
        %shift_right_arithmetic3A_1987 = arith.shrsi %squeeze3A_1983, %shift_right_arithmetic3A_1986 : i32
        %shift_left3A_1988 = arith.constant 7 : i32
        %shift_left3A_1989 = arith.shli %shift_right_arithmetic3A_1987, %shift_left3A_1988 : i32
        %multiple_of3A_1990 = tpu.assume_multiple %shift_left3A_1989, 128 : i32
        %multiple_of3A_1991 = arith.constant 96 : i32
        %multiple_of3A_1992 = tpu.assume_multiple %multiple_of3A_1991, 8 : i32
        %dma_start3A_1993 = arith.constant 0 : i32
        %dma_start3A_1994 = tpu.memref_slice %arg9[%multiple_of3A_1992, %dma_start3A_1993] : memref<256x128xf32, #tpu.memory_space<vmem>> -> memref<32x128xf32, #tpu.memory_space<vmem>>
        %dma_start3A_1995 = arith.constant 0 : i32
        %dma_start3A_1996 = tpu.memref_slice %arg4[%dma_start3A_1995, %multiple_of3A_1990] : memref<32x1000001xf32, #tpu.memory_space<hbm>> -> memref<32x128xf32, #tpu.memory_space<hbm>>
        %dma_start3A_1997 = arith.constant 0 : i32
        %dma_start3A_1998 = tpu.memref_slice %arg9[%multiple_of3A_1992, %dma_start3A_1997] : memref<256x128xf32, #tpu.memory_space<vmem>> -> memref<32x128xf32, #tpu.memory_space<vmem>>
        %dma_start3A_1999 = arith.constant 0 : i32
        %dma_start3A_2000 = tpu.memref_slice %arg4[%dma_start3A_1999, %multiple_of3A_1990] : memref<32x1000001xf32, #tpu.memory_space<hbm>> -> memref<32x128xf32, #tpu.memory_space<hbm>>
        tpu.enqueue_dma source(%dma_start3A_2000 : memref<32x128xf32, #tpu.memory_space<hbm>>) target(%dma_start3A_1998 : memref<32x128xf32, #tpu.memory_space<vmem>>) target_semaphore(%arg15 : memref<!tpu.dma_semaphore, #tpu.memory_space<semaphore_mem>>)
        %shift_right_arithmetic3A_2001 = arith.constant 3 : i32
        %shift_right_arithmetic3A_2002 = arith.shrsi %squeeze3A_1985, %shift_right_arithmetic3A_2001 : i32
        %shift_left3A_2003 = arith.constant 3 : i32
        %shift_left3A_2004 = arith.shli %shift_right_arithmetic3A_2002, %shift_left3A_2003 : i32
        %multiple_of3A_2005 = tpu.assume_multiple %shift_left3A_2004, 8 : i32
        %multiple_of3A_2006 = arith.constant 24 : i32
        %multiple_of3A_2007 = tpu.assume_multiple %multiple_of3A_2006, 8 : i32
        %dma_start3A_2008 = arith.constant 0 : i32
        %dma_start3A_2009 = tpu.memref_slice %arg11[%multiple_of3A_2007, %dma_start3A_2008] : memref<64x32xf32, #tpu.memory_space<vmem>> -> memref<8x32xf32, #tpu.memory_space<vmem>>
        %dma_start3A_2010 = arith.constant 0 : i32
        %dma_start3A_2011 = tpu.memref_slice %arg5[%multiple_of3A_2005, %dma_start3A_2010] : memref<100001x32xf32, #tpu.memory_space<hbm>> -> memref<8x32xf32, #tpu.memory_space<hbm>>
        %dma_start3A_2012 = arith.constant 0 : i32
        %dma_start3A_2013 = tpu.memref_slice %arg11[%multiple_of3A_2007, %dma_start3A_2012] : memref<64x32xf32, #tpu.memory_space<vmem>> -> memref<8x32xf32, #tpu.memory_space<vmem>>
        %dma_start3A_2014 = arith.constant 0 : i32
        %dma_start3A_2015 = tpu.memref_slice %arg5[%multiple_of3A_2005, %dma_start3A_2014] : memref<100001x32xf32, #tpu.memory_space<hbm>> -> memref<8x32xf32, #tpu.memory_space<hbm>>
        tpu.enqueue_dma source(%dma_start3A_2015 : memref<8x32xf32, #tpu.memory_space<hbm>>) target(%dma_start3A_2013 : memref<8x32xf32, #tpu.memory_space<vmem>>) target_semaphore(%arg17 : memref<!tpu.dma_semaphore, #tpu.memory_space<semaphore_mem>>)
        %slice3A_2016 = vector.extract_strided_slice %get3A_1875 {offsets = [4], sizes = [1], strides = [1]} : vector<16xi32> to vector<1xi32>
        %squeeze3A_2017 = vector.extract %slice3A_2016[0] : i32 from vector<1xi32>
        %slice3A_2018 = vector.extract_strided_slice %get3A_1879 {offsets = [4], sizes = [1], strides = [1]} : vector<16xi32> to vector<1xi32>
        %squeeze3A_2019 = vector.extract %slice3A_2018[0] : i32 from vector<1xi32>
        %shift_right_arithmetic3A_2020 = arith.constant 7 : i32
        %shift_right_arithmetic3A_2021 = arith.shrsi %squeeze3A_2017, %shift_right_arithmetic3A_2020 : i32
        %shift_left3A_2022 = arith.constant 7 : i32
        %shift_left3A_2023 = arith.shli %shift_right_arithmetic3A_2021, %shift_left3A_2022 : i32
        %multiple_of3A_2024 = tpu.assume_multiple %shift_left3A_2023, 128 : i32
        %multiple_of3A_2025 = arith.constant 128 : i32
        %multiple_of3A_2026 = tpu.assume_multiple %multiple_of3A_2025, 8 : i32
        %dma_start3A_2027 = arith.constant 0 : i32
        %dma_start3A_2028 = tpu.memref_slice %arg9[%multiple_of3A_2026, %dma_start3A_2027] : memref<256x128xf32, #tpu.memory_space<vmem>> -> memref<32x128xf32, #tpu.memory_space<vmem>>
        %dma_start3A_2029 = arith.constant 0 : i32
        %dma_start3A_2030 = tpu.memref_slice %arg4[%dma_start3A_2029, %multiple_of3A_2024] : memref<32x1000001xf32, #tpu.memory_space<hbm>> -> memref<32x128xf32, #tpu.memory_space<hbm>>
        %dma_start3A_2031 = arith.constant 0 : i32
        %dma_start3A_2032 = tpu.memref_slice %arg9[%multiple_of3A_2026, %dma_start3A_2031] : memref<256x128xf32, #tpu.memory_space<vmem>> -> memref<32x128xf32, #tpu.memory_space<vmem>>
        %dma_start3A_2033 = arith.constant 0 : i32
        %dma_start3A_2034 = tpu.memref_slice %arg4[%dma_start3A_2033, %multiple_of3A_2024] : memref<32x1000001xf32, #tpu.memory_space<hbm>> -> memref<32x128xf32, #tpu.memory_space<hbm>>
        tpu.enqueue_dma source(%dma_start3A_2034 : memref<32x128xf32, #tpu.memory_space<hbm>>) target(%dma_start3A_2032 : memref<32x128xf32, #tpu.memory_space<vmem>>) target_semaphore(%arg15 : memref<!tpu.dma_semaphore, #tpu.memory_space<semaphore_mem>>)
        %shift_right_arithmetic3A_2035 = arith.constant 3 : i32
        %shift_right_arithmetic3A_2036 = arith.shrsi %squeeze3A_2019, %shift_right_arithmetic3A_2035 : i32
        %shift_left3A_2037 = arith.constant 3 : i32
        %shift_left3A_2038 = arith.shli %shift_right_arithmetic3A_2036, %shift_left3A_2037 : i32
        %multiple_of3A_2039 = tpu.assume_multiple %shift_left3A_2038, 8 : i32
        %multiple_of3A_2040 = arith.constant 32 : i32
        %multiple_of3A_2041 = tpu.assume_multiple %multiple_of3A_2040, 8 : i32
        %dma_start3A_2042 = arith.constant 0 : i32
        %dma_start3A_2043 = tpu.memref_slice %arg11[%multiple_of3A_2041, %dma_start3A_2042] : memref<64x32xf32, #tpu.memory_space<vmem>> -> memref<8x32xf32, #tpu.memory_space<vmem>>
        %dma_start3A_2044 = arith.constant 0 : i32
        %dma_start3A_2045 = tpu.memref_slice %arg5[%multiple_of3A_2039, %dma_start3A_2044] : memref<100001x32xf32, #tpu.memory_space<hbm>> -> memref<8x32xf32, #tpu.memory_space<hbm>>
        %dma_start3A_2046 = arith.constant 0 : i32
        %dma_start3A_2047 = tpu.memref_slice %arg11[%multiple_of3A_2041, %dma_start3A_2046] : memref<64x32xf32, #tpu.memory_space<vmem>> -> memref<8x32xf32, #tpu.memory_space<vmem>>
        %dma_start3A_2048 = arith.constant 0 : i32
        %dma_start3A_2049 = tpu.memref_slice %arg5[%multiple_of3A_2039, %dma_start3A_2048] : memref<100001x32xf32, #tpu.memory_space<hbm>> -> memref<8x32xf32, #tpu.memory_space<hbm>>
        tpu.enqueue_dma source(%dma_start3A_2049 : memref<8x32xf32, #tpu.memory_space<hbm>>) target(%dma_start3A_2047 : memref<8x32xf32, #tpu.memory_space<vmem>>) target_semaphore(%arg17 : memref<!tpu.dma_semaphore, #tpu.memory_space<semaphore_mem>>)
        %slice3A_2050 = vector.extract_strided_slice %get3A_1875 {offsets = [5], sizes = [1], strides = [1]} : vector<16xi32> to vector<1xi32>
        %squeeze3A_2051 = vector.extract %slice3A_2050[0] : i32 from vector<1xi32>
        %slice3A_2052 = vector.extract_strided_slice %get3A_1879 {offsets = [5], sizes = [1], strides = [1]} : vector<16xi32> to vector<1xi32>
        %squeeze3A_2053 = vector.extract %slice3A_2052[0] : i32 from vector<1xi32>
        %shift_right_arithmetic3A_2054 = arith.constant 7 : i32
        %shift_right_arithmetic3A_2055 = arith.shrsi %squeeze3A_2051, %shift_right_arithmetic3A_2054 : i32
        %shift_left3A_2056 = arith.constant 7 : i32
        %shift_left3A_2057 = arith.shli %shift_right_arithmetic3A_2055, %shift_left3A_2056 : i32
        %multiple_of3A_2058 = tpu.assume_multiple %shift_left3A_2057, 128 : i32
        %multiple_of3A_2059 = arith.constant 160 : i32
        %multiple_of3A_2060 = tpu.assume_multiple %multiple_of3A_2059, 8 : i32
        %dma_start3A_2061 = arith.constant 0 : i32
        %dma_start3A_2062 = tpu.memref_slice %arg9[%multiple_of3A_2060, %dma_start3A_2061] : memref<256x128xf32, #tpu.memory_space<vmem>> -> memref<32x128xf32, #tpu.memory_space<vmem>>
        %dma_start3A_2063 = arith.constant 0 : i32
        %dma_start3A_2064 = tpu.memref_slice %arg4[%dma_start3A_2063, %multiple_of3A_2058] : memref<32x1000001xf32, #tpu.memory_space<hbm>> -> memref<32x128xf32, #tpu.memory_space<hbm>>
        %dma_start3A_2065 = arith.constant 0 : i32
        %dma_start3A_2066 = tpu.memref_slice %arg9[%multiple_of3A_2060, %dma_start3A_2065] : memref<256x128xf32, #tpu.memory_space<vmem>> -> memref<32x128xf32, #tpu.memory_space<vmem>>
        %dma_start3A_2067 = arith.constant 0 : i32
        %dma_start3A_2068 = tpu.memref_slice %arg4[%dma_start3A_2067, %multiple_of3A_2058] : memref<32x1000001xf32, #tpu.memory_space<hbm>> -> memref<32x128xf32, #tpu.memory_space<hbm>>
        tpu.enqueue_dma source(%dma_start3A_2068 : memref<32x128xf32, #tpu.memory_space<hbm>>) target(%dma_start3A_2066 : memref<32x128xf32, #tpu.memory_space<vmem>>) target_semaphore(%arg15 : memref<!tpu.dma_semaphore, #tpu.memory_space<semaphore_mem>>)
        %shift_right_arithmetic3A_2069 = arith.constant 3 : i32
        %shift_right_arithmetic3A_2070 = arith.shrsi %squeeze3A_2053, %shift_right_arithmetic3A_2069 : i32
        %shift_left3A_2071 = arith.constant 3 : i32
        %shift_left3A_2072 = arith.shli %shift_right_arithmetic3A_2070, %shift_left3A_2071 : i32
        %multiple_of3A_2073 = tpu.assume_multiple %shift_left3A_2072, 8 : i32
        %multiple_of3A_2074 = arith.constant 40 : i32
        %multiple_of3A_2075 = tpu.assume_multiple %multiple_of3A_2074, 8 : i32
        %dma_start3A_2076 = arith.constant 0 : i32
        %dma_start3A_2077 = tpu.memref_slice %arg11[%multiple_of3A_2075, %dma_start3A_2076] : memref<64x32xf32, #tpu.memory_space<vmem>> -> memref<8x32xf32, #tpu.memory_space<vmem>>
        %dma_start3A_2078 = arith.constant 0 : i32
        %dma_start3A_2079 = tpu.memref_slice %arg5[%multiple_of3A_2073, %dma_start3A_2078] : memref<100001x32xf32, #tpu.memory_space<hbm>> -> memref<8x32xf32, #tpu.memory_space<hbm>>
        %dma_start3A_2080 = arith.constant 0 : i32
        %dma_start3A_2081 = tpu.memref_slice %arg11[%multiple_of3A_2075, %dma_start3A_2080] : memref<64x32xf32, #tpu.memory_space<vmem>> -> memref<8x32xf32, #tpu.memory_space<vmem>>
        %dma_start3A_2082 = arith.constant 0 : i32
        %dma_start3A_2083 = tpu.memref_slice %arg5[%multiple_of3A_2073, %dma_start3A_2082] : memref<100001x32xf32, #tpu.memory_space<hbm>> -> memref<8x32xf32, #tpu.memory_space<hbm>>
        tpu.enqueue_dma source(%dma_start3A_2083 : memref<8x32xf32, #tpu.memory_space<hbm>>) target(%dma_start3A_2081 : memref<8x32xf32, #tpu.memory_space<vmem>>) target_semaphore(%arg17 : memref<!tpu.dma_semaphore, #tpu.memory_space<semaphore_mem>>)
        %slice3A_2084 = vector.extract_strided_slice %get3A_1875 {offsets = [6], sizes = [1], strides = [1]} : vector<16xi32> to vector<1xi32>
        %squeeze3A_2085 = vector.extract %slice3A_2084[0] : i32 from vector<1xi32>
        %slice3A_2086 = vector.extract_strided_slice %get3A_1879 {offsets = [6], sizes = [1], strides = [1]} : vector<16xi32> to vector<1xi32>
        %squeeze3A_2087 = vector.extract %slice3A_2086[0] : i32 from vector<1xi32>
        %shift_right_arithmetic3A_2088 = arith.constant 7 : i32
        %shift_right_arithmetic3A_2089 = arith.shrsi %squeeze3A_2085, %shift_right_arithmetic3A_2088 : i32
        %shift_left3A_2090 = arith.constant 7 : i32
        %shift_left3A_2091 = arith.shli %shift_right_arithmetic3A_2089, %shift_left3A_2090 : i32
        %multiple_of3A_2092 = tpu.assume_multiple %shift_left3A_2091, 128 : i32
        %multiple_of3A_2093 = arith.constant 192 : i32
        %multiple_of3A_2094 = tpu.assume_multiple %multiple_of3A_2093, 8 : i32
        %dma_start3A_2095 = arith.constant 0 : i32
        %dma_start3A_2096 = tpu.memref_slice %arg9[%multiple_of3A_2094, %dma_start3A_2095] : memref<256x128xf32, #tpu.memory_space<vmem>> -> memref<32x128xf32, #tpu.memory_space<vmem>>
        %dma_start3A_2097 = arith.constant 0 : i32
        %dma_start3A_2098 = tpu.memref_slice %arg4[%dma_start3A_2097, %multiple_of3A_2092] : memref<32x1000001xf32, #tpu.memory_space<hbm>> -> memref<32x128xf32, #tpu.memory_space<hbm>>
        %dma_start3A_2099 = arith.constant 0 : i32
        %dma_start3A_2100 = tpu.memref_slice %arg9[%multiple_of3A_2094, %dma_start3A_2099] : memref<256x128xf32, #tpu.memory_space<vmem>> -> memref<32x128xf32, #tpu.memory_space<vmem>>
        %dma_start3A_2101 = arith.constant 0 : i32
        %dma_start3A_2102 = tpu.memref_slice %arg4[%dma_start3A_2101, %multiple_of3A_2092] : memref<32x1000001xf32, #tpu.memory_space<hbm>> -> memref<32x128xf32, #tpu.memory_space<hbm>>
        tpu.enqueue_dma source(%dma_start3A_2102 : memref<32x128xf32, #tpu.memory_space<hbm>>) target(%dma_start3A_2100 : memref<32x128xf32, #tpu.memory_space<vmem>>) target_semaphore(%arg15 : memref<!tpu.dma_semaphore, #tpu.memory_space<semaphore_mem>>)
        %shift_right_arithmetic3A_2103 = arith.constant 3 : i32
        %shift_right_arithmetic3A_2104 = arith.shrsi %squeeze3A_2087, %shift_right_arithmetic3A_2103 : i32
        %shift_left3A_2105 = arith.constant 3 : i32
        %shift_left3A_2106 = arith.shli %shift_right_arithmetic3A_2104, %shift_left3A_2105 : i32
        %multiple_of3A_2107 = tpu.assume_multiple %shift_left3A_2106, 8 : i32
        %multiple_of3A_2108 = arith.constant 48 : i32
        %multiple_of3A_2109 = tpu.assume_multiple %multiple_of3A_2108, 8 : i32
        %dma_start3A_2110 = arith.constant 0 : i32
        %dma_start3A_2111 = tpu.memref_slice %arg11[%multiple_of3A_2109, %dma_start3A_2110] : memref<64x32xf32, #tpu.memory_space<vmem>> -> memref<8x32xf32, #tpu.memory_space<vmem>>
        %dma_start3A_2112 = arith.constant 0 : i32
        %dma_start3A_2113 = tpu.memref_slice %arg5[%multiple_of3A_2107, %dma_start3A_2112] : memref<100001x32xf32, #tpu.memory_space<hbm>> -> memref<8x32xf32, #tpu.memory_space<hbm>>
        %dma_start3A_2114 = arith.constant 0 : i32
        %dma_start3A_2115 = tpu.memref_slice %arg11[%multiple_of3A_2109, %dma_start3A_2114] : memref<64x32xf32, #tpu.memory_space<vmem>> -> memref<8x32xf32, #tpu.memory_space<vmem>>
        %dma_start3A_2116 = arith.constant 0 : i32
        %dma_start3A_2117 = tpu.memref_slice %arg5[%multiple_of3A_2107, %dma_start3A_2116] : memref<100001x32xf32, #tpu.memory_space<hbm>> -> memref<8x32xf32, #tpu.memory_space<hbm>>
        tpu.enqueue_dma source(%dma_start3A_2117 : memref<8x32xf32, #tpu.memory_space<hbm>>) target(%dma_start3A_2115 : memref<8x32xf32, #tpu.memory_space<vmem>>) target_semaphore(%arg17 : memref<!tpu.dma_semaphore, #tpu.memory_space<semaphore_mem>>)
        %slice3A_2118 = vector.extract_strided_slice %get3A_1875 {offsets = [7], sizes = [1], strides = [1]} : vector<16xi32> to vector<1xi32>
        %squeeze3A_2119 = vector.extract %slice3A_2118[0] : i32 from vector<1xi32>
        %slice3A_2120 = vector.extract_strided_slice %get3A_1879 {offsets = [7], sizes = [1], strides = [1]} : vector<16xi32> to vector<1xi32>
        %squeeze3A_2121 = vector.extract %slice3A_2120[0] : i32 from vector<1xi32>
        %shift_right_arithmetic3A_2122 = arith.constant 7 : i32
        %shift_right_arithmetic3A_2123 = arith.shrsi %squeeze3A_2119, %shift_right_arithmetic3A_2122 : i32
        %shift_left3A_2124 = arith.constant 7 : i32
        %shift_left3A_2125 = arith.shli %shift_right_arithmetic3A_2123, %shift_left3A_2124 : i32
        %multiple_of3A_2126 = tpu.assume_multiple %shift_left3A_2125, 128 : i32
        %multiple_of3A_2127 = arith.constant 224 : i32
        %multiple_of3A_2128 = tpu.assume_multiple %multiple_of3A_2127, 8 : i32
        %dma_start3A_2129 = arith.constant 0 : i32
        %dma_start3A_2130 = tpu.memref_slice %arg9[%multiple_of3A_2128, %dma_start3A_2129] : memref<256x128xf32, #tpu.memory_space<vmem>> -> memref<32x128xf32, #tpu.memory_space<vmem>>
        %dma_start3A_2131 = arith.constant 0 : i32
        %dma_start3A_2132 = tpu.memref_slice %arg4[%dma_start3A_2131, %multiple_of3A_2126] : memref<32x1000001xf32, #tpu.memory_space<hbm>> -> memref<32x128xf32, #tpu.memory_space<hbm>>
        %dma_start3A_2133 = arith.constant 0 : i32
        %dma_start3A_2134 = tpu.memref_slice %arg9[%multiple_of3A_2128, %dma_start3A_2133] : memref<256x128xf32, #tpu.memory_space<vmem>> -> memref<32x128xf32, #tpu.memory_space<vmem>>
        %dma_start3A_2135 = arith.constant 0 : i32
        %dma_start3A_2136 = tpu.memref_slice %arg4[%dma_start3A_2135, %multiple_of3A_2126] : memref<32x1000001xf32, #tpu.memory_space<hbm>> -> memref<32x128xf32, #tpu.memory_space<hbm>>
        tpu.enqueue_dma source(%dma_start3A_2136 : memref<32x128xf32, #tpu.memory_space<hbm>>) target(%dma_start3A_2134 : memref<32x128xf32, #tpu.memory_space<vmem>>) target_semaphore(%arg15 : memref<!tpu.dma_semaphore, #tpu.memory_space<semaphore_mem>>)
        %shift_right_arithmetic3A_2137 = arith.constant 3 : i32
        %shift_right_arithmetic3A_2138 = arith.shrsi %squeeze3A_2121, %shift_right_arithmetic3A_2137 : i32
        %shift_left3A_2139 = arith.constant 3 : i32
        %shift_left3A_2140 = arith.shli %shift_right_arithmetic3A_2138, %shift_left3A_2139 : i32
        %multiple_of3A_2141 = tpu.assume_multiple %shift_left3A_2140, 8 : i32
        %multiple_of3A_2142 = arith.constant 56 : i32
        %multiple_of3A_2143 = tpu.assume_multiple %multiple_of3A_2142, 8 : i32
        %dma_start3A_2144 = arith.constant 0 : i32
        %dma_start3A_2145 = tpu.memref_slice %arg11[%multiple_of3A_2143, %dma_start3A_2144] : memref<64x32xf32, #tpu.memory_space<vmem>> -> memref<8x32xf32, #tpu.memory_space<vmem>>
        %dma_start3A_2146 = arith.constant 0 : i32
        %dma_start3A_2147 = tpu.memref_slice %arg5[%multiple_of3A_2141, %dma_start3A_2146] : memref<100001x32xf32, #tpu.memory_space<hbm>> -> memref<8x32xf32, #tpu.memory_space<hbm>>
        %dma_start3A_2148 = arith.constant 0 : i32
        %dma_start3A_2149 = tpu.memref_slice %arg11[%multiple_of3A_2143, %dma_start3A_2148] : memref<64x32xf32, #tpu.memory_space<vmem>> -> memref<8x32xf32, #tpu.memory_space<vmem>>
        %dma_start3A_2150 = arith.constant 0 : i32
        %dma_start3A_2151 = tpu.memref_slice %arg5[%multiple_of3A_2141, %dma_start3A_2150] : memref<100001x32xf32, #tpu.memory_space<hbm>> -> memref<8x32xf32, #tpu.memory_space<hbm>>
        tpu.enqueue_dma source(%dma_start3A_2151 : memref<8x32xf32, #tpu.memory_space<hbm>>) target(%dma_start3A_2149 : memref<8x32xf32, #tpu.memory_space<vmem>>) target_semaphore(%arg17 : memref<!tpu.dma_semaphore, #tpu.memory_space<semaphore_mem>>)
      } else {
      }
      %dma_wait3A_1221 = arith.constant 0 : i32
      %dma_wait3A_1222 = arith.constant 0 : i32
      %dma_wait3A_1223 = tpu.memref_slice %arg4[%dma_wait3A_1221, %dma_wait3A_1222] : memref<32x1000001xf32, #tpu.memory_space<hbm>> -> memref<32x1024xf32, #tpu.memory_space<hbm>>
      %dma_wait3A_1224 = arith.constant 0 : i32
      %dma_wait3A_1225 = arith.constant 0 : i32
      %dma_wait3A_1226 = tpu.memref_slice %dma_wait3A_1223[%dma_wait3A_1224, %dma_wait3A_1225] : memref<32x1024xf32, #tpu.memory_space<hbm>> -> memref<256x1024xf32, #tpu.memory_space<hbm>>
      %dma_wait3A_1227 = arith.constant 0 : i32
      %dma_wait3A_1228 = arith.constant 0 : i32
      %dma_wait3A_1229 = tpu.memref_slice %arg4[%dma_wait3A_1227, %dma_wait3A_1228] : memref<32x1000001xf32, #tpu.memory_space<hbm>> -> memref<32x1024xf32, #tpu.memory_space<hbm>>
      %dma_wait3A_1230 = arith.constant 0 : i32
      %dma_wait3A_1231 = arith.constant 0 : i32
      %dma_wait3A_1232 = tpu.memref_slice %dma_wait3A_1229[%dma_wait3A_1230, %dma_wait3A_1231] : memref<32x1024xf32, #tpu.memory_space<hbm>> -> memref<256x1024xf32, #tpu.memory_space<hbm>>
      tpu.wait_dma2 semaphore(%arg16 : memref<!tpu.dma_semaphore, #tpu.memory_space<semaphore_mem>>) src(%dma_wait3A_1232 : memref<256x1024xf32, #tpu.memory_space<hbm>>) dst(%arg10 : memref<256x128xf32, #tpu.memory_space<vmem>>)
      %dma_wait3A_1233 = arith.constant 0 : i32
      %dma_wait3A_1234 = arith.constant 0 : i32
      %dma_wait3A_1235 = tpu.memref_slice %arg5[%dma_wait3A_1233, %dma_wait3A_1234] : memref<100001x32xf32, #tpu.memory_space<hbm>> -> memref<64x32xf32, #tpu.memory_space<hbm>>
      %dma_wait3A_1236 = arith.constant 0 : i32
      %dma_wait3A_1237 = arith.constant 0 : i32
      %dma_wait3A_1238 = tpu.memref_slice %arg5[%dma_wait3A_1236, %dma_wait3A_1237] : memref<100001x32xf32, #tpu.memory_space<hbm>> -> memref<64x32xf32, #tpu.memory_space<hbm>>
      tpu.wait_dma2 semaphore(%arg18 : memref<!tpu.dma_semaphore, #tpu.memory_space<semaphore_mem>>) src(%dma_wait3A_1238 : memref<64x32xf32, #tpu.memory_space<hbm>>) dst(%arg12 : memref<64x32xf32, #tpu.memory_space<vmem>>)
      %add3A_1239 = arith.constant 1 : i32
      %add3A_1240 = arith.addi %mul3A_306, %add3A_1239 : i32
      %sub3A_1241 = arith.constant 7 : i32
      %sub3A_1242 = vector.broadcast %sub3A_1241 : i32 to vector<16xi32>
      %sub3A_1243 = arith.subi %sub3A_1242, %and3A_26 : vector<16xi32>
      %mul3A_1244 = arith.constant 8 : i32
      %mul3A_1245 = arith.muli %add3A_1240, %mul3A_1244 : i32
      %get3A_1246 = arith.index_cast %mul3A_1245 : i32 to index
      %get3A_1247 = tpu.vector_load %arg7[%get3A_1246] {strides = array<i32>} : memref<528xi32, #tpu.memory_space<vmem>>, vector<16xi32>,
      %mul3A_1248 = arith.constant 8 : i32
      %mul3A_1249 = arith.muli %add3A_1240, %mul3A_1248 : i32
      %get3A_1250 = arith.index_cast %mul3A_1249 : i32 to index
      %get3A_1251 = tpu.vector_load %arg8[%get3A_1250] {strides = array<i32>} : memref<528xi32, #tpu.memory_space<vmem>>, vector<16xi32>,
      %mul3A_1252 = arith.constant 8 : i32
      %mul3A_1253 = arith.muli %add3A_1240, %mul3A_1252 : i32
      %add3A_1254 = vector.broadcast %mul3A_1253 : i32 to vector<16xi32>
      %add3A_1255 = arith.addi %add3A_1254, %sub3A_1243 : vector<16xi32>
      %gather3A_1256 = tpu.vector_load_idx %arg7[%add3A_1255] : memref<528xi32, #tpu.memory_space<vmem>>[vector<16xi32>], vector<16xi32>,
      %mul3A_1257 = arith.constant 8 : i32
      %mul3A_1258 = arith.muli %add3A_1240, %mul3A_1257 : i32
      %add3A_1259 = vector.broadcast %mul3A_1258 : i32 to vector<16xi32>
      %add3A_1260 = arith.addi %add3A_1259, %sub3A_1243 : vector<16xi32>
      %gather3A_1261 = tpu.vector_load_idx %arg8[%add3A_1260] : memref<528xi32, #tpu.memory_space<vmem>>[vector<16xi32>], vector<16xi32>,
      %and3A_1262 = arith.constant 127 : i32
      %and3A_1263 = vector.broadcast %and3A_1262 : i32 to vector<16xi32>
      %and3A_1264 = arith.andi %gather3A_1256, %and3A_1263 : vector<16xi32>
      %mul3A_1265 = arith.constant 8 : i32
      %mul3A_1266 = vector.broadcast %mul3A_1265 : i32 to vector<16xi32>
      %mul3A_1267 = arith.muli %sub3A_1243, %mul3A_1266 : vector<16xi32>
      %and3A_1268 = arith.constant 7 : i32
      %and3A_1269 = vector.broadcast %and3A_1268 : i32 to vector<16xi32>
      %and3A_1270 = arith.andi %gather3A_1261, %and3A_1269 : vector<16xi32>
      %add3A_1271 = arith.addi %mul3A_1267, %and3A_1270 : vector<16xi32>
      %mul3A_1272 = arith.constant 32 : i32
      %mul3A_1273 = vector.broadcast %mul3A_1272 : i32 to vector<16xi32>
      %mul3A_1274 = arith.muli %sub3A_1243, %mul3A_1273 : vector<16xi32>
      %add3A_1275 = arith.constant 0 : i32
      %add3A_1276 = vector.broadcast %add3A_1275 : i32 to vector<16xi32>
      %add3A_1277 = arith.addi %mul3A_1274, %add3A_1276 : vector<16xi32>
      %gather3A_1278 = tpu.vector_load_idx %arg10[%add3A_1277, %and3A_1264] : memref<256x128xf32, #tpu.memory_space<vmem>>[vector<16xi32>, vector<16xi32>], vector<16xf32>,
      %broadcast_in_dim3A_1279 = arith.constant 0 : i32
      %broadcast_in_dim3A_1280 = vector.broadcast %broadcast_in_dim3A_1279 : i32 to vector<16xi32>
      %gather3A_1281 = tpu.vector_load_idx %arg12[%add3A_1271, %broadcast_in_dim3A_1280] : memref<64x32xf32, #tpu.memory_space<vmem>>[vector<16xi32>, vector<16xi32>], vector<16xf32>,
      %mul3A_1282 = arith.mulf %gather3A_1278, %gather3A_1281 : vector<16xf32>
      %add3A_1283 = arith.addf %broadcast_in_dim3A_27, %mul3A_1282 : vector<16xf32>
      %mul3A_1284 = arith.mulf %gather3A_1278, %gather3A_1278 : vector<16xf32>
      %add3A_1285 = arith.addf %broadcast_in_dim3A_27, %mul3A_1284 : vector<16xf32>
      %mul3A_1286 = arith.mulf %gather3A_1281, %gather3A_1281 : vector<16xf32>
      %add3A_1287 = arith.addf %broadcast_in_dim3A_27, %mul3A_1286 : vector<16xf32>
      %mul3A_1288 = arith.constant 32 : i32
      %mul3A_1289 = vector.broadcast %mul3A_1288 : i32 to vector<16xi32>
      %mul3A_1290 = arith.muli %sub3A_1243, %mul3A_1289 : vector<16xi32>
      %add3A_1291 = arith.constant 1 : i32
      %add3A_1292 = vector.broadcast %add3A_1291 : i32 to vector<16xi32>
      %add3A_1293 = arith.addi %mul3A_1290, %add3A_1292 : vector<16xi32>
      %gather3A_1294 = tpu.vector_load_idx %arg10[%add3A_1293, %and3A_1264] : memref<256x128xf32, #tpu.memory_space<vmem>>[vector<16xi32>, vector<16xi32>], vector<16xf32>,
      %broadcast_in_dim3A_1295 = arith.constant 1 : i32
      %broadcast_in_dim3A_1296 = vector.broadcast %broadcast_in_dim3A_1295 : i32 to vector<16xi32>
      %gather3A_1297 = tpu.vector_load_idx %arg12[%add3A_1271, %broadcast_in_dim3A_1296] : memref<64x32xf32, #tpu.memory_space<vmem>>[vector<16xi32>, vector<16xi32>], vector<16xf32>,
      %mul3A_1298 = arith.mulf %gather3A_1294, %gather3A_1297 : vector<16xf32>
      %add3A_1299 = arith.addf %add3A_1283, %mul3A_1298 : vector<16xf32>
      %mul3A_1300 = arith.mulf %gather3A_1294, %gather3A_1294 : vector<16xf32>
      %add3A_1301 = arith.addf %add3A_1285, %mul3A_1300 : vector<16xf32>
      %mul3A_1302 = arith.mulf %gather3A_1297, %gather3A_1297 : vector<16xf32>
      %add3A_1303 = arith.addf %add3A_1287, %mul3A_1302 : vector<16xf32>
      %mul3A_1304 = arith.constant 32 : i32
      %mul3A_1305 = vector.broadcast %mul3A_1304 : i32 to vector<16xi32>
      %mul3A_1306 = arith.muli %sub3A_1243, %mul3A_1305 : vector<16xi32>
      %add3A_1307 = arith.constant 2 : i32
      %add3A_1308 = vector.broadcast %add3A_1307 : i32 to vector<16xi32>
      %add3A_1309 = arith.addi %mul3A_1306, %add3A_1308 : vector<16xi32>
      %gather3A_1310 = tpu.vector_load_idx %arg10[%add3A_1309, %and3A_1264] : memref<256x128xf32, #tpu.memory_space<vmem>>[vector<16xi32>, vector<16xi32>], vector<16xf32>,
      %broadcast_in_dim3A_1311 = arith.constant 2 : i32
      %broadcast_in_dim3A_1312 = vector.broadcast %broadcast_in_dim3A_1311 : i32 to vector<16xi32>
      %gather3A_1313 = tpu.vector_load_idx %arg12[%add3A_1271, %broadcast_in_dim3A_1312] : memref<64x32xf32, #tpu.memory_space<vmem>>[vector<16xi32>, vector<16xi32>], vector<16xf32>,
      %mul3A_1314 = arith.mulf %gather3A_1310, %gather3A_1313 : vector<16xf32>
      %add3A_1315 = arith.addf %add3A_1299, %mul3A_1314 : vector<16xf32>
      %mul3A_1316 = arith.mulf %gather3A_1310, %gather3A_1310 : vector<16xf32>
      %add3A_1317 = arith.addf %add3A_1301, %mul3A_1316 : vector<16xf32>
      %mul3A_1318 = arith.mulf %gather3A_1313, %gather3A_1313 : vector<16xf32>
      %add3A_1319 = arith.addf %add3A_1303, %mul3A_1318 : vector<16xf32>
      %mul3A_1320 = arith.constant 32 : i32
      %mul3A_1321 = vector.broadcast %mul3A_1320 : i32 to vector<16xi32>
      %mul3A_1322 = arith.muli %sub3A_1243, %mul3A_1321 : vector<16xi32>
      %add3A_1323 = arith.constant 3 : i32
      %add3A_1324 = vector.broadcast %add3A_1323 : i32 to vector<16xi32>
      %add3A_1325 = arith.addi %mul3A_1322, %add3A_1324 : vector<16xi32>
      %gather3A_1326 = tpu.vector_load_idx %arg10[%add3A_1325, %and3A_1264] : memref<256x128xf32, #tpu.memory_space<vmem>>[vector<16xi32>, vector<16xi32>], vector<16xf32>,
      %broadcast_in_dim3A_1327 = arith.constant 3 : i32
      %broadcast_in_dim3A_1328 = vector.broadcast %broadcast_in_dim3A_1327 : i32 to vector<16xi32>
      %gather3A_1329 = tpu.vector_load_idx %arg12[%add3A_1271, %broadcast_in_dim3A_1328] : memref<64x32xf32, #tpu.memory_space<vmem>>[vector<16xi32>, vector<16xi32>], vector<16xf32>,
      %mul3A_1330 = arith.mulf %gather3A_1326, %gather3A_1329 : vector<16xf32>
      %add3A_1331 = arith.addf %add3A_1315, %mul3A_1330 : vector<16xf32>
      %mul3A_1332 = arith.mulf %gather3A_1326, %gather3A_1326 : vector<16xf32>
      %add3A_1333 = arith.addf %add3A_1317, %mul3A_1332 : vector<16xf32>
      %mul3A_1334 = arith.mulf %gather3A_1329, %gather3A_1329 : vector<16xf32>
      %add3A_1335 = arith.addf %add3A_1319, %mul3A_1334 : vector<16xf32>
      %mul3A_1336 = arith.constant 32 : i32
      %mul3A_1337 = vector.broadcast %mul3A_1336 : i32 to vector<16xi32>
      %mul3A_1338 = arith.muli %sub3A_1243, %mul3A_1337 : vector<16xi32>
      %add3A_1339 = arith.constant 4 : i32
      %add3A_1340 = vector.broadcast %add3A_1339 : i32 to vector<16xi32>
      %add3A_1341 = arith.addi %mul3A_1338, %add3A_1340 : vector<16xi32>
      %gather3A_1342 = tpu.vector_load_idx %arg10[%add3A_1341, %and3A_1264] : memref<256x128xf32, #tpu.memory_space<vmem>>[vector<16xi32>, vector<16xi32>], vector<16xf32>,
      %broadcast_in_dim3A_1343 = arith.constant 4 : i32
      %broadcast_in_dim3A_1344 = vector.broadcast %broadcast_in_dim3A_1343 : i32 to vector<16xi32>
      %gather3A_1345 = tpu.vector_load_idx %arg12[%add3A_1271, %broadcast_in_dim3A_1344] : memref<64x32xf32, #tpu.memory_space<vmem>>[vector<16xi32>, vector<16xi32>], vector<16xf32>,
      %mul3A_1346 = arith.mulf %gather3A_1342, %gather3A_1345 : vector<16xf32>
      %add3A_1347 = arith.addf %add3A_1331, %mul3A_1346 : vector<16xf32>
      %mul3A_1348 = arith.mulf %gather3A_1342, %gather3A_1342 : vector<16xf32>
      %add3A_1349 = arith.addf %add3A_1333, %mul3A_1348 : vector<16xf32>
      %mul3A_1350 = arith.mulf %gather3A_1345, %gather3A_1345 : vector<16xf32>
      %add3A_1351 = arith.addf %add3A_1335, %mul3A_1350 : vector<16xf32>
      %mul3A_1352 = arith.constant 32 : i32
      %mul3A_1353 = vector.broadcast %mul3A_1352 : i32 to vector<16xi32>
      %mul3A_1354 = arith.muli %sub3A_1243, %mul3A_1353 : vector<16xi32>
      %add3A_1355 = arith.constant 5 : i32
      %add3A_1356 = vector.broadcast %add3A_1355 : i32 to vector<16xi32>
      %add3A_1357 = arith.addi %mul3A_1354, %add3A_1356 : vector<16xi32>
      %gather3A_1358 = tpu.vector_load_idx %arg10[%add3A_1357, %and3A_1264] : memref<256x128xf32, #tpu.memory_space<vmem>>[vector<16xi32>, vector<16xi32>], vector<16xf32>,
      %broadcast_in_dim3A_1359 = arith.constant 5 : i32
      %broadcast_in_dim3A_1360 = vector.broadcast %broadcast_in_dim3A_1359 : i32 to vector<16xi32>
      %gather3A_1361 = tpu.vector_load_idx %arg12[%add3A_1271, %broadcast_in_dim3A_1360] : memref<64x32xf32, #tpu.memory_space<vmem>>[vector<16xi32>, vector<16xi32>], vector<16xf32>,
      %mul3A_1362 = arith.mulf %gather3A_1358, %gather3A_1361 : vector<16xf32>
      %add3A_1363 = arith.addf %add3A_1347, %mul3A_1362 : vector<16xf32>
      %mul3A_1364 = arith.mulf %gather3A_1358, %gather3A_1358 : vector<16xf32>
      %add3A_1365 = arith.addf %add3A_1349, %mul3A_1364 : vector<16xf32>
      %mul3A_1366 = arith.mulf %gather3A_1361, %gather3A_1361 : vector<16xf32>
      %add3A_1367 = arith.addf %add3A_1351, %mul3A_1366 : vector<16xf32>
      %mul3A_1368 = arith.constant 32 : i32
      %mul3A_1369 = vector.broadcast %mul3A_1368 : i32 to vector<16xi32>
      %mul3A_1370 = arith.muli %sub3A_1243, %mul3A_1369 : vector<16xi32>
      %add3A_1371 = arith.constant 6 : i32
      %add3A_1372 = vector.broadcast %add3A_1371 : i32 to vector<16xi32>
      %add3A_1373 = arith.addi %mul3A_1370, %add3A_1372 : vector<16xi32>
      %gather3A_1374 = tpu.vector_load_idx %arg10[%add3A_1373, %and3A_1264] : memref<256x128xf32, #tpu.memory_space<vmem>>[vector<16xi32>, vector<16xi32>], vector<16xf32>,
      %broadcast_in_dim3A_1375 = arith.constant 6 : i32
      %broadcast_in_dim3A_1376 = vector.broadcast %broadcast_in_dim3A_1375 : i32 to vector<16xi32>
      %gather3A_1377 = tpu.vector_load_idx %arg12[%add3A_1271, %broadcast_in_dim3A_1376] : memref<64x32xf32, #tpu.memory_space<vmem>>[vector<16xi32>, vector<16xi32>], vector<16xf32>,
      %mul3A_1378 = arith.mulf %gather3A_1374, %gather3A_1377 : vector<16xf32>
      %add3A_1379 = arith.addf %add3A_1363, %mul3A_1378 : vector<16xf32>
      %mul3A_1380 = arith.mulf %gather3A_1374, %gather3A_1374 : vector<16xf32>
      %add3A_1381 = arith.addf %add3A_1365, %mul3A_1380 : vector<16xf32>
      %mul3A_1382 = arith.mulf %gather3A_1377, %gather3A_1377 : vector<16xf32>
      %add3A_1383 = arith.addf %add3A_1367, %mul3A_1382 : vector<16xf32>
      %mul3A_1384 = arith.constant 32 : i32
      %mul3A_1385 = vector.broadcast %mul3A_1384 : i32 to vector<16xi32>
      %mul3A_1386 = arith.muli %sub3A_1243, %mul3A_1385 : vector<16xi32>
      %add3A_1387 = arith.constant 7 : i32
      %add3A_1388 = vector.broadcast %add3A_1387 : i32 to vector<16xi32>
      %add3A_1389 = arith.addi %mul3A_1386, %add3A_1388 : vector<16xi32>
      %gather3A_1390 = tpu.vector_load_idx %arg10[%add3A_1389, %and3A_1264] : memref<256x128xf32, #tpu.memory_space<vmem>>[vector<16xi32>, vector<16xi32>], vector<16xf32>,
      %broadcast_in_dim3A_1391 = arith.constant 7 : i32
      %broadcast_in_dim3A_1392 = vector.broadcast %broadcast_in_dim3A_1391 : i32 to vector<16xi32>
      %gather3A_1393 = tpu.vector_load_idx %arg12[%add3A_1271, %broadcast_in_dim3A_1392] : memref<64x32xf32, #tpu.memory_space<vmem>>[vector<16xi32>, vector<16xi32>], vector<16xf32>,
      %mul3A_1394 = arith.mulf %gather3A_1390, %gather3A_1393 : vector<16xf32>
      %add3A_1395 = arith.addf %add3A_1379, %mul3A_1394 : vector<16xf32>
      %mul3A_1396 = arith.mulf %gather3A_1390, %gather3A_1390 : vector<16xf32>
      %add3A_1397 = arith.addf %add3A_1381, %mul3A_1396 : vector<16xf32>
      %mul3A_1398 = arith.mulf %gather3A_1393, %gather3A_1393 : vector<16xf32>
      %add3A_1399 = arith.addf %add3A_1383, %mul3A_1398 : vector<16xf32>
      %mul3A_1400 = arith.constant 32 : i32
      %mul3A_1401 = vector.broadcast %mul3A_1400 : i32 to vector<16xi32>
      %mul3A_1402 = arith.muli %sub3A_1243, %mul3A_1401 : vector<16xi32>
      %add3A_1403 = arith.constant 8 : i32
      %add3A_1404 = vector.broadcast %add3A_1403 : i32 to vector<16xi32>
      %add3A_1405 = arith.addi %mul3A_1402, %add3A_1404 : vector<16xi32>
      %gather3A_1406 = tpu.vector_load_idx %arg10[%add3A_1405, %and3A_1264] : memref<256x128xf32, #tpu.memory_space<vmem>>[vector<16xi32>, vector<16xi32>], vector<16xf32>,
      %broadcast_in_dim3A_1407 = arith.constant 8 : i32
      %broadcast_in_dim3A_1408 = vector.broadcast %broadcast_in_dim3A_1407 : i32 to vector<16xi32>
      %gather3A_1409 = tpu.vector_load_idx %arg12[%add3A_1271, %broadcast_in_dim3A_1408] : memref<64x32xf32, #tpu.memory_space<vmem>>[vector<16xi32>, vector<16xi32>], vector<16xf32>,
      %mul3A_1410 = arith.mulf %gather3A_1406, %gather3A_1409 : vector<16xf32>
      %add3A_1411 = arith.addf %add3A_1395, %mul3A_1410 : vector<16xf32>
      %mul3A_1412 = arith.mulf %gather3A_1406, %gather3A_1406 : vector<16xf32>
      %add3A_1413 = arith.addf %add3A_1397, %mul3A_1412 : vector<16xf32>
      %mul3A_1414 = arith.mulf %gather3A_1409, %gather3A_1409 : vector<16xf32>
      %add3A_1415 = arith.addf %add3A_1399, %mul3A_1414 : vector<16xf32>
      %mul3A_1416 = arith.constant 32 : i32
      %mul3A_1417 = vector.broadcast %mul3A_1416 : i32 to vector<16xi32>
      %mul3A_1418 = arith.muli %sub3A_1243, %mul3A_1417 : vector<16xi32>
      %add3A_1419 = arith.constant 9 : i32
      %add3A_1420 = vector.broadcast %add3A_1419 : i32 to vector<16xi32>
      %add3A_1421 = arith.addi %mul3A_1418, %add3A_1420 : vector<16xi32>
      %gather3A_1422 = tpu.vector_load_idx %arg10[%add3A_1421, %and3A_1264] : memref<256x128xf32, #tpu.memory_space<vmem>>[vector<16xi32>, vector<16xi32>], vector<16xf32>,
      %broadcast_in_dim3A_1423 = arith.constant 9 : i32
      %broadcast_in_dim3A_1424 = vector.broadcast %broadcast_in_dim3A_1423 : i32 to vector<16xi32>
      %gather3A_1425 = tpu.vector_load_idx %arg12[%add3A_1271, %broadcast_in_dim3A_1424] : memref<64x32xf32, #tpu.memory_space<vmem>>[vector<16xi32>, vector<16xi32>], vector<16xf32>,
      %mul3A_1426 = arith.mulf %gather3A_1422, %gather3A_1425 : vector<16xf32>
      %add3A_1427 = arith.addf %add3A_1411, %mul3A_1426 : vector<16xf32>
      %mul3A_1428 = arith.mulf %gather3A_1422, %gather3A_1422 : vector<16xf32>
      %add3A_1429 = arith.addf %add3A_1413, %mul3A_1428 : vector<16xf32>
      %mul3A_1430 = arith.mulf %gather3A_1425, %gather3A_1425 : vector<16xf32>
      %add3A_1431 = arith.addf %add3A_1415, %mul3A_1430 : vector<16xf32>
      %mul3A_1432 = arith.constant 32 : i32
      %mul3A_1433 = vector.broadcast %mul3A_1432 : i32 to vector<16xi32>
      %mul3A_1434 = arith.muli %sub3A_1243, %mul3A_1433 : vector<16xi32>
      %add3A_1435 = arith.constant 10 : i32
      %add3A_1436 = vector.broadcast %add3A_1435 : i32 to vector<16xi32>
      %add3A_1437 = arith.addi %mul3A_1434, %add3A_1436 : vector<16xi32>
      %gather3A_1438 = tpu.vector_load_idx %arg10[%add3A_1437, %and3A_1264] : memref<256x128xf32, #tpu.memory_space<vmem>>[vector<16xi32>, vector<16xi32>], vector<16xf32>,
      %broadcast_in_dim3A_1439 = arith.constant 10 : i32
      %broadcast_in_dim3A_1440 = vector.broadcast %broadcast_in_dim3A_1439 : i32 to vector<16xi32>
      %gather3A_1441 = tpu.vector_load_idx %arg12[%add3A_1271, %broadcast_in_dim3A_1440] : memref<64x32xf32, #tpu.memory_space<vmem>>[vector<16xi32>, vector<16xi32>], vector<16xf32>,
      %mul3A_1442 = arith.mulf %gather3A_1438, %gather3A_1441 : vector<16xf32>
      %add3A_1443 = arith.addf %add3A_1427, %mul3A_1442 : vector<16xf32>
      %mul3A_1444 = arith.mulf %gather3A_1438, %gather3A_1438 : vector<16xf32>
      %add3A_1445 = arith.addf %add3A_1429, %mul3A_1444 : vector<16xf32>
      %mul3A_1446 = arith.mulf %gather3A_1441, %gather3A_1441 : vector<16xf32>
      %add3A_1447 = arith.addf %add3A_1431, %mul3A_1446 : vector<16xf32>
      %mul3A_1448 = arith.constant 32 : i32
      %mul3A_1449 = vector.broadcast %mul3A_1448 : i32 to vector<16xi32>
      %mul3A_1450 = arith.muli %sub3A_1243, %mul3A_1449 : vector<16xi32>
      %add3A_1451 = arith.constant 11 : i32
      %add3A_1452 = vector.broadcast %add3A_1451 : i32 to vector<16xi32>
      %add3A_1453 = arith.addi %mul3A_1450, %add3A_1452 : vector<16xi32>
      %gather3A_1454 = tpu.vector_load_idx %arg10[%add3A_1453, %and3A_1264] : memref<256x128xf32, #tpu.memory_space<vmem>>[vector<16xi32>, vector<16xi32>], vector<16xf32>,
      %broadcast_in_dim3A_1455 = arith.constant 11 : i32
      %broadcast_in_dim3A_1456 = vector.broadcast %broadcast_in_dim3A_1455 : i32 to vector<16xi32>
      %gather3A_1457 = tpu.vector_load_idx %arg12[%add3A_1271, %broadcast_in_dim3A_1456] : memref<64x32xf32, #tpu.memory_space<vmem>>[vector<16xi32>, vector<16xi32>], vector<16xf32>,
      %mul3A_1458 = arith.mulf %gather3A_1454, %gather3A_1457 : vector<16xf32>
      %add3A_1459 = arith.addf %add3A_1443, %mul3A_1458 : vector<16xf32>
      %mul3A_1460 = arith.mulf %gather3A_1454, %gather3A_1454 : vector<16xf32>
      %add3A_1461 = arith.addf %add3A_1445, %mul3A_1460 : vector<16xf32>
      %mul3A_1462 = arith.mulf %gather3A_1457, %gather3A_1457 : vector<16xf32>
      %add3A_1463 = arith.addf %add3A_1447, %mul3A_1462 : vector<16xf32>
      %mul3A_1464 = arith.constant 32 : i32
      %mul3A_1465 = vector.broadcast %mul3A_1464 : i32 to vector<16xi32>
      %mul3A_1466 = arith.muli %sub3A_1243, %mul3A_1465 : vector<16xi32>
      %add3A_1467 = arith.constant 12 : i32
      %add3A_1468 = vector.broadcast %add3A_1467 : i32 to vector<16xi32>
      %add3A_1469 = arith.addi %mul3A_1466, %add3A_1468 : vector<16xi32>
      %gather3A_1470 = tpu.vector_load_idx %arg10[%add3A_1469, %and3A_1264] : memref<256x128xf32, #tpu.memory_space<vmem>>[vector<16xi32>, vector<16xi32>], vector<16xf32>,
      %broadcast_in_dim3A_1471 = arith.constant 12 : i32
      %broadcast_in_dim3A_1472 = vector.broadcast %broadcast_in_dim3A_1471 : i32 to vector<16xi32>
      %gather3A_1473 = tpu.vector_load_idx %arg12[%add3A_1271, %broadcast_in_dim3A_1472] : memref<64x32xf32, #tpu.memory_space<vmem>>[vector<16xi32>, vector<16xi32>], vector<16xf32>,
      %mul3A_1474 = arith.mulf %gather3A_1470, %gather3A_1473 : vector<16xf32>
      %add3A_1475 = arith.addf %add3A_1459, %mul3A_1474 : vector<16xf32>
      %mul3A_1476 = arith.mulf %gather3A_1470, %gather3A_1470 : vector<16xf32>
      %add3A_1477 = arith.addf %add3A_1461, %mul3A_1476 : vector<16xf32>
      %mul3A_1478 = arith.mulf %gather3A_1473, %gather3A_1473 : vector<16xf32>
      %add3A_1479 = arith.addf %add3A_1463, %mul3A_1478 : vector<16xf32>
      %mul3A_1480 = arith.constant 32 : i32
      %mul3A_1481 = vector.broadcast %mul3A_1480 : i32 to vector<16xi32>
      %mul3A_1482 = arith.muli %sub3A_1243, %mul3A_1481 : vector<16xi32>
      %add3A_1483 = arith.constant 13 : i32
      %add3A_1484 = vector.broadcast %add3A_1483 : i32 to vector<16xi32>
      %add3A_1485 = arith.addi %mul3A_1482, %add3A_1484 : vector<16xi32>
      %gather3A_1486 = tpu.vector_load_idx %arg10[%add3A_1485, %and3A_1264] : memref<256x128xf32, #tpu.memory_space<vmem>>[vector<16xi32>, vector<16xi32>], vector<16xf32>,
      %broadcast_in_dim3A_1487 = arith.constant 13 : i32
      %broadcast_in_dim3A_1488 = vector.broadcast %broadcast_in_dim3A_1487 : i32 to vector<16xi32>
      %gather3A_1489 = tpu.vector_load_idx %arg12[%add3A_1271, %broadcast_in_dim3A_1488] : memref<64x32xf32, #tpu.memory_space<vmem>>[vector<16xi32>, vector<16xi32>], vector<16xf32>,
      %mul3A_1490 = arith.mulf %gather3A_1486, %gather3A_1489 : vector<16xf32>
      %add3A_1491 = arith.addf %add3A_1475, %mul3A_1490 : vector<16xf32>
      %mul3A_1492 = arith.mulf %gather3A_1486, %gather3A_1486 : vector<16xf32>
      %add3A_1493 = arith.addf %add3A_1477, %mul3A_1492 : vector<16xf32>
      %mul3A_1494 = arith.mulf %gather3A_1489, %gather3A_1489 : vector<16xf32>
      %add3A_1495 = arith.addf %add3A_1479, %mul3A_1494 : vector<16xf32>
      %mul3A_1496 = arith.constant 32 : i32
      %mul3A_1497 = vector.broadcast %mul3A_1496 : i32 to vector<16xi32>
      %mul3A_1498 = arith.muli %sub3A_1243, %mul3A_1497 : vector<16xi32>
      %add3A_1499 = arith.constant 14 : i32
      %add3A_1500 = vector.broadcast %add3A_1499 : i32 to vector<16xi32>
      %add3A_1501 = arith.addi %mul3A_1498, %add3A_1500 : vector<16xi32>
      %gather3A_1502 = tpu.vector_load_idx %arg10[%add3A_1501, %and3A_1264] : memref<256x128xf32, #tpu.memory_space<vmem>>[vector<16xi32>, vector<16xi32>], vector<16xf32>,
      %broadcast_in_dim3A_1503 = arith.constant 14 : i32
      %broadcast_in_dim3A_1504 = vector.broadcast %broadcast_in_dim3A_1503 : i32 to vector<16xi32>
      %gather3A_1505 = tpu.vector_load_idx %arg12[%add3A_1271, %broadcast_in_dim3A_1504] : memref<64x32xf32, #tpu.memory_space<vmem>>[vector<16xi32>, vector<16xi32>], vector<16xf32>,
      %mul3A_1506 = arith.mulf %gather3A_1502, %gather3A_1505 : vector<16xf32>
      %add3A_1507 = arith.addf %add3A_1491, %mul3A_1506 : vector<16xf32>
      %mul3A_1508 = arith.mulf %gather3A_1502, %gather3A_1502 : vector<16xf32>
      %add3A_1509 = arith.addf %add3A_1493, %mul3A_1508 : vector<16xf32>
      %mul3A_1510 = arith.mulf %gather3A_1505, %gather3A_1505 : vector<16xf32>
      %add3A_1511 = arith.addf %add3A_1495, %mul3A_1510 : vector<16xf32>
      %mul3A_1512 = arith.constant 32 : i32
      %mul3A_1513 = vector.broadcast %mul3A_1512 : i32 to vector<16xi32>
      %mul3A_1514 = arith.muli %sub3A_1243, %mul3A_1513 : vector<16xi32>
      %add3A_1515 = arith.constant 15 : i32
      %add3A_1516 = vector.broadcast %add3A_1515 : i32 to vector<16xi32>
      %add3A_1517 = arith.addi %mul3A_1514, %add3A_1516 : vector<16xi32>
      %gather3A_1518 = tpu.vector_load_idx %arg10[%add3A_1517, %and3A_1264] : memref<256x128xf32, #tpu.memory_space<vmem>>[vector<16xi32>, vector<16xi32>], vector<16xf32>,
      %broadcast_in_dim3A_1519 = arith.constant 15 : i32
      %broadcast_in_dim3A_1520 = vector.broadcast %broadcast_in_dim3A_1519 : i32 to vector<16xi32>
      %gather3A_1521 = tpu.vector_load_idx %arg12[%add3A_1271, %broadcast_in_dim3A_1520] : memref<64x32xf32, #tpu.memory_space<vmem>>[vector<16xi32>, vector<16xi32>], vector<16xf32>,
      %mul3A_1522 = arith.mulf %gather3A_1518, %gather3A_1521 : vector<16xf32>
      %add3A_1523 = arith.addf %add3A_1507, %mul3A_1522 : vector<16xf32>
      %mul3A_1524 = arith.mulf %gather3A_1518, %gather3A_1518 : vector<16xf32>
      %add3A_1525 = arith.addf %add3A_1509, %mul3A_1524 : vector<16xf32>
      %mul3A_1526 = arith.mulf %gather3A_1521, %gather3A_1521 : vector<16xf32>
      %add3A_1527 = arith.addf %add3A_1511, %mul3A_1526 : vector<16xf32>
      %mul3A_1528 = arith.constant 32 : i32
      %mul3A_1529 = vector.broadcast %mul3A_1528 : i32 to vector<16xi32>
      %mul3A_1530 = arith.muli %sub3A_1243, %mul3A_1529 : vector<16xi32>
      %add3A_1531 = arith.constant 16 : i32
      %add3A_1532 = vector.broadcast %add3A_1531 : i32 to vector<16xi32>
      %add3A_1533 = arith.addi %mul3A_1530, %add3A_1532 : vector<16xi32>
      %gather3A_1534 = tpu.vector_load_idx %arg10[%add3A_1533, %and3A_1264] : memref<256x128xf32, #tpu.memory_space<vmem>>[vector<16xi32>, vector<16xi32>], vector<16xf32>,
      %broadcast_in_dim3A_1535 = arith.constant 16 : i32
      %broadcast_in_dim3A_1536 = vector.broadcast %broadcast_in_dim3A_1535 : i32 to vector<16xi32>
      %gather3A_1537 = tpu.vector_load_idx %arg12[%add3A_1271, %broadcast_in_dim3A_1536] : memref<64x32xf32, #tpu.memory_space<vmem>>[vector<16xi32>, vector<16xi32>], vector<16xf32>,
      %mul3A_1538 = arith.mulf %gather3A_1534, %gather3A_1537 : vector<16xf32>
      %add3A_1539 = arith.addf %add3A_1523, %mul3A_1538 : vector<16xf32>
      %mul3A_1540 = arith.mulf %gather3A_1534, %gather3A_1534 : vector<16xf32>
      %add3A_1541 = arith.addf %add3A_1525, %mul3A_1540 : vector<16xf32>
      %mul3A_1542 = arith.mulf %gather3A_1537, %gather3A_1537 : vector<16xf32>
      %add3A_1543 = arith.addf %add3A_1527, %mul3A_1542 : vector<16xf32>
      %mul3A_1544 = arith.constant 32 : i32
      %mul3A_1545 = vector.broadcast %mul3A_1544 : i32 to vector<16xi32>
      %mul3A_1546 = arith.muli %sub3A_1243, %mul3A_1545 : vector<16xi32>
      %add3A_1547 = arith.constant 17 : i32
      %add3A_1548 = vector.broadcast %add3A_1547 : i32 to vector<16xi32>
      %add3A_1549 = arith.addi %mul3A_1546, %add3A_1548 : vector<16xi32>
      %gather3A_1550 = tpu.vector_load_idx %arg10[%add3A_1549, %and3A_1264] : memref<256x128xf32, #tpu.memory_space<vmem>>[vector<16xi32>, vector<16xi32>], vector<16xf32>,
      %broadcast_in_dim3A_1551 = arith.constant 17 : i32
      %broadcast_in_dim3A_1552 = vector.broadcast %broadcast_in_dim3A_1551 : i32 to vector<16xi32>
      %gather3A_1553 = tpu.vector_load_idx %arg12[%add3A_1271, %broadcast_in_dim3A_1552] : memref<64x32xf32, #tpu.memory_space<vmem>>[vector<16xi32>, vector<16xi32>], vector<16xf32>,
      %mul3A_1554 = arith.mulf %gather3A_1550, %gather3A_1553 : vector<16xf32>
      %add3A_1555 = arith.addf %add3A_1539, %mul3A_1554 : vector<16xf32>
      %mul3A_1556 = arith.mulf %gather3A_1550, %gather3A_1550 : vector<16xf32>
      %add3A_1557 = arith.addf %add3A_1541, %mul3A_1556 : vector<16xf32>
      %mul3A_1558 = arith.mulf %gather3A_1553, %gather3A_1553 : vector<16xf32>
      %add3A_1559 = arith.addf %add3A_1543, %mul3A_1558 : vector<16xf32>
      %mul3A_1560 = arith.constant 32 : i32
      %mul3A_1561 = vector.broadcast %mul3A_1560 : i32 to vector<16xi32>
      %mul3A_1562 = arith.muli %sub3A_1243, %mul3A_1561 : vector<16xi32>
      %add3A_1563 = arith.constant 18 : i32
      %add3A_1564 = vector.broadcast %add3A_1563 : i32 to vector<16xi32>
      %add3A_1565 = arith.addi %mul3A_1562, %add3A_1564 : vector<16xi32>
      %gather3A_1566 = tpu.vector_load_idx %arg10[%add3A_1565, %and3A_1264] : memref<256x128xf32, #tpu.memory_space<vmem>>[vector<16xi32>, vector<16xi32>], vector<16xf32>,
      %broadcast_in_dim3A_1567 = arith.constant 18 : i32
      %broadcast_in_dim3A_1568 = vector.broadcast %broadcast_in_dim3A_1567 : i32 to vector<16xi32>
      %gather3A_1569 = tpu.vector_load_idx %arg12[%add3A_1271, %broadcast_in_dim3A_1568] : memref<64x32xf32, #tpu.memory_space<vmem>>[vector<16xi32>, vector<16xi32>], vector<16xf32>,
      %mul3A_1570 = arith.mulf %gather3A_1566, %gather3A_1569 : vector<16xf32>
      %add3A_1571 = arith.addf %add3A_1555, %mul3A_1570 : vector<16xf32>
      %mul3A_1572 = arith.mulf %gather3A_1566, %gather3A_1566 : vector<16xf32>
      %add3A_1573 = arith.addf %add3A_1557, %mul3A_1572 : vector<16xf32>
      %mul3A_1574 = arith.mulf %gather3A_1569, %gather3A_1569 : vector<16xf32>
      %add3A_1575 = arith.addf %add3A_1559, %mul3A_1574 : vector<16xf32>
      %mul3A_1576 = arith.constant 32 : i32
      %mul3A_1577 = vector.broadcast %mul3A_1576 : i32 to vector<16xi32>
      %mul3A_1578 = arith.muli %sub3A_1243, %mul3A_1577 : vector<16xi32>
      %add3A_1579 = arith.constant 19 : i32
      %add3A_1580 = vector.broadcast %add3A_1579 : i32 to vector<16xi32>
      %add3A_1581 = arith.addi %mul3A_1578, %add3A_1580 : vector<16xi32>
      %gather3A_1582 = tpu.vector_load_idx %arg10[%add3A_1581, %and3A_1264] : memref<256x128xf32, #tpu.memory_space<vmem>>[vector<16xi32>, vector<16xi32>], vector<16xf32>,
      %broadcast_in_dim3A_1583 = arith.constant 19 : i32
      %broadcast_in_dim3A_1584 = vector.broadcast %broadcast_in_dim3A_1583 : i32 to vector<16xi32>
      %gather3A_1585 = tpu.vector_load_idx %arg12[%add3A_1271, %broadcast_in_dim3A_1584] : memref<64x32xf32, #tpu.memory_space<vmem>>[vector<16xi32>, vector<16xi32>], vector<16xf32>,
      %mul3A_1586 = arith.mulf %gather3A_1582, %gather3A_1585 : vector<16xf32>
      %add3A_1587 = arith.addf %add3A_1571, %mul3A_1586 : vector<16xf32>
      %mul3A_1588 = arith.mulf %gather3A_1582, %gather3A_1582 : vector<16xf32>
      %add3A_1589 = arith.addf %add3A_1573, %mul3A_1588 : vector<16xf32>
      %mul3A_1590 = arith.mulf %gather3A_1585, %gather3A_1585 : vector<16xf32>
      %add3A_1591 = arith.addf %add3A_1575, %mul3A_1590 : vector<16xf32>
      %mul3A_1592 = arith.constant 32 : i32
      %mul3A_1593 = vector.broadcast %mul3A_1592 : i32 to vector<16xi32>
      %mul3A_1594 = arith.muli %sub3A_1243, %mul3A_1593 : vector<16xi32>
      %add3A_1595 = arith.constant 20 : i32
      %add3A_1596 = vector.broadcast %add3A_1595 : i32 to vector<16xi32>
      %add3A_1597 = arith.addi %mul3A_1594, %add3A_1596 : vector<16xi32>
      %gather3A_1598 = tpu.vector_load_idx %arg10[%add3A_1597, %and3A_1264] : memref<256x128xf32, #tpu.memory_space<vmem>>[vector<16xi32>, vector<16xi32>], vector<16xf32>,
      %broadcast_in_dim3A_1599 = arith.constant 20 : i32
      %broadcast_in_dim3A_1600 = vector.broadcast %broadcast_in_dim3A_1599 : i32 to vector<16xi32>
      %gather3A_1601 = tpu.vector_load_idx %arg12[%add3A_1271, %broadcast_in_dim3A_1600] : memref<64x32xf32, #tpu.memory_space<vmem>>[vector<16xi32>, vector<16xi32>], vector<16xf32>,
      %mul3A_1602 = arith.mulf %gather3A_1598, %gather3A_1601 : vector<16xf32>
      %add3A_1603 = arith.addf %add3A_1587, %mul3A_1602 : vector<16xf32>
      %mul3A_1604 = arith.mulf %gather3A_1598, %gather3A_1598 : vector<16xf32>
      %add3A_1605 = arith.addf %add3A_1589, %mul3A_1604 : vector<16xf32>
      %mul3A_1606 = arith.mulf %gather3A_1601, %gather3A_1601 : vector<16xf32>
      %add3A_1607 = arith.addf %add3A_1591, %mul3A_1606 : vector<16xf32>
      %mul3A_1608 = arith.constant 32 : i32
      %mul3A_1609 = vector.broadcast %mul3A_1608 : i32 to vector<16xi32>
      %mul3A_1610 = arith.muli %sub3A_1243, %mul3A_1609 : vector<16xi32>
      %add3A_1611 = arith.constant 21 : i32
      %add3A_1612 = vector.broadcast %add3A_1611 : i32 to vector<16xi32>
      %add3A_1613 = arith.addi %mul3A_1610, %add3A_1612 : vector<16xi32>
      %gather3A_1614 = tpu.vector_load_idx %arg10[%add3A_1613, %and3A_1264] : memref<256x128xf32, #tpu.memory_space<vmem>>[vector<16xi32>, vector<16xi32>], vector<16xf32>,
      %broadcast_in_dim3A_1615 = arith.constant 21 : i32
      %broadcast_in_dim3A_1616 = vector.broadcast %broadcast_in_dim3A_1615 : i32 to vector<16xi32>
      %gather3A_1617 = tpu.vector_load_idx %arg12[%add3A_1271, %broadcast_in_dim3A_1616] : memref<64x32xf32, #tpu.memory_space<vmem>>[vector<16xi32>, vector<16xi32>], vector<16xf32>,
      %mul3A_1618 = arith.mulf %gather3A_1614, %gather3A_1617 : vector<16xf32>
      %add3A_1619 = arith.addf %add3A_1603, %mul3A_1618 : vector<16xf32>
      %mul3A_1620 = arith.mulf %gather3A_1614, %gather3A_1614 : vector<16xf32>
      %add3A_1621 = arith.addf %add3A_1605, %mul3A_1620 : vector<16xf32>
      %mul3A_1622 = arith.mulf %gather3A_1617, %gather3A_1617 : vector<16xf32>
      %add3A_1623 = arith.addf %add3A_1607, %mul3A_1622 : vector<16xf32>
      %mul3A_1624 = arith.constant 32 : i32
      %mul3A_1625 = vector.broadcast %mul3A_1624 : i32 to vector<16xi32>
      %mul3A_1626 = arith.muli %sub3A_1243, %mul3A_1625 : vector<16xi32>
      %add3A_1627 = arith.constant 22 : i32
      %add3A_1628 = vector.broadcast %add3A_1627 : i32 to vector<16xi32>
      %add3A_1629 = arith.addi %mul3A_1626, %add3A_1628 : vector<16xi32>
      %gather3A_1630 = tpu.vector_load_idx %arg10[%add3A_1629, %and3A_1264] : memref<256x128xf32, #tpu.memory_space<vmem>>[vector<16xi32>, vector<16xi32>], vector<16xf32>,
      %broadcast_in_dim3A_1631 = arith.constant 22 : i32
      %broadcast_in_dim3A_1632 = vector.broadcast %broadcast_in_dim3A_1631 : i32 to vector<16xi32>
      %gather3A_1633 = tpu.vector_load_idx %arg12[%add3A_1271, %broadcast_in_dim3A_1632] : memref<64x32xf32, #tpu.memory_space<vmem>>[vector<16xi32>, vector<16xi32>], vector<16xf32>,
      %mul3A_1634 = arith.mulf %gather3A_1630, %gather3A_1633 : vector<16xf32>
      %add3A_1635 = arith.addf %add3A_1619, %mul3A_1634 : vector<16xf32>
      %mul3A_1636 = arith.mulf %gather3A_1630, %gather3A_1630 : vector<16xf32>
      %add3A_1637 = arith.addf %add3A_1621, %mul3A_1636 : vector<16xf32>
      %mul3A_1638 = arith.mulf %gather3A_1633, %gather3A_1633 : vector<16xf32>
      %add3A_1639 = arith.addf %add3A_1623, %mul3A_1638 : vector<16xf32>
      %mul3A_1640 = arith.constant 32 : i32
      %mul3A_1641 = vector.broadcast %mul3A_1640 : i32 to vector<16xi32>
      %mul3A_1642 = arith.muli %sub3A_1243, %mul3A_1641 : vector<16xi32>
      %add3A_1643 = arith.constant 23 : i32
      %add3A_1644 = vector.broadcast %add3A_1643 : i32 to vector<16xi32>
      %add3A_1645 = arith.addi %mul3A_1642, %add3A_1644 : vector<16xi32>
      %gather3A_1646 = tpu.vector_load_idx %arg10[%add3A_1645, %and3A_1264] : memref<256x128xf32, #tpu.memory_space<vmem>>[vector<16xi32>, vector<16xi32>], vector<16xf32>,
      %broadcast_in_dim3A_1647 = arith.constant 23 : i32
      %broadcast_in_dim3A_1648 = vector.broadcast %broadcast_in_dim3A_1647 : i32 to vector<16xi32>
      %gather3A_1649 = tpu.vector_load_idx %arg12[%add3A_1271, %broadcast_in_dim3A_1648] : memref<64x32xf32, #tpu.memory_space<vmem>>[vector<16xi32>, vector<16xi32>], vector<16xf32>,
      %mul3A_1650 = arith.mulf %gather3A_1646, %gather3A_1649 : vector<16xf32>
      %add3A_1651 = arith.addf %add3A_1635, %mul3A_1650 : vector<16xf32>
      %mul3A_1652 = arith.mulf %gather3A_1646, %gather3A_1646 : vector<16xf32>
      %add3A_1653 = arith.addf %add3A_1637, %mul3A_1652 : vector<16xf32>
      %mul3A_1654 = arith.mulf %gather3A_1649, %gather3A_1649 : vector<16xf32>
      %add3A_1655 = arith.addf %add3A_1639, %mul3A_1654 : vector<16xf32>
      %mul3A_1656 = arith.constant 32 : i32
      %mul3A_1657 = vector.broadcast %mul3A_1656 : i32 to vector<16xi32>
      %mul3A_1658 = arith.muli %sub3A_1243, %mul3A_1657 : vector<16xi32>
      %add3A_1659 = arith.constant 24 : i32
      %add3A_1660 = vector.broadcast %add3A_1659 : i32 to vector<16xi32>
      %add3A_1661 = arith.addi %mul3A_1658, %add3A_1660 : vector<16xi32>
      %gather3A_1662 = tpu.vector_load_idx %arg10[%add3A_1661, %and3A_1264] : memref<256x128xf32, #tpu.memory_space<vmem>>[vector<16xi32>, vector<16xi32>], vector<16xf32>,
      %broadcast_in_dim3A_1663 = arith.constant 24 : i32
      %broadcast_in_dim3A_1664 = vector.broadcast %broadcast_in_dim3A_1663 : i32 to vector<16xi32>
      %gather3A_1665 = tpu.vector_load_idx %arg12[%add3A_1271, %broadcast_in_dim3A_1664] : memref<64x32xf32, #tpu.memory_space<vmem>>[vector<16xi32>, vector<16xi32>], vector<16xf32>,
      %mul3A_1666 = arith.mulf %gather3A_1662, %gather3A_1665 : vector<16xf32>
      %add3A_1667 = arith.addf %add3A_1651, %mul3A_1666 : vector<16xf32>
      %mul3A_1668 = arith.mulf %gather3A_1662, %gather3A_1662 : vector<16xf32>
      %add3A_1669 = arith.addf %add3A_1653, %mul3A_1668 : vector<16xf32>
      %mul3A_1670 = arith.mulf %gather3A_1665, %gather3A_1665 : vector<16xf32>
      %add3A_1671 = arith.addf %add3A_1655, %mul3A_1670 : vector<16xf32>
      %mul3A_1672 = arith.constant 32 : i32
      %mul3A_1673 = vector.broadcast %mul3A_1672 : i32 to vector<16xi32>
      %mul3A_1674 = arith.muli %sub3A_1243, %mul3A_1673 : vector<16xi32>
      %add3A_1675 = arith.constant 25 : i32
      %add3A_1676 = vector.broadcast %add3A_1675 : i32 to vector<16xi32>
      %add3A_1677 = arith.addi %mul3A_1674, %add3A_1676 : vector<16xi32>
      %gather3A_1678 = tpu.vector_load_idx %arg10[%add3A_1677, %and3A_1264] : memref<256x128xf32, #tpu.memory_space<vmem>>[vector<16xi32>, vector<16xi32>], vector<16xf32>,
      %broadcast_in_dim3A_1679 = arith.constant 25 : i32
      %broadcast_in_dim3A_1680 = vector.broadcast %broadcast_in_dim3A_1679 : i32 to vector<16xi32>
      %gather3A_1681 = tpu.vector_load_idx %arg12[%add3A_1271, %broadcast_in_dim3A_1680] : memref<64x32xf32, #tpu.memory_space<vmem>>[vector<16xi32>, vector<16xi32>], vector<16xf32>,
      %mul3A_1682 = arith.mulf %gather3A_1678, %gather3A_1681 : vector<16xf32>
      %add3A_1683 = arith.addf %add3A_1667, %mul3A_1682 : vector<16xf32>
      %mul3A_1684 = arith.mulf %gather3A_1678, %gather3A_1678 : vector<16xf32>
      %add3A_1685 = arith.addf %add3A_1669, %mul3A_1684 : vector<16xf32>
      %mul3A_1686 = arith.mulf %gather3A_1681, %gather3A_1681 : vector<16xf32>
      %add3A_1687 = arith.addf %add3A_1671, %mul3A_1686 : vector<16xf32>
      %mul3A_1688 = arith.constant 32 : i32
      %mul3A_1689 = vector.broadcast %mul3A_1688 : i32 to vector<16xi32>
      %mul3A_1690 = arith.muli %sub3A_1243, %mul3A_1689 : vector<16xi32>
      %add3A_1691 = arith.constant 26 : i32
      %add3A_1692 = vector.broadcast %add3A_1691 : i32 to vector<16xi32>
      %add3A_1693 = arith.addi %mul3A_1690, %add3A_1692 : vector<16xi32>
      %gather3A_1694 = tpu.vector_load_idx %arg10[%add3A_1693, %and3A_1264] : memref<256x128xf32, #tpu.memory_space<vmem>>[vector<16xi32>, vector<16xi32>], vector<16xf32>,
      %broadcast_in_dim3A_1695 = arith.constant 26 : i32
      %broadcast_in_dim3A_1696 = vector.broadcast %broadcast_in_dim3A_1695 : i32 to vector<16xi32>
      %gather3A_1697 = tpu.vector_load_idx %arg12[%add3A_1271, %broadcast_in_dim3A_1696] : memref<64x32xf32, #tpu.memory_space<vmem>>[vector<16xi32>, vector<16xi32>], vector<16xf32>,
      %mul3A_1698 = arith.mulf %gather3A_1694, %gather3A_1697 : vector<16xf32>
      %add3A_1699 = arith.addf %add3A_1683, %mul3A_1698 : vector<16xf32>
      %mul3A_1700 = arith.mulf %gather3A_1694, %gather3A_1694 : vector<16xf32>
      %add3A_1701 = arith.addf %add3A_1685, %mul3A_1700 : vector<16xf32>
      %mul3A_1702 = arith.mulf %gather3A_1697, %gather3A_1697 : vector<16xf32>
      %add3A_1703 = arith.addf %add3A_1687, %mul3A_1702 : vector<16xf32>
      %mul3A_1704 = arith.constant 32 : i32
      %mul3A_1705 = vector.broadcast %mul3A_1704 : i32 to vector<16xi32>
      %mul3A_1706 = arith.muli %sub3A_1243, %mul3A_1705 : vector<16xi32>
      %add3A_1707 = arith.constant 27 : i32
      %add3A_1708 = vector.broadcast %add3A_1707 : i32 to vector<16xi32>
      %add3A_1709 = arith.addi %mul3A_1706, %add3A_1708 : vector<16xi32>
      %gather3A_1710 = tpu.vector_load_idx %arg10[%add3A_1709, %and3A_1264] : memref<256x128xf32, #tpu.memory_space<vmem>>[vector<16xi32>, vector<16xi32>], vector<16xf32>,
      %broadcast_in_dim3A_1711 = arith.constant 27 : i32
      %broadcast_in_dim3A_1712 = vector.broadcast %broadcast_in_dim3A_1711 : i32 to vector<16xi32>
      %gather3A_1713 = tpu.vector_load_idx %arg12[%add3A_1271, %broadcast_in_dim3A_1712] : memref<64x32xf32, #tpu.memory_space<vmem>>[vector<16xi32>, vector<16xi32>], vector<16xf32>,
      %mul3A_1714 = arith.mulf %gather3A_1710, %gather3A_1713 : vector<16xf32>
      %add3A_1715 = arith.addf %add3A_1699, %mul3A_1714 : vector<16xf32>
      %mul3A_1716 = arith.mulf %gather3A_1710, %gather3A_1710 : vector<16xf32>
      %add3A_1717 = arith.addf %add3A_1701, %mul3A_1716 : vector<16xf32>
      %mul3A_1718 = arith.mulf %gather3A_1713, %gather3A_1713 : vector<16xf32>
      %add3A_1719 = arith.addf %add3A_1703, %mul3A_1718 : vector<16xf32>
      %mul3A_1720 = arith.constant 32 : i32
      %mul3A_1721 = vector.broadcast %mul3A_1720 : i32 to vector<16xi32>
      %mul3A_1722 = arith.muli %sub3A_1243, %mul3A_1721 : vector<16xi32>
      %add3A_1723 = arith.constant 28 : i32
      %add3A_1724 = vector.broadcast %add3A_1723 : i32 to vector<16xi32>
      %add3A_1725 = arith.addi %mul3A_1722, %add3A_1724 : vector<16xi32>
      %gather3A_1726 = tpu.vector_load_idx %arg10[%add3A_1725, %and3A_1264] : memref<256x128xf32, #tpu.memory_space<vmem>>[vector<16xi32>, vector<16xi32>], vector<16xf32>,
      %broadcast_in_dim3A_1727 = arith.constant 28 : i32
      %broadcast_in_dim3A_1728 = vector.broadcast %broadcast_in_dim3A_1727 : i32 to vector<16xi32>
      %gather3A_1729 = tpu.vector_load_idx %arg12[%add3A_1271, %broadcast_in_dim3A_1728] : memref<64x32xf32, #tpu.memory_space<vmem>>[vector<16xi32>, vector<16xi32>], vector<16xf32>,
      %mul3A_1730 = arith.mulf %gather3A_1726, %gather3A_1729 : vector<16xf32>
      %add3A_1731 = arith.addf %add3A_1715, %mul3A_1730 : vector<16xf32>
      %mul3A_1732 = arith.mulf %gather3A_1726, %gather3A_1726 : vector<16xf32>
      %add3A_1733 = arith.addf %add3A_1717, %mul3A_1732 : vector<16xf32>
      %mul3A_1734 = arith.mulf %gather3A_1729, %gather3A_1729 : vector<16xf32>
      %add3A_1735 = arith.addf %add3A_1719, %mul3A_1734 : vector<16xf32>
      %mul3A_1736 = arith.constant 32 : i32
      %mul3A_1737 = vector.broadcast %mul3A_1736 : i32 to vector<16xi32>
      %mul3A_1738 = arith.muli %sub3A_1243, %mul3A_1737 : vector<16xi32>
      %add3A_1739 = arith.constant 29 : i32
      %add3A_1740 = vector.broadcast %add3A_1739 : i32 to vector<16xi32>
      %add3A_1741 = arith.addi %mul3A_1738, %add3A_1740 : vector<16xi32>
      %gather3A_1742 = tpu.vector_load_idx %arg10[%add3A_1741, %and3A_1264] : memref<256x128xf32, #tpu.memory_space<vmem>>[vector<16xi32>, vector<16xi32>], vector<16xf32>,
      %broadcast_in_dim3A_1743 = arith.constant 29 : i32
      %broadcast_in_dim3A_1744 = vector.broadcast %broadcast_in_dim3A_1743 : i32 to vector<16xi32>
      %gather3A_1745 = tpu.vector_load_idx %arg12[%add3A_1271, %broadcast_in_dim3A_1744] : memref<64x32xf32, #tpu.memory_space<vmem>>[vector<16xi32>, vector<16xi32>], vector<16xf32>,
      %mul3A_1746 = arith.mulf %gather3A_1742, %gather3A_1745 : vector<16xf32>
      %add3A_1747 = arith.addf %add3A_1731, %mul3A_1746 : vector<16xf32>
      %mul3A_1748 = arith.mulf %gather3A_1742, %gather3A_1742 : vector<16xf32>
      %add3A_1749 = arith.addf %add3A_1733, %mul3A_1748 : vector<16xf32>
      %mul3A_1750 = arith.mulf %gather3A_1745, %gather3A_1745 : vector<16xf32>
      %add3A_1751 = arith.addf %add3A_1735, %mul3A_1750 : vector<16xf32>
      %mul3A_1752 = arith.constant 32 : i32
      %mul3A_1753 = vector.broadcast %mul3A_1752 : i32 to vector<16xi32>
      %mul3A_1754 = arith.muli %sub3A_1243, %mul3A_1753 : vector<16xi32>
      %add3A_1755 = arith.constant 30 : i32
      %add3A_1756 = vector.broadcast %add3A_1755 : i32 to vector<16xi32>
      %add3A_1757 = arith.addi %mul3A_1754, %add3A_1756 : vector<16xi32>
      %gather3A_1758 = tpu.vector_load_idx %arg10[%add3A_1757, %and3A_1264] : memref<256x128xf32, #tpu.memory_space<vmem>>[vector<16xi32>, vector<16xi32>], vector<16xf32>,
      %broadcast_in_dim3A_1759 = arith.constant 30 : i32
      %broadcast_in_dim3A_1760 = vector.broadcast %broadcast_in_dim3A_1759 : i32 to vector<16xi32>
      %gather3A_1761 = tpu.vector_load_idx %arg12[%add3A_1271, %broadcast_in_dim3A_1760] : memref<64x32xf32, #tpu.memory_space<vmem>>[vector<16xi32>, vector<16xi32>], vector<16xf32>,
      %mul3A_1762 = arith.mulf %gather3A_1758, %gather3A_1761 : vector<16xf32>
      %add3A_1763 = arith.addf %add3A_1747, %mul3A_1762 : vector<16xf32>
      %mul3A_1764 = arith.mulf %gather3A_1758, %gather3A_1758 : vector<16xf32>
      %add3A_1765 = arith.addf %add3A_1749, %mul3A_1764 : vector<16xf32>
      %mul3A_1766 = arith.mulf %gather3A_1761, %gather3A_1761 : vector<16xf32>
      %add3A_1767 = arith.addf %add3A_1751, %mul3A_1766 : vector<16xf32>
      %mul3A_1768 = arith.constant 32 : i32
      %mul3A_1769 = vector.broadcast %mul3A_1768 : i32 to vector<16xi32>
      %mul3A_1770 = arith.muli %sub3A_1243, %mul3A_1769 : vector<16xi32>
      %add3A_1771 = arith.constant 31 : i32
      %add3A_1772 = vector.broadcast %add3A_1771 : i32 to vector<16xi32>
      %add3A_1773 = arith.addi %mul3A_1770, %add3A_1772 : vector<16xi32>
      %gather3A_1774 = tpu.vector_load_idx %arg10[%add3A_1773, %and3A_1264] : memref<256x128xf32, #tpu.memory_space<vmem>>[vector<16xi32>, vector<16xi32>], vector<16xf32>,
      %broadcast_in_dim3A_1775 = arith.constant 31 : i32
      %broadcast_in_dim3A_1776 = vector.broadcast %broadcast_in_dim3A_1775 : i32 to vector<16xi32>
      %gather3A_1777 = tpu.vector_load_idx %arg12[%add3A_1271, %broadcast_in_dim3A_1776] : memref<64x32xf32, #tpu.memory_space<vmem>>[vector<16xi32>, vector<16xi32>], vector<16xf32>,
      %mul3A_1778 = arith.mulf %gather3A_1774, %gather3A_1777 : vector<16xf32>
      %add3A_1779 = arith.addf %add3A_1763, %mul3A_1778 : vector<16xf32>
      %mul3A_1780 = arith.mulf %gather3A_1774, %gather3A_1774 : vector<16xf32>
      %add3A_1781 = arith.addf %add3A_1765, %mul3A_1780 : vector<16xf32>
      %mul3A_1782 = arith.mulf %gather3A_1777, %gather3A_1777 : vector<16xf32>
      %add3A_1783 = arith.addf %add3A_1767, %mul3A_1782 : vector<16xf32>
      %max3A_1784 = vector.broadcast %scan3A_298 : f32 to vector<16xf32>
      %max3A_1785 = arith.maximumf %add3A_1781, %max3A_1784 : vector<16xf32>
      %max3A_1786 = vector.broadcast %scan3A_298 : f32 to vector<16xf32>
      %max3A_1787 = arith.maximumf %add3A_1783, %max3A_1786 : vector<16xf32>
      %bitcast_convert_type3A_1788 = tpu.bitcast %max3A_1785 : vector<16xf32> -> vector<16xi32>
      %shift_right_arithmetic3A_1789 = arith.constant 1 : i32
      %shift_right_arithmetic3A_1790 = vector.broadcast %shift_right_arithmetic3A_1789 : i32 to vector<16xi32>
      %shift_right_arithmetic3A_1791 = arith.shrsi %bitcast_convert_type3A_1788, %shift_right_arithmetic3A_1790 : vector<16xi32>
      %sub3A_1792 = arith.constant 1597463007 : i32
      %sub3A_1793 = vector.broadcast %sub3A_1792 : i32 to vector<16xi32>
      %sub3A_1794 = arith.subi %sub3A_1793, %shift_right_arithmetic3A_1791 : vector<16xi32>
      %bitcast_convert_type3A_1795 = tpu.bitcast %sub3A_1794 : vector<16xi32> -> vector<16xf32>
      %mul3A_1796 = arith.constant 5.000000e-01 : f32
      %mul3A_1797 = vector.broadcast %mul3A_1796 : f32 to vector<16xf32>
      %mul3A_1798 = arith.mulf %mul3A_1797, %max3A_1785 : vector<16xf32>
      %mul3A_1799 = arith.mulf %mul3A_1798, %bitcast_convert_type3A_1795 : vector<16xf32>
      %mul3A_1800 = arith.mulf %mul3A_1799, %bitcast_convert_type3A_1795 : vector<16xf32>
      %sub3A_1801 = arith.constant 1.500000e+00 : f32
      %sub3A_1802 = vector.broadcast %sub3A_1801 : f32 to vector<16xf32>
      %sub3A_1803 = arith.subf %sub3A_1802, %mul3A_1800 : vector<16xf32>
      %mul3A_1804 = arith.mulf %bitcast_convert_type3A_1795, %sub3A_1803 : vector<16xf32>
      %mul3A_1805 = arith.constant 5.000000e-01 : f32
      %mul3A_1806 = vector.broadcast %mul3A_1805 : f32 to vector<16xf32>
      %mul3A_1807 = arith.mulf %mul3A_1806, %max3A_1785 : vector<16xf32>
      %mul3A_1808 = arith.mulf %mul3A_1807, %mul3A_1804 : vector<16xf32>
      %mul3A_1809 = arith.mulf %mul3A_1808, %mul3A_1804 : vector<16xf32>
      %sub3A_1810 = arith.constant 1.500000e+00 : f32
      %sub3A_1811 = vector.broadcast %sub3A_1810 : f32 to vector<16xf32>
      %sub3A_1812 = arith.subf %sub3A_1811, %mul3A_1809 : vector<16xf32>
      %mul3A_1813 = arith.mulf %mul3A_1804, %sub3A_1812 : vector<16xf32>
      %mul3A_1814 = arith.constant 5.000000e-01 : f32
      %mul3A_1815 = vector.broadcast %mul3A_1814 : f32 to vector<16xf32>
      %mul3A_1816 = arith.mulf %mul3A_1815, %max3A_1785 : vector<16xf32>
      %mul3A_1817 = arith.mulf %mul3A_1816, %mul3A_1813 : vector<16xf32>
      %mul3A_1818 = arith.mulf %mul3A_1817, %mul3A_1813 : vector<16xf32>
      %sub3A_1819 = arith.constant 1.500000e+00 : f32
      %sub3A_1820 = vector.broadcast %sub3A_1819 : f32 to vector<16xf32>
      %sub3A_1821 = arith.subf %sub3A_1820, %mul3A_1818 : vector<16xf32>
      %mul3A_1822 = arith.mulf %mul3A_1813, %sub3A_1821 : vector<16xf32>
      %mul3A_1823 = arith.mulf %add3A_1779, %mul3A_1822 : vector<16xf32>
      %bitcast_convert_type3A_1824 = tpu.bitcast %max3A_1787 : vector<16xf32> -> vector<16xi32>
      %shift_right_arithmetic3A_1825 = arith.constant 1 : i32
      %shift_right_arithmetic3A_1826 = vector.broadcast %shift_right_arithmetic3A_1825 : i32 to vector<16xi32>
      %shift_right_arithmetic3A_1827 = arith.shrsi %bitcast_convert_type3A_1824, %shift_right_arithmetic3A_1826 : vector<16xi32>
      %sub3A_1828 = arith.constant 1597463007 : i32
      %sub3A_1829 = vector.broadcast %sub3A_1828 : i32 to vector<16xi32>
      %sub3A_1830 = arith.subi %sub3A_1829, %shift_right_arithmetic3A_1827 : vector<16xi32>
      %bitcast_convert_type3A_1831 = tpu.bitcast %sub3A_1830 : vector<16xi32> -> vector<16xf32>
      %mul3A_1832 = arith.constant 5.000000e-01 : f32
      %mul3A_1833 = vector.broadcast %mul3A_1832 : f32 to vector<16xf32>
      %mul3A_1834 = arith.mulf %mul3A_1833, %max3A_1787 : vector<16xf32>
      %mul3A_1835 = arith.mulf %mul3A_1834, %bitcast_convert_type3A_1831 : vector<16xf32>
      %mul3A_1836 = arith.mulf %mul3A_1835, %bitcast_convert_type3A_1831 : vector<16xf32>
      %sub3A_1837 = arith.constant 1.500000e+00 : f32
      %sub3A_1838 = vector.broadcast %sub3A_1837 : f32 to vector<16xf32>
      %sub3A_1839 = arith.subf %sub3A_1838, %mul3A_1836 : vector<16xf32>
      %mul3A_1840 = arith.mulf %bitcast_convert_type3A_1831, %sub3A_1839 : vector<16xf32>
      %mul3A_1841 = arith.constant 5.000000e-01 : f32
      %mul3A_1842 = vector.broadcast %mul3A_1841 : f32 to vector<16xf32>
      %mul3A_1843 = arith.mulf %mul3A_1842, %max3A_1787 : vector<16xf32>
      %mul3A_1844 = arith.mulf %mul3A_1843, %mul3A_1840 : vector<16xf32>
      %mul3A_1845 = arith.mulf %mul3A_1844, %mul3A_1840 : vector<16xf32>
      %sub3A_1846 = arith.constant 1.500000e+00 : f32
      %sub3A_1847 = vector.broadcast %sub3A_1846 : f32 to vector<16xf32>
      %sub3A_1848 = arith.subf %sub3A_1847, %mul3A_1845 : vector<16xf32>
      %mul3A_1849 = arith.mulf %mul3A_1840, %sub3A_1848 : vector<16xf32>
      %mul3A_1850 = arith.constant 5.000000e-01 : f32
      %mul3A_1851 = vector.broadcast %mul3A_1850 : f32 to vector<16xf32>
      %mul3A_1852 = arith.mulf %mul3A_1851, %max3A_1787 : vector<16xf32>
      %mul3A_1853 = arith.mulf %mul3A_1852, %mul3A_1849 : vector<16xf32>
      %mul3A_1854 = arith.mulf %mul3A_1853, %mul3A_1849 : vector<16xf32>
      %sub3A_1855 = arith.constant 1.500000e+00 : f32
      %sub3A_1856 = vector.broadcast %sub3A_1855 : f32 to vector<16xf32>
      %sub3A_1857 = arith.subf %sub3A_1856, %mul3A_1854 : vector<16xf32>
      %mul3A_1858 = arith.mulf %mul3A_1849, %sub3A_1857 : vector<16xf32>
      %mul3A_1859 = arith.mulf %mul3A_1823, %mul3A_1858 : vector<16xf32>
      %lt3A_1860 = arith.constant 8 : i32
      %lt3A_1861 = vector.broadcast %lt3A_1860 : i32 to vector<16xi32>
      %lt3A_1862 = arith.cmpi slt, %iota3A, %lt3A_1861 : vector<16xi32>
      %rev3A = arith.constant 15 : i32
      %rev3A_1863 = vector.broadcast %rev3A : i32 to vector<16xi32>
      %rev3A_1864 = tpu.iota {dimensions = array<i32: 0>} : vector<16xi32>
      %rev3A_1865 = arith.subi %rev3A_1863, %rev3A_1864 : vector<16xi32>
      %rev3A_1866 = tpu.dynamic_gather %mul3A_1859[%rev3A_1865] in [0] : vector<16xf32>, vector<16xi32> -> vector<16xf32>
      %select_n3A = arith.select %lt3A_1862, %mul3A_1218, %rev3A_1866 : vector<16xi1>, vector<16xf32>
      %mul3A_1867 = arith.constant 16 : i32
      %mul3A_1868 = arith.muli %scan3A_304, %mul3A_1867 : i32
      %swap3A = arith.index_cast %mul3A_1868 : i32 to index
      %swap3A_1869 = tpu.vector_load %arg13[%swap3A] {strides = array<i32>} : memref<512xf32, #tpu.memory_space<vmem>>, vector<16xf32>,
      tpu.vector_store %arg13[%swap3A], %select_n3A {strides = array<i32>} : memref<512xf32, #tpu.memory_space<vmem>>, vector<16xf32>,
    }
    %scan3A_303 = arith.constant 32 : i32
    "tpu.region"() ({
      %run_scoped3A = tpu.sem_alloc : memref<!tpu.dma_semaphore, #tpu.memory_space<semaphore_mem>>
      %dma_start3A_304 = tpu.memref_slice %arg6[%mul3A_2] : memref<16384xf32, #tpu.memory_space<hbm>> -> memref<512xf32, #tpu.memory_space<hbm>>
      %dma_start3A_305 = tpu.memref_slice %arg6[%mul3A_2] : memref<16384xf32, #tpu.memory_space<hbm>> -> memref<512xf32, #tpu.memory_space<hbm>>
      tpu.enqueue_dma source(%arg13 : memref<512xf32, #tpu.memory_space<vmem>>) target(%dma_start3A_305 : memref<512xf32, #tpu.memory_space<hbm>>) target_semaphore(%run_scoped3A : memref<!tpu.dma_semaphore, #tpu.memory_space<semaphore_mem>>)
      %dma_wait3A_306 = tpu.memref_slice %arg6[%mul3A_2] : memref<16384xf32, #tpu.memory_space<hbm>> -> memref<512xf32, #tpu.memory_space<hbm>>
      %dma_wait3A_307 = tpu.memref_slice %arg6[%mul3A_2] : memref<16384xf32, #tpu.memory_space<hbm>> -> memref<512xf32, #tpu.memory_space<hbm>>
      tpu.wait_dma2 semaphore(%run_scoped3A : memref<!tpu.dma_semaphore, #tpu.memory_space<semaphore_mem>>) src(%arg13 : memref<512xf32, #tpu.memory_space<vmem>>) dst(%dma_wait3A_307 : memref<512xf32, #tpu.memory_space<hbm>>)
      tpu.yield
    }) : () -> ()
    return
  }
}

</mosaic_0001>

<sc_bundles>
// kernel: kernel.3.cloned.1.call-start
scs
__scs_entry_jumppad:
0x0: {  	(pc) =	sbr.rel $0x88, $3  }
0x1: {  	(tag) =	ssettag $0x0;
	lr =	simm.s32 $0x1  }
0x2: {  	[smem:$0x3F9D] =	sst lr;
	_ =	strace $0xD0000000  }
0x3: {  	_ = 	snop  }
0x4: {  	_ = 	snop  }
0x5: {  	_ = 	snop  }
0x6: {  	_ = 	snop  }
0x7: {  	_ = 	snop  }
__scs_overlays_trampoline_lowered:
0x8: {  	[smem:$0x3FAC] =	sst s0  }
0x9: {  	[smem:$0x3FAD] =	sst s1  }
0xa: {  	[smem:$0x3FAE] =	sst s2  }
0xb: {  	[smem:$0x3FAF] =	sst s3  }
0xc: {  	[smem:$0x3FB0] =	sst s4  }
0xd: {  	[smem:$0x3FB1] =	sst s5  }
0xe: {  	[smem:$0x3FB2] =	sst s6  }
0xf: {  	[smem:$0x3FB3] =	sst s7  }
0x10: {  	[smem:$0x3FB4] =	sst s8  }
0x11: {  	[smem:$0x3FB5] =	sst s9;
	s0 =	simm.s32 @!p0 $0x0  }
0x12: {  	s1 =	sld [smem:$0x3F9B];
	s0 =	simm.s32 @p0 $0x1  }
0x13: {  	[smem:$0x3FB6] =	sst s0;
	s0 =	simm.s32 @!p1 $0x0  }
0x14: {  	s2 =	sld [smem:$0x3F9A];
	s0 =	simm.s32 @p1 $0x1  }
0x15: {  	[smem:$0x3FB7] =	sst s0;
	s0 =	simm.s32 @!p2 $0x0  }
0x16: {  	s3 =	sld [smem:$0x3FDB];
	s0 =	simm.s32 @p2 $0x1  }
0x17: {  	s4 =	simm.s32 $0x1BF5;
	[smem:$0x3FB9] =	sst s0  }
0x18: {  	s0 =	sld [smem:$0x3F9C];
	_ =	swait.ge [sflag:s4], $0x0  }
0x19: {  	s7 =	sld [smem:$0x3F9D]  }
0x1a: {  	s8 =	sadd.s32 $0xFFFFE003, lr  }
0x1b: {  	s9 =	sadd.s32 $0xFFFFFEF7, lr;
	s5 =	simm.s32 $0xFFFFFFFF;
	p2 =	slt.u32 s8, $0xFFFFF086  }
0x1c: {  	p1 =	slt.u32 s9, $0xF7A;
	s5 =	simm.s32 @!p2 $0x0  }
0x1d: {  	s5 =	simm.s32 @p1 $0x1;
	p0 =	seq.s32 s7, s2  }
0x1e: {  	s7 =	smul.u32 @!p0 $0xF7A, s2;
	p2 =	seq.s32 @!p0 s5, $0x0  }
0x1f: {  	s9 =	smul.u32 $0xF7A, s1;
	s8 =	simm.s32 @!p0 $0x1BF5;
	p2 =	por !p2, p0  }
0x20: {  	[sflag:s8] =	ssyncset.s32 @!p0 $0xFFFFF086;
	s6 =	sadd.s32 @!p0 s3, s7;
	s7 =	simm.s32 @!p0 $0x108  }
0x21: {  	s3 =	sadd.s32 s3, s9;
	s6 =	sadd.s32 @!p0 $0x88, s6;
	s7 =	simm.s32 @p2 $0x1082  }
0x22: {  	[simem:s7], [sflag:s8] =	dma.local @!p0 [hbm:s6], $0xF7A  }
0x23: {  	s9 =	sor.u32 $0xD0000000, s2;
	s6 =	simm.s32 $0x108;
	_ =	swait.ge @!p0 [sflag:s8], $0x0  }
0x24: {  	s3 =	sadd.s32 $0x88, s3;
	s6 =	simm.s32 @!p1 $0x1082;
	[sflag:s4] =	ssyncset.s32 $0xFFFFF086  }
0x25: {  	[simem:s6], [sflag:s4] =	dma.local [hbm:s3], $0xF7A  }
0x26: {  	[smem:$0x3F9D] =	sst s1;
	(tag) =	ssettag s2;
	_ =	strace s9  }
0x27: {  	s1 =	sld [smem:$0x3FAD]  }
0x28: {  	s2 =	sld [smem:$0x3FAE]  }
0x29: {  	s4 =	sld [smem:$0x3FB0]  }
0x2a: {  	p0 =	seq.s32 s5, $0x0;
	s5 =	sld [smem:$0x3FB1]  }
0x2b: {  	s6 =	sld [smem:$0x3FB2]  }
0x2c: {  	s7 =	sld [smem:$0x3FB3]  }
0x2d: {  	s3 =	simm.s32 $0x108;
	s8 =	sld [smem:$0x3FB4]  }
0x2e: {  	s3 =	simm.s32 @!p0 $0x1082;
	s9 =	sld [smem:$0x3FB5]  }
0x2f: {  	lr =	sadd.s32 s0, s3;
	s0 =	sld [smem:$0x3FAC]  }
0x30: {  	s3 =	sld [smem:$0x3FAF]  }
0x31: {  	[smem:$0x3FB8] =	sst s10  }
0x32: {  	s10 =	sld [smem:$0x3FB6];
	_ =	sdelay $0x3  }
0x33: {  	p0 =	seq.s32 s10, $0x1;
	s10 =	sld [smem:$0x3FB8];
	_ =	sdelay $0x3  }
0x34: {  	[smem:$0x3FB8] =	sst s10  }
0x35: {  	s10 =	sld [smem:$0x3FB7];
	_ =	sdelay $0x3  }
0x36: {  	p1 =	seq.s32 s10, $0x1;
	s10 =	sld [smem:$0x3FB8];
	_ =	sdelay $0x3  }
0x37: {  	[smem:$0x3FB8] =	sst s10  }
0x38: {  	s10 =	sld [smem:$0x3FB9]  }
0x39: {  	_ = 	snop;
	(pc) =	sbr.ind lr, $3  }
0x3a: {  	_ = 	snop  }
0x3b: {  	_ = 	snop  }
0x3c: {  	p2 =	seq.s32 s10, $0x1;
	s10 =	sld [smem:$0x3FB8]  }
0x3d: {  	_ =	shalt  }
0x3e: {  	_ =	shalt  }
0x3f: {  	_ =	shalt  }
0x40: {  	_ =	shalt  }
0x41: {  	_ =	shalt  }
0x42: {  	_ =	shalt  }
0x43: {  	_ =	shalt  }
0x44: {  	_ =	shalt  }
0x45: {  	_ =	shalt  }
0x46: {  	_ =	shalt  }
0x47: {  	_ =	shalt  }
0x48: {  	_ =	shalt  }
0x49: {  	_ =	shalt  }
0x4a: {  	_ =	shalt  }
0x4b: {  	_ =	shalt  }
0x4c: {  	_ =	shalt  }
0x4d: {  	_ =	shalt  }
0x4e: {  	_ =	shalt  }
0x4f: {  	_ =	shalt  }
0x50: {  	_ =	shalt  }
0x51: {  	_ =	shalt  }
0x52: {  	_ =	shalt  }
0x53: {  	_ =	shalt  }
0x54: {  	_ =	shalt  }
0x55: {  	_ =	shalt  }
0x56: {  	_ =	shalt  }
0x57: {  	_ =	shalt  }
0x58: {  	_ =	shalt  }
0x59: {  	_ =	shalt  }
0x5a: {  	_ =	shalt  }
0x5b: {  	_ =	shalt  }
0x5c: {  	_ =	shalt  }
0x5d: {  	_ =	shalt  }
0x5e: {  	_ =	shalt  }
0x5f: {  	_ =	shalt  }
0x60: {  	_ =	shalt  }
0x61: {  	_ =	shalt  }
0x62: {  	_ =	shalt  }
0x63: {  	_ =	shalt  }
0x64: {  	_ =	shalt  }
0x65: {  	_ =	shalt  }
0x66: {  	_ =	shalt  }
0x67: {  	_ =	shalt  }
0x68: {  	_ =	shalt  }
0x69: {  	_ =	shalt  }
0x6a: {  	_ =	shalt  }
0x6b: {  	_ =	shalt  }
0x6c: {  	_ =	shalt  }
0x6d: {  	_ =	shalt  }
0x6e: {  	_ =	shalt  }
0x6f: {  	_ =	shalt  }
0x70: {  	_ =	shalt  }
0x71: {  	_ =	shalt  }
0x72: {  	_ =	shalt  }
0x73: {  	_ =	shalt  }
0x74: {  	_ =	shalt  }
0x75: {  	_ =	shalt  }
0x76: {  	_ =	shalt  }
0x77: {  	_ =	shalt  }
0x78: {  	_ =	shalt  }
0x79: {  	_ =	shalt  }
0x7a: {  	_ =	shalt  }
0x7b: {  	_ =	shalt  }
0x7c: {  	_ =	shalt  }
0x7d: {  	_ =	shalt  }
0x7e: {  	_ =	shalt  }
0x7f: {  	_ =	shalt  }
0x80: {  	_ =	shalt  }
0x81: {  	_ =	shalt  }
0x82: {  	_ =	shalt  }
0x83: {  	_ =	shalt  }
0x84: {  	_ =	shalt  }
0x85: {  	_ =	shalt  }
0x86: {  	_ =	shalt  }
0x87: {  	_ =	shalt  }
.Lfunc_end0:
.L_simem_size_0:
called_computation_lowered:
.L_overlay_start_0:
0x88: {  	s2 =	sld [smem:$0x3FD9]  }
0x89: {  	s3 =	sld [smem:$0x3FFE];
	_ =	sdelay $0x1  }
0x8a: {  	s1 =	srdreg.scid  }
0x8b: {  	s0 =	sand.u32 $0x1, s1  }
0x8c: {  	s17 =	sshll.u32 s0, $0xA;
	s2 =	sadd.s32 s3, s2  }
0x8d: {  	s2 =	sadd.s32 s2, s17  }
0x8e: {  	[smem:$0x3FC4] =	sst s2  }
0x8f: {  	_ = 	snop  }
0x90: {  	s2 =	sld [smem:$0x3FC9]  }
0x91: {  	s18 =	sld [smem:$0x3FC8]  }
0x92: {  	s4 =	sld [smem:$0x3FC7]  }
0x93: {  	s5 =	sld [smem:$0x3FD0];
	(tm) =	ssettm $0x1  }
0x94: {  	s6 =	sld [smem:$0x3FFB];
	_ =	sdelay $0x3  }
0x95: {  	_ =	strace s6  }
0x96: {  	s6 =	sld [smem:$0x3FFC];
	_ =	sdelay $0x3  }
0x97: {  	_ =	strace s6  }
0x98: {  	s6 =	sld [smem:$0x3FFD];
	_ =	sdelay $0x3  }
0x99: {  	_ =	strace s6  }
0x9a: {  	_ =	strace $0x8FFFFFFF  }
0x9b: {  	s19 =	sld [smem:$0x3FDB];
	_ =	sdelay $0x1  }
0x9c: {  	s7 =	simm.s32 $_scs_section_size  }
0x9d: {  	s8 =	simm.s32 $_size__tile_overlayer_lowered;
	s9 =	simm.s32 $_tile_overlayer_lowered  }
0x9e: {  	s22 =	simm.s32 $0x1BFF;
	s21 =	sshll.u32 s9, $0x1;
	s6 =	sadd.s32 s7, s19  }
0x9f: {  	s10 =	simm.s32 $0x0;
	s20 =	sshll.u32 s8, $0x1;
	s8 =	sadd.s32 s21, s6  }
0xa0: {  	[timem:s10], [sflag:s22] =	dma.local [hbm:s8], s20  }
0xa1: {  	_ =	swait.ge [sflag:s22], s20  }
0xa2: {  	s7 =	ssub.s32 $0x0, s20;
	[sflag:s22] =	ssyncset.done $0x0  }
0xa3: {  	[sflag:s22] =	ssyncadd.s32 s7;
	_ =	sdelay $0x1  }
0xa4: {  	s23 =	simm.s32 $0x1B8B  }
0xa5: {  	_ =	swait.ge [sflag:s23], $0x1  }
0xa6: {  	[sflag:s23] =	ssyncset.done $0x0  }
0xa7: {  	s25 =	simm.s32 $0x1B8E;
	s24 =	sld [smem:$0x3FFE];
	[sflag:s23] =	ssyncadd.s32 $0xFFFFFFFF  }
0xa8: {  	s26 =	simm.s32 $execute0_lowered;
	[smem:$0x3FD2] =	sst s25  }
0xa9: {  	s8 =	sshll.u32 s26, $0x1;
	_ =	strace $0x80000046;
	[dreg:$0x1] =	wrdreg $0xFFFFFFFF  }
0xaa: {  	s28 =	simm.s32 $_size_execute0_lowered;
	s6 =	sadd.s32 s6, s8;
	[dreg:$0x0] =	wrdreg $0x0  }
0xab: {  	s8 =	sshll.u32 s28, $0x1;
	[dreg:$0x2] =	wrdreg s6  }
0xac: {  	[dreg:$0x3] =	wrdreg s8  }
0xad: {  	[dreg:$0x4] =	wrdreg $0xC0  }
0xae: {  	_ =	task [dreg:s10], $0x5FFFF  }
0xaf: {  	[dreg:$0x1] =	wrdreg $0xFFFFFFFF  }
0xb0: {  	[dreg:$0x0] =	wrdreg $0x60  }
0xb1: {  	[dreg:$0x2] =	wrdreg s2  }
0xb2: {  	[dreg:$0x3] =	wrdreg s18  }
0xb3: {  	[dreg:$0x4] =	wrdreg s4  }
0xb4: {  	[dreg:$0x5] =	wrdreg s24  }
0xb5: {  	[dreg:$0x6] =	wrdreg s5  }
0xb6: {  	[dreg:$0x7] =	wrdreg $0x9  }
0xb7: {  	_ =	task.clear_ibuf [dreg:s10], $0x8FFFF;
	_ =	strace $0x90000046  }
0xb8: {  	s29 =	simm.s32 $0x9;
	_ =	strace $0x80000048  }
0xb9: {  	_ =	swait.ge [sflag:s29], $0x1  }
0xba: {  	[sflag:s29] =	ssyncadd.s32 $0xFFFFFFFF  }
0xbb: {  	_ =	strace $0x90000048  }
0xbc: {  	_ =	sfence  }
0xbd: {  	s30 =	sld [smem:$0x0];
	_ =	sdelay $0x2  }
0xbe: {  	s31 =	sshll.u32 s1, $0xD;
	s1 =	sshrl.u32 s1, $0x2  }
0xbf: {  	s3 =	sand.u32 $0x4000, s31;
	s1 =	sadd.s32 s1, s30  }
0xc0: {  	s0 =	sor.u32 s3, s0;
	s1 =	sshll.u32 s1, $0x11  }
0xc1: {  	s0 =	sor.u32 s1, s0  }
0xc2: {  	s0 =	sadd.s32 $0x8F2B, s0  }
0xc3: {  	[sflag:s0] =	ssyncadd.remote.s32 $0x1  }
0xc4: {  	_ =	sfence.sel $0xFFFF  }
0xc5: {  	[dreg:$0x0] =	wrdreg $0xFFFFFFFF;
	(pc) =	sbr.abs _section_cstart, $3  }
0xc6: {  	[dreg:$0x1] =	wrdreg $0xFFFFFFFF  }
0xc7: {  	_ =	task.clear_ibuf [dreg:s10], $0x2FFFF;
	_ =	strace $0x9FFFFFFF  }
0xc8: {  	(tm) =	ssettm $0x7FFFFFFF  }
0xc9: {  	_ =	shalt  }
tec
execute0_lowered:
.L_overlay_start_1:
0x0: {  	(tag) =	ssettag $0x1  }
0x1: {  	s0 =	rddreg [dreg:$0x0]  }
0x2: {  	s2 =	rddreg [dreg:$0x1]  }
0x3: {  	s1 =	rddreg [dreg:$0x2];
	v0 =	vlaneseq.u32  }
0x4: {  	s4 =	rddreg [dreg:$0x3];
	s3 =	simm.s32 $0x0;
	v36 =	vand.u32 $0x7, v0  }
0x5: {  	[smem:$0x7FF] =	sst s3;
	v1 =	vmul.u32 $0x400, v36  }
0x6: {  	s5 =	rddreg [dreg:$0x4];
	_ =	strace $0x80000047;
	v0 =	vmul.u32 $0x1000, v36;
	[tilespmem:$0x1FFF0] =	vst v36  }
0x7: {  	[tilespmem:$0x1FDE0] =	vst v1  }
0x8: {  	v33 =	vor.u32 $0x80, v0;
	[tilespmem:$0x1FFD0] =	vst v0  }
0x9: {  	v34 =	vor.u32 $0x100, v0;
	[tilespmem:$0x1FDF0] =	vst v33  }
0xa: {  	v35 =	vor.u32 $0x180, v0;
	[tilespmem:$0x1FE00] =	vst v34  }
0xb: {  	v37 =	vor.u32 $0x200, v0;
	[tilespmem:$0x1FE10] =	vst v35  }
0xc: {  	v38 =	vor.u32 $0x280, v0;
	[tilespmem:$0x1FE20] =	vst v37  }
0xd: {  	v39 =	vor.u32 $0x300, v0;
	[tilespmem:$0x1FE30] =	vst v38  }
0xe: {  	v40 =	vor.u32 $0x380, v0;
	[tilespmem:$0x1FE40] =	vst v39  }
0xf: {  	v41 =	vor.u32 $0x400, v0;
	[tilespmem:$0x1FE50] =	vst v40  }
0x10: {  	v42 =	vor.u32 $0x480, v0;
	[tilespmem:$0x1FE60] =	vst v41  }
0x11: {  	v43 =	vor.u32 $0x500, v0;
	[tilespmem:$0x1FE70] =	vst v42  }
0x12: {  	v44 =	vor.u32 $0x580, v0;
	[tilespmem:$0x1FE80] =	vst v43  }
0x13: {  	v45 =	vor.u32 $0x600, v0;
	[tilespmem:$0x1FE90] =	vst v44  }
0x14: {  	v46 =	vor.u32 $0x680, v0;
	[tilespmem:$0x1FEA0] =	vst v45  }
0x15: {  	v47 =	vor.u32 $0x700, v0;
	[tilespmem:$0x1FEB0] =	vst v46  }
0x16: {  	v48 =	vor.u32 $0x780, v0;
	[tilespmem:$0x1FEC0] =	vst v47  }
0x17: {  	v49 =	vor.u32 $0x800, v0;
	[tilespmem:$0x1FED0] =	vst v48  }
0x18: {  	v50 =	vor.u32 $0x880, v0;
	[tilespmem:$0x1FEE0] =	vst v49  }
0x19: {  	s6 =	srdreg.scid;
	v51 =	vor.u32 $0x900, v0;
	[tilespmem:$0x1FEF0] =	vst v50  }
0x1a: {  	s8 =	stileid.u32;
	s11 =	simm.s32 $0x400;
	s12 =	simm.s32 $0x7A1400;
	v52 =	vor.u32 $0x980, v0;
	[tilespmem:$0x1FF00] =	vst v51  }
0x1b: {  	s13 =	simm.s32 $0x500;
	s14 =	simm.s32 $0x10500;
	s30 =	simm.s32 $0x8500;
	v53 =	vor.u32 $0xA00, v0;
	[tilespmem:$0x1FF10] =	vst v52  }
0x1c: {  	s31 =	simm.s32 $0x12500;
	s10 =	simm.s32 $0xC500;
	s15 =	simm.s32 $0x13500;
	v54 =	vor.u32 $0xA80, v0;
	[tilespmem:$0x1FF20] =	vst v53  }
0x1d: {  	s16 =	simm.s32 $0xD500;
	s17 =	simm.s32 $0x13900;
	s18 =	simm.s32 $0xE500;
	v55 =	vor.u32 $0xB00, v0;
	[tilespmem:$0x1FF30] =	vst v54  }
0x1e: {  	s19 =	simm.s32 $0x13D00;
	s20 =	simm.s32 $0xF500;
	s21 =	simm.s32 $0x14100;
	v56 =	vor.u32 $0xB80, v0;
	[tilespmem:$0x1FF40] =	vst v55  }
0x1f: {  	s22 =	simm.s32 $0x2;
	s23 =	simm.s32 $0x4;
	s24 =	simm.s32 $0x3;
	v57 =	vor.u32 $0xC00, v0;
	[tilespmem:$0x1FF50] =	vst v56  }
0x20: {  	s25 =	simm.s32 $0x5;
	s6 =	sand.u32 $0x1, s6;
	s8 =	sshll.u32 s8, $0x7;
	v58 =	vor.u32 $0xC80, v0;
	[tilespmem:$0x1FF60] =	vst v57  }
0x21: {  	s4 =	sadd.s32 $0x400, s4;
	s7 =	ssub.s32 $0x2, s6;
	s6 =	sshll.u32 s6, $0x6;
	v59 =	vor.u32 $0xD00, v0;
	[tilespmem:$0x1FF70] =	vst v58  }
0x22: {  	s9 =	sshrl.u32 s7, $0x1;
	s6 =	sor.u32 s6, s8;
	s8 =	simm.s32 $0x13100;
	v60 =	vor.u32 $0xD80, v0;
	[tilespmem:$0x1FF80] =	vst v59  }
.Ltmp0:
0x23: {  	s7 =	ssub.s32 s7, s9;
	s0 =	sadd.s32 s0, s6;
	v61 =	vor.u32 $0xE00, v0;
	[tilespmem:$0x1FF90] =	vst v60;
	(pc) =	sbr.rel .LBB2_1-.Ltmp0, $4  }
0x24: {  	s26 =	sadd.s32 s2, s6;
	s28 =	sadd.s32 s5, s6;
	v62 =	vor.u32 $0xE80, v0;
	[dreg:$0x6] =	wrdreg s0;
	[tilespmem:$0x1FFA0] =	vst v61  }
0x25: {  	s9 =	simm.s32 $0x280;
	s2 =	simm.s32 $0x9500;
	v63 =	vor.u32 $0xF00, v0;
	[dreg:$0x7] =	wrdreg s26;
	[tilespmem:$0x1FFB0] =	vst v62  }
0x26: {  	s6 =	simm.s32 $0x12D00;
	v0 =	vor.u32 $0xF80, v0;
	[dreg:$0x8] =	wrdreg s28;
	s29 =	smax.u32 s7, $0x1;
	[tilespmem:$0x1FFC0] =	vst v63  }
0x27: {  	vm0 =	vmmov $0xff;
	s7 =	simm.s32 $0xB500;
	[tilespmem:$0x1FFE0] =	vst v0;
	s26 =	simm.s32 $0x0;
	[dreg:$0x9] =	wrdreg s29  }
.LBB2_5:
0x28: {  	s0 =	rddreg [dreg:$0x8];
	s5 =	simm.s32 $0x14500;
	s28 =	simm.s32 $0x6  }
0x29: {  	[hbm4b:s0+s3] =	stream.linear.scatter [tilespmem:s5], [sflag:$0x6], $0x200, $0x38;
	[tilespmem:$0x14700] =	vst v63  }
0x2a: {  	_ =	swait.ge [sflag:s28], $0x200  }
0x2b: {  	s26 =	rddreg [dreg:$0xa]  }
0x2c: {  	s29 =	rddreg [dreg:$0x9];
	s26 =	sadd.s32 $0x1, s26  }
0x2d: {  	p0 =	sne.s32 s26, s29  }
.Ltmp1:
0x2e: {  	_ = 	snop;
	(pc) =	sbr.rel @!p0 .LBB2_6-.Ltmp1, $3  }
0x2f: {  	_ =	sdelay $0x1  }
0x30: {  	[sflag:s28] =	ssyncset.done $0x0  }
0x31: {  	[sflag:s28] =	ssyncadd.s32 $0xFFFFFE00  }
.LBB2_1:
0x32: {  	[dreg:$0xa] =	wrdreg s26  }
0x33: {  	s0 =	rddreg [dreg:$0x6]  }
0x34: {  	[tilespmem:s3], [sflag:$0x1] =	stream.linear.gather [hbm4b:s0+s3], $0x200, $0x38;
	[tilespmem:$0x14700] =	vst v63  }
0x35: {  	s5 =	rddreg [dreg:$0x7];
	s26 =	simm.s32 $0x1  }
0x36: {  	[tilespmem:s9], [sflag:$0x1] =	stream.linear.gather [hbm4b:s5+s3], $0x200, $0x38;
	[tilespmem:$0x14700] =	vst v63  }
0x37: {  	_ =	swait.ge [sflag:s26], $0x200  }
0x38: {  	[sflag:s26] =	ssyncset.done $0x0  }
0x39: {  	[sflag:s26] =	ssyncadd.s32 $0xFFFFFE00  }
0x3a: {  	_ =	swait.ge [sflag:s26], $0x200  }
0x3b: {  	[sflag:s26] =	ssyncset.done $0x0  }
0x3c: {  	[sflag:s26] =	ssyncadd.s32 $0xFFFFFE00  }
0x3d: {  	v0 =	vld [tilespmem:$0x0]  }
0x3e: {  	v1 =	vld [tilespmem:$0x280];
	_ =	sdelay $0x4  }
0x3f: {  	(v2sf) =	vpush v0, $0x0;
	v1 =	vshll.u32 v1, $0x4  }
0x40: {  	(v2sf) =	vpush v1, $0x0;
	_ =	sdelay $0x5  }
0x41: {  	(v2sf) =	vpush v0, $0x1;
	_ =	sdelay $0x1  }
0x42: {  	(v2sf) =	vpush v1, $0x1;
	_ =	sdelay $0x5  }
0x43: {  	s29 =	spop (v2sf);
	(v2sf) =	vpush v0, $0x2  }
0x44: {  	s0 =	spop (v2sf);
	(v2sf) =	vpush v1, $0x2;
	_ =	sdelay $0x1  }
0x45: {  	s26 =	sand.u32 $0xFFFFF80, s29  }
0x46: {  	s26 =	sadd.s32 s1, s26  }
0x47: {  	[tilespmem:s13], [sflag:$0x2] =	stream.strided.gather [hbm4b:s26+s11], $0x1000, s12, s11, $0x38;
	[tilespmem:$0x14700] =	vst v63  }
0x48: {  	s26 =	sand.u32 $0xFFFFF80, s0  }
0x49: {  	s5 =	spop (v2sf);
	(v2sf) =	vpush v0, $0x3;
	s26 =	sadd.s32 s4, s26  }
0x4a: {  	[tilespmem:s14], [sflag:$0x4] =	stream.linear.gather [hbm4b:s26+s3], $0x400, $0x38;
	[tilespmem:$0x14700] =	vst v63  }
0x4b: {  	s26 =	sand.u32 $0xFFFFF80, s5;
	s5 =	spop (v2sf);
	(v2sf) =	vpush v1, $0x3  }
0x4c: {  	s29 =	simm.s32 $0x1500;
	s26 =	sadd.s32 s1, s26  }
0x4d: {  	[tilespmem:s29], [sflag:$0x2] =	stream.strided.gather [hbm4b:s26+s11], $0x1000, s12, s11, $0x38;
	[tilespmem:$0x14700] =	vst v63  }
0x4e: {  	s26 =	sand.u32 $0xFFFFF80, s5  }
0x4f: {  	s29 =	simm.s32 $0x10900;
	s26 =	sadd.s32 s4, s26  }
0x50: {  	[tilespmem:s29], [sflag:$0x4] =	stream.linear.gather [hbm4b:s26+s3], $0x400, $0x38;
	[tilespmem:$0x14700] =	vst v63  }
0x51: {  	s5 =	spop (v2sf);
	(v2sf) =	vpush v0, $0x4  }
0x52: {  	s26 =	sand.u32 $0xFFFFF80, s5;
	s5 =	spop (v2sf);
	(v2sf) =	vpush v1, $0x4;
	_ =	sdelay $0x2  }
0x53: {  	s29 =	simm.s32 $0x2500;
	s26 =	sadd.s32 s1, s26  }
0x54: {  	[tilespmem:s29], [sflag:$0x2] =	stream.strided.gather [hbm4b:s26+s11], $0x1000, s12, s11, $0x38;
	[tilespmem:$0x14700] =	vst v63  }
0x55: {  	(v2sf) =	vpush v0, $0x5;
	s26 =	sand.u32 $0xFFFFF80, s5  }
0x56: {  	s29 =	simm.s32 $0x10D00;
	s5 =	spop (v2sf);
	s26 =	sadd.s32 s4, s26  }
0x57: {  	(v2sf) =	vpush v1, $0x5;
	[tilespmem:s29], [sflag:$0x4] =	stream.linear.gather [hbm4b:s26+s3], $0x400, $0x38;
	[tilespmem:$0x14700] =	vst v63  }
0x58: {  	s26 =	sand.u32 $0xFFFFF80, s5;
	s5 =	spop (v2sf);
	(v2sf) =	vpush v0, $0x6  }
0x59: {  	s29 =	simm.s32 $0x3500;
	s26 =	sadd.s32 s1, s26  }
0x5a: {  	[tilespmem:s29], [sflag:$0x2] =	stream.strided.gather [hbm4b:s26+s11], $0x1000, s12, s11, $0x38;
	[tilespmem:$0x14700] =	vst v63  }
0x5b: {  	s26 =	sand.u32 $0xFFFFF80, s5  }
0x5c: {  	s29 =	simm.s32 $0x11100;
	s26 =	sadd.s32 s4, s26  }
0x5d: {  	[tilespmem:s29], [sflag:$0x4] =	stream.linear.gather [hbm4b:s26+s3], $0x400, $0x38;
	[tilespmem:$0x14700] =	vst v63  }
0x5e: {  	s5 =	spop (v2sf);
	(v2sf) =	vpush v1, $0x6  }
0x5f: {  	s26 =	sand.u32 $0xFFFFF80, s5;
	s5 =	spop (v2sf);
	(v2sf) =	vpush v0, $0x7;
	_ =	sdelay $0x1  }
0x60: {  	s29 =	simm.s32 $0x4500;
	s26 =	sadd.s32 s1, s26  }
0x61: {  	[tilespmem:s29], [sflag:$0x2] =	stream.strided.gather [hbm4b:s26+s11], $0x1000, s12, s11, $0x38;
	[tilespmem:$0x14700] =	vst v63  }
0x62: {  	s26 =	sand.u32 $0xFFFFF80, s5  }
0x63: {  	s29 =	simm.s32 $0x11500;
	s5 =	spop (v2sf);
	(v2sf) =	vpush v1, $0x7;
	s26 =	sadd.s32 s4, s26  }
0x64: {  	[tilespmem:s29], [sflag:$0x4] =	stream.linear.gather [hbm4b:s26+s3], $0x400, $0x38;
	[tilespmem:$0x14700] =	vst v63  }
0x65: {  	s28 =	spop (v2sf);
	s26 =	sand.u32 $0xFFFFF80, s5;
	s29 =	simm.s32 $0x5500  }
0x66: {  	s5 =	sand.u32 $0xFFFFF80, s28;
	s28 =	spop (v2sf);
	s26 =	sadd.s32 s1, s26  }
0x67: {  	[tilespmem:s29], [sflag:$0x2] =	stream.strided.gather [hbm4b:s26+s11], $0x1000, s12, s11, $0x38;
	[tilespmem:$0x14700] =	vst v63  }
0x68: {  	s26 =	sadd.s32 s4, s5;
	s29 =	simm.s32 $0x11900;
	s5 =	sand.u32 $0xFFFFF80, s28  }
0x69: {  	[tilespmem:s29], [sflag:$0x4] =	stream.linear.gather [hbm4b:s26+s3], $0x400, $0x38;
	[tilespmem:$0x14700] =	vst v63  }
0x6a: {  	s26 =	sadd.s32 s1, s5;
	s29 =	simm.s32 $0x6500  }
0x6b: {  	[tilespmem:s29], [sflag:$0x2] =	stream.strided.gather [hbm4b:s26+s11], $0x1000, s12, s11, $0x38;
	[tilespmem:$0x14700] =	vst v63  }
0x6c: {  	s28 =	spop (v2sf)  }
0x6d: {  	s5 =	sand.u32 $0xFFFFF80, s28;
	s28 =	spop (v2sf)  }
0x6e: {  	s29 =	simm.s32 $0x11D00;
	s26 =	sadd.s32 s4, s5;
	s5 =	sand.u32 $0xFFFFF80, s28  }
0x6f: {  	[tilespmem:s29], [sflag:$0x4] =	stream.linear.gather [hbm4b:s26+s3], $0x400, $0x38;
	[tilespmem:$0x14700] =	vst v63  }
0x70: {  	s26 =	sadd.s32 s1, s5;
	s29 =	simm.s32 $0x7500  }
0x71: {  	[tilespmem:s29], [sflag:$0x2] =	stream.strided.gather [hbm4b:s26+s11], $0x1000, s12, s11, $0x38;
	[tilespmem:$0x14700] =	vst v63  }
.Ltmp2:
0x72: {  	s5 =	spop (v2sf);
	(pc) =	sbr.rel .LBB2_2-.Ltmp2, $4  }
0x73: {  	s26 =	sand.u32 $0xFFFFF80, s5  }
0x74: {  	s29 =	simm.s32 $0x12100;
	s26 =	sadd.s32 s4, s26  }
0x75: {  	[tilespmem:s29], [sflag:$0x4] =	stream.linear.gather [hbm4b:s26+s3], $0x400, $0x38;
	[tilespmem:$0x14700] =	vst v63  }
0x76: {  	s28 =	simm.s32 $0x0;
	s26 =	simm.s32 $0x0  }
.LBB2_4:
0x77: {  	v35 =	vmul.f32 v29, v31;
	v36 =	vmul.f32 v34, v1  }
0x78: {  	v31 =	vmul.f32 v31, v31;
	v1 =	vmul.f32 v1, v1  }
0x79: {  	v29 =	vmul.f32 v29, v29;
	v34 =	vmul.f32 v34, v34  }
0x7a: {  	v35 =	vadd.f32 $0.0e+00, v35;
	v1 =	vadd.f32 v1, v31  }
0x7b: {  	v31 =	vmul.f32 v33, v32;
	v29 =	vadd.f32 v34, v29;
	v33 =	vmul.f32 v33, v33  }
0x7c: {  	v35 =	vadd.f32 v36, v35  }
0x7d: {  	v34 =	vmul.f32 v26, v26;
	v36 =	vmul.f32 v32, v32;
	v29 =	vadd.f32 v33, v29  }
0x7e: {  	v33 =	vmul.f32 v25, v25;
	v32 =	vmul.f32 v20, v20;
	v31 =	vadd.f32 v31, v35  }
0x7f: {  	v1 =	vadd.f32 v36, v1;
	v36 =	vmul.f32 v30, v28;
	v28 =	vmul.f32 v28, v28  }
0x80: {  	v30 =	vmul.f32 v30, v30;
	v35 =	vmul.f32 v27, v27  }
0x81: {  	v31 =	vadd.f32 v36, v31;
	v36 =	vmul.f32 v27, v26;
	v1 =	vadd.f32 v28, v1  }
0x82: {  	v28 =	vadd.f32 v30, v29;
	v30 =	vmul.f32 v23, v23;
	v26 =	vmul.f32 v17, v2  }
0x83: {  	v27 =	vmul.f32 v2, v2;
	v29 =	vadd.f32 v36, v31;
	v36 =	vmul.f32 v24, v25  }
0x84: {  	v1 =	vadd.f32 v34, v1;
	v34 =	vadd.f32 v35, v28;
	v28 =	vmul.f32 v23, v22  }
0x85: {  	v31 =	vmul.f32 v21, v20;
	v20 =	vmul.f32 v11, v11  }
0x86: {  	v35 =	vadd.f32 v36, v29;
	v36 =	vmul.f32 v24, v24;
	v29 =	vmul.f32 v22, v22  }
0x87: {  	v1 =	vadd.f32 v33, v1;
	v33 =	vmul.f32 v21, v21;
	v21 =	vmul.f32 v12, v12  }
0x88: {  	v24 =	vadd.f32 v36, v34;
	v34 =	vmul.f32 v19, v18;
	v36 =	vmul.f32 v18, v18  }
0x89: {  	v25 =	vadd.f32 v28, v35;
	v18 =	vmul.f32 v12, v11;
	v11 =	vmul.f32 v62, v61  }
0x8a: {  	v1 =	vadd.f32 v29, v1;
	v12 =	vmul.f32 v61, v61;
	v61 =	vmul.f32 v49, v49  }
0x8b: {  	v23 =	vadd.f32 v30, v24;
	v22 =	vadd.f32 v31, v25;
	v25 =	vmul.f32 v19, v19  }
0x8c: {  	v1 =	vadd.f32 v32, v1;
	v30 =	vmul.f32 v17, v17;
	v31 =	vmul.f32 v16, v15  }
0x8d: {  	v32 =	vmul.f32 v15, v15;
	v15 =	vmul.f32 v59, v59;
	v35 =	vadd.f32 v33, v23  }
0x8e: {  	v24 =	vadd.f32 v34, v22;
	v33 =	vmul.f32 v16, v16;
	v34 =	vmul.f32 v14, v13  }
0x8f: {  	v1 =	vadd.f32 v36, v1;
	v36 =	vmul.f32 v14, v14;
	v22 =	vmul.f32 v9, v10  }
0x90: {  	v23 =	vmul.f32 v10, v10;
	v10 =	vmul.f32 v63, v63;
	v29 =	vadd.f32 v26, v24  }
0x91: {  	v14 =	vmul.f32 v60, v59;
	v28 =	vadd.f32 v25, v35;
	v35 =	vmul.f32 v13, v13  }
0x92: {  	v25 =	vmul.f32 v9, v9;
	v26 =	vmul.f32 v8, v7;
	v2 =	vadd.f32 v31, v29  }
0x93: {  	v1 =	vadd.f32 v27, v1;
	v27 =	vmul.f32 v7, v7;
	v13 =	vmul.f32 v62, v62  }
0x94: {  	v17 =	vadd.f32 v30, v28;
	v28 =	vmul.f32 v8, v8;
	v2 =	vadd.f32 v34, v2  }
0x95: {  	v1 =	vadd.f32 v32, v1;
	v29 =	vmul.f32 v6, v5;
	v30 =	vmul.f32 v5, v5  }
0x96: {  	v31 =	vmul.f32 v6, v6;
	v32 =	vmul.f32 v4, v3;
	v2 =	vadd.f32 v18, v2  }
0x97: {  	v16 =	vadd.f32 v33, v17;
	v1 =	vadd.f32 v35, v1;
	v34 =	vmul.f32 v3, v3  }
0x98: {  	v35 =	vmul.f32 v4, v4;
	v17 =	vmul.f32 v57, v58;
	v2 =	vadd.f32 v22, v2  }
0x99: {  	v19 =	vadd.f32 v36, v16;
	v1 =	vadd.f32 v20, v1;
	v36 =	vmul.f32 v63, v0  }
0x9a: {  	v16 =	vmul.f32 v60, v60;
	v20 =	vmul.f32 v57, v57;
	v2 =	vadd.f32 v26, v2  }
0x9b: {  	v57 =	vmul.f32 v45, v45;
	v60 =	vmul.f32 v44, v44  }
0x9c: {  	v45 =	vmul.f32 v50, v45;
	v24 =	vadd.f32 v21, v19;
	v2 =	vadd.f32 v29, v2  }
0x9d: {  	v44 =	vmul.f32 v49, v44;
	v1 =	vadd.f32 v23, v1;
	v19 =	vmul.f32 v58, v58  }
0x9e: {  	v22 =	vmul.f32 v56, v55;
	v9 =	vadd.f32 v25, v24;
	v2 =	vadd.f32 v32, v2  }
0x9f: {  	v23 =	vmul.f32 v55, v55;
	v55 =	vmul.f32 v51, v51;
	v1 =	vadd.f32 v27, v1  }
0xa0: {  	v58 =	vmul.f32 v50, v50;
	v8 =	vadd.f32 v28, v9;
	v2 =	vadd.f32 v36, v2;
	v36 =	vld [tilespmem:$0x1FFF0]  }
0xa1: {  	v24 =	vmul.f32 v56, v56;
	v25 =	vmul.f32 v53, v54;
	v1 =	vadd.f32 v30, v1  }
0xa2: {  	v26 =	vmul.f32 v54, v54;
	v27 =	vmul.f32 v53, v53;
	v33 =	vadd.f32 v31, v8  }
0xa3: {  	v53 =	vmul.f32 v43, v43;
	v1 =	vadd.f32 v34, v1;
	v8 =	vmul.f32 v0, v0  }
0xa4: {  	v28 =	vmul.f32 v48, v52;
	v29 =	vmul.f32 v52, v52;
	v9 =	vadd.f32 v35, v33  }
0xa5: {  	v31 =	vmul.f32 v48, v48;
	v0 =	vadd.f32 v8, v1;
	v18 =	vmul.u32 $0xFFFFFFFF, v36  }
0xa6: {  	v32 =	vmul.f32 v47, v46;
	v34 =	vmul.f32 v47, v47;
	v3 =	vadd.f32 v10, v9  }
0xa7: {  	s0 =	sadd.s32 $0x8, s26;
	_ =	swait.ge [sflag:s24], $0x8000;
	v1 =	vadd.f32 v11, v2;
	v0 =	vadd.f32 v12, v0;
	v21 =	vadd.s32 $0x7, v18  }
0xa8: {  	v33 =	vmul.f32 v46, v46;
	[sflag:s24] =	ssyncset.done $0x0;
	v3 =	vadd.f32 v13, v3;
	v5 =	vor.u32 s0, v21  }
0xa9: {  	v35 =	vmul.f32 v51, v43;
	[sflag:s24] =	ssyncadd.s32 $0xFFFF8000;
	v1 =	vadd.f32 v14, v1;
	v0 =	vadd.f32 v15, v0  }
0xaa: {  	_ =	swait.ge [sflag:s25], $0x2000;
	v13 =	vmul.f32 v42, v42;
	v15 =	vmul.f32 v38, v38;
	v47 =	vmul.u32 $0xFFFFF000, v36  }
0xab: {  	[sflag:s25] =	ssyncset.done $0x0;
	v46 =	vmul.u32 $0xFFFFFC00, v36;
	v3 =	vadd.f32 v16, v3;
	v1 =	vadd.f32 v17, v1  }
0xac: {  	[sflag:s25] =	ssyncadd.s32 $0xFFFFE000;
	v0 =	vadd.f32 v19, v0;
	v16 =	vmul.f32 v39, v39;
	v52 =	vadd.s32 $0x7000, v47;
	v18 =	vld [tilespmem:$0x1FDC0]  }
0xad: {  	v4 =	vadd.s32 $0x1C00, v46;
	v2 =	vadd.f32 v20, v3;
	v1 =	vadd.f32 v22, v1;
	v30 =	vld.idx.msk [tilespmem:v5+s3+$0x0], $0xffff  }
0xae: {  	v54 =	vadd.s32 $0x7080, v47;
	v59 =	vadd.s32 $0x7100, v47;
	v0 =	vadd.f32 v23, v0  }
0xaf: {  	v14 =	vadd.s32 $0x7180, v47;
	v2 =	vadd.f32 v24, v2;
	v1 =	vadd.f32 v25, v1  }
0xb0: {  	v20 =	vmul.f32 v40, v40;
	v21 =	vadd.s32 $0x7200, v47;
	v0 =	vadd.f32 v26, v0;
	v5 =	vld.idx.msk [tilespmem:v5+s9+$0x0], $0xffff  }
0xb1: {  	v24 =	vadd.s32 $0x7280, v47;
	v2 =	vadd.f32 v27, v2;
	v1 =	vadd.f32 v28, v1  }
0xb2: {  	v0 =	vadd.f32 v29, v0;
	v12 =	vmul.f32 v18, v18;
	v48 =	vand.u32 $0x7F, v30  }
0xb3: {  	v29 =	vadd.s32 $0x7300, v47;
	v2 =	vadd.f32 v31, v2;
	v6 =	vor.u32 v52, v48  }
0xb4: {  	v1 =	vadd.f32 v32, v1;
	v0 =	vadd.f32 v33, v0;
	v56 =	vor.u32 v54, v48  }
0xb5: {  	v2 =	vadd.f32 v34, v2;
	v5 =	vand.u32 $0x7, v5;
	v7 =	vor.u32 v59, v48  }
0xb6: {  	v0 =	vadd.f32 v53, v0;
	v5 =	vshll.u32 v5, $0x7;
	v10 =	vor.u32 v14, v48  }
0xb7: {  	v33 =	vadd.s32 $0x7380, v47;
	v43 =	vadd.f32 v35, v1;
	v46 =	vor.u32 v4, v5  }
0xb8: {  	v1 =	vadd.f32 v55, v2;
	v0 =	vadd.f32 v57, v0;
	v5 =	vor.u32 $0x1, v46;
	v6 =	vld.idx.msk [tilespmem:v6+s30+$0x0], $0xffff  }
0xb9: {  	v57 =	vmul.f32 v37, v37;
	v49 =	vor.u32 v33, v48;
	v63 =	vor.u32 $0x2, v46;
	v3 =	vld.idx.msk [tilespmem:v56+s30+$0x0], $0xffff  }
0xba: {  	v52 =	vadd.s32 $0x7400, v47;
	v1 =	vadd.f32 v58, v1;
	v17 =	vor.u32 $0x3, v46;
	v7 =	vld.idx.msk [tilespmem:v7+s30+$0x0], $0xffff  }
0xbb: {  	v0 =	vadd.f32 v60, v0;
	v60 =	vadd.s32 $0x7480, v47;
	v23 =	vor.u32 $0x4, v46;
	v10 =	vld.idx.msk [tilespmem:v10+s30+$0x0], $0xffff  }
0xbc: {  	v27 =	vor.u32 $0x5, v46;
	v32 =	vor.u32 $0x6, v46;
	v1 =	vadd.f32 v61, v1;
	v62 =	vld.idx.msk [tilespmem:v46+s31+$0x0], $0xffff  }
0xbd: {  	v50 =	vor.u32 $0x7, v46;
	v0 =	vadd.f32 v12, v0;
	v12 =	vor.u32 v21, v48;
	v5 =	vld.idx.msk [tilespmem:v5+s31+$0x0], $0xffff  }
0xbe: {  	v61 =	vor.u32 v60, v48;
	v21 =	vadd.s32 $0x7500, v47;
	v1 =	vadd.f32 v13, v1;
	v9 =	vld.idx.msk [tilespmem:v63+s31+$0x0], $0xffff  }
0xbf: {  	v0 =	vadd.f32 v15, v0;
	v13 =	vor.u32 v24, v48;
	v56 =	vor.u32 $0x8, v46;
	v11 =	vld.idx.msk [tilespmem:v17+s31+$0x0], $0xffff  }
0xc0: {  	v24 =	vor.u32 $0xA, v46;
	v1 =	vadd.f32 v16, v1;
	v30 =	vld.idx.msk [tilespmem:v23+s31+$0x0], $0xffff;
	v34 =	vmul.f32 v10, v10  }
0xc1: {  	v0 =	vadd.f32 v20, v0;
	v55 =	vld.idx.msk [tilespmem:v32+s31+$0x0], $0xffff;
	v19 =	vmul.f32 v62, v6;
	v6 =	vmul.f32 v6, v6  }
0xc2: {  	v17 =	vor.u32 $0x9, v46;
	v28 =	vld.idx.msk [tilespmem:v12+s30+$0x0], $0xffff;
	v8 =	vmul.f32 v62, v62;
	v22 =	vmul.f32 v5, v3  }
0xc3: {  	v32 =	vadd.s32 $0x7600, v47;
	v23 =	vld.idx.msk [tilespmem:v61+s30+$0x0], $0xffff;
	v3 =	vmul.f32 v3, v3;
	v5 =	vmul.f32 v5, v5  }
0xc4: {  	v35 =	vld.idx.msk [tilespmem:v13+s30+$0x0], $0xffff;
	v13 =	vor.u32 v32, v48;
	v25 =	vmul.f32 v9, v7;
	v7 =	vmul.f32 v7, v7  }
0xc5: {  	v32 =	vor.u32 $0x11, v46;
	v9 =	vmul.f32 v9, v9;
	v31 =	vmul.f32 v11, v10  }
0xc6: {  	v51 =	vmul.f32 v11, v11;
	v11 =	vor.u32 v52, v48;
	v54 =	vmul.f32 v30, v30  }
0xc7: {  	v58 =	vld.idx.msk [tilespmem:v49+s30+$0x0], $0xffff;
	v12 =	vmul.f32 v55, v55;
	v4 =	vadd.f32 $0.0e+00, v19;
	v53 =	vmul.f32 v30, v28  }
0xc8: {  	v30 =	vor.u32 $0xB, v46;
	v49 =	vmul.f32 v23, v23;
	v26 =	vadd.f32 v3, v6  }
0xc9: {  	v5 =	vadd.f32 v5, v8;
	v8 =	vor.u32 v29, v48;
	v3 =	vld.idx.msk [tilespmem:v27+s31+$0x0], $0xffff;
	v6 =	vmul.f32 v28, v28  }
0xca: {  	v27 =	vadd.s32 $0x7580, v47;
	v29 =	vmul.f32 v41, v41;
	v4 =	vadd.f32 v22, v4  }
0xcb: {  	v10 =	vmul.f32 v35, v35;
	v2 =	vadd.f32 v7, v26;
	v5 =	vadd.f32 v9, v5;
	v9 =	vld.idx.msk [tilespmem:v50+s31+$0x0], $0xffff  }
0xcc: {  	v4 =	vadd.f32 v25, v4;
	v63 =	vld.idx.msk [tilespmem:v11+s30+$0x0], $0xffff;
	v25 =	vmul.f32 v58, v58;
	v11 =	vor.u32 v27, v48  }
0xcd: {  	v26 =	vld.idx.msk [tilespmem:v17+s31+$0x0], $0xffff;
	v27 =	vor.u32 $0x10, v46;
	v2 =	vadd.f32 v34, v2;
	v5 =	vadd.f32 v51, v5  }
0xce: {  	v34 =	vor.u32 $0xC, v46;
	v4 =	vadd.f32 v31, v4;
	v59 =	vmul.f32 v3, v35  }
0xcf: {  	v20 =	vld.idx.msk [tilespmem:v56+s31+$0x0], $0xffff;
	v3 =	vmul.f32 v3, v3;
	v35 =	vadd.s32 $0x7680, v47;
	v2 =	vadd.f32 v6, v2  }
0xd0: {  	v5 =	vadd.f32 v54, v5;
	v51 =	vor.u32 v35, v48;
	v54 =	vadd.s32 $0x7700, v47  }
0xd1: {  	v8 =	vld.idx.msk [tilespmem:v8+s30+$0x0], $0xffff;
	v14 =	vadd.f32 v53, v4;
	v4 =	vadd.f32 v57, v1;
	v22 =	vmul.f32 v9, v58  }
0xd2: {  	v9 =	vmul.f32 v9, v9;
	v33 =	vmul.f32 v26, v23;
	v53 =	vor.u32 $0xD, v46  }
0xd3: {  	v13 =	vld.idx.msk [tilespmem:v13+s30+$0x0], $0xffff;
	v6 =	vmul.f32 v26, v26;
	v56 =	vor.u32 v54, v48;
	v2 =	vadd.f32 v10, v2  }
0xd4: {  	v3 =	vadd.f32 v3, v5;
	v28 =	vmul.f32 v20, v63;
	v7 =	vmul.f32 v63, v63;
	v50 =	vld.idx.msk [tilespmem:v11+s30+$0x0], $0xffff  }
0xd5: {  	v10 =	vmul.f32 v20, v20;
	v5 =	vld.idx.msk [tilespmem:v30+s31+$0x0], $0xffff;
	v30 =	vadd.s32 $0x7880, v47;
	v62 =	vadd.f32 v59, v14  }
0xd6: {  	v14 =	vor.u32 v21, v48;
	v58 =	vld.idx.msk [tilespmem:v34+s31+$0x0], $0xffff;
	v19 =	vmul.f32 v55, v8;
	v8 =	vmul.f32 v8, v8  }
0xd7: {  	v59 =	vor.u32 $0xE, v46;
	v34 =	vadd.s32 $0x7900, v47;
	v3 =	vadd.f32 v12, v3;
	v12 =	vld.idx.msk [tilespmem:v24+s31+$0x0], $0xffff  }
0xd8: {  	v61 =	vld.idx.msk [tilespmem:v51+s30+$0x0], $0xffff;
	v51 =	vadd.s32 $0x7A00, v47;
	v1 =	vadd.f32 v19, v62;
	v2 =	vadd.f32 v8, v2  }
0xd9: {  	v3 =	vadd.f32 v9, v3;
	v63 =	vld.idx.msk [tilespmem:v53+s31+$0x0], $0xffff;
	v19 =	vadd.s32 $0x7780, v47;
	v53 =	vor.u32 v51, v48  }
0xda: {  	v21 =	vld.idx.msk [tilespmem:v56+s30+$0x0], $0xffff;
	v56 =	vadd.s32 $0x7A80, v47;
	v51 =	vadd.s32 $0x7E00, v47;
	v62 =	vmul.f32 v5, v50  }
0xdb: {  	v8 =	vmul.f32 v50, v50;
	v5 =	vmul.f32 v5, v5;
	v20 =	vor.u32 v19, v48  }
0xdc: {  	v50 =	vor.u32 $0x13, v46;
	v17 =	vor.u32 v56, v48;
	v1 =	vadd.f32 v22, v1  }
0xdd: {  	v2 =	vadd.f32 v25, v2;
	v3 =	vadd.f32 v10, v3;
	v22 =	vor.u32 $0xF, v46  }
0xde: {  	v31 =	vld.idx.msk [tilespmem:v14+s30+$0x0], $0xffff;
	v23 =	vmul.f32 v58, v13;
	v25 =	vadd.s32 $0x7800, v47;
	v13 =	vmul.f32 v13, v13  }
0xdf: {  	v24 =	vld.idx.msk [tilespmem:v59+s31+$0x0], $0xffff;
	v59 =	vadd.s32 $0x7B00, v47;
	v60 =	vmul.f32 v12, v12;
	v1 =	vadd.f32 v28, v1  }
0xe0: {  	v2 =	vadd.f32 v7, v2;
	v57 =	vadd.f32 v6, v3;
	v3 =	vmul.f32 v58, v58  }
0xe1: {  	v6 =	vor.u32 v25, v48;
	v28 =	vmul.f32 v61, v61;
	v58 =	vor.u32 $0x15, v46  }
0xe2: {  	v26 =	vmul.f32 v63, v61;
	v11 =	vmul.f32 v21, v21;
	v52 =	vadd.f32 v33, v1  }
0xe3: {  	v61 =	vor.u32 $0x16, v46;
	v2 =	vadd.f32 v49, v2;
	v1 =	vadd.f32 v29, v0  }
0xe4: {  	v0 =	vadd.f32 v60, v57;
	v55 =	vmul.f32 v12, v31;
	v9 =	vmul.f32 v31, v31  }
0xe5: {  	v33 =	vld.idx.msk [tilespmem:v27+s31+$0x0], $0xffff;
	v27 =	vadd.s32 $0x7C00, v47;
	v12 =	vmul.f32 v63, v63;
	v31 =	vmul.f32 v24, v21  }
0xe6: {  	v0 =	vadd.f32 v5, v0;
	v5 =	vmul.f32 v24, v24;
	v2 =	vadd.f32 v9, v2  }
0xe7: {  	v29 =	vld.idx.msk [tilespmem:v22+s31+$0x0], $0xffff;
	v1 =	vmax.f32 v1, $9.999999960e-13;
	v7 =	vadd.f32 v55, v52;
	v55 =	vor.u32 $0x14, v46  }
0xe8: {  	v9 =	vld.idx.msk [tilespmem:v20+s30+$0x0], $0xffff;
	v20 =	vor.u32 v27, v48;
	v27 =	vor.u32 v51, v48;
	v8 =	vadd.f32 v8, v2  }
0xe9: {  	v3 =	vadd.f32 v3, v0;
	v0 =	vmul.f32 v39, v38;
	v38 =	vor.u32 $0x12, v46;
	v39 =	vld.idx.msk [tilespmem:v32+s31+$0x0], $0xffff  }
0xea: {  	v19 =	vld.idx.msk [tilespmem:v61+s31+$0x0], $0xffff;
	v32 =	vadd.s32 $0x7C80, v47;
	v61 =	vor.u32 $0x1E, v46;
	v8 =	vadd.f32 v13, v8  }
0xeb: {  	v7 =	vadd.f32 v62, v7;
	v2 =	vmul.f32 v42, v18;
	v3 =	vadd.f32 v12, v3  }
0xec: {  	v42 =	vadd.s32 $0x7980, v47;
	v13 =	vor.u32 v30, v48;
	v8 =	vadd.f32 v28, v8  }
0xed: {  	v6 =	vld.idx.msk [tilespmem:v6+s30+$0x0], $0xffff;
	v62 =	vadd.s32 $0x7B80, v47;
	v22 =	vor.u32 v32, v48;
	v5 =	vadd.f32 v5, v3  }
0xee: {  	v3 =	vmul.f32 v37, v40;
	v37 =	vld [tilespmem:$0x1FDD0];
	v8 =	vadd.f32 v11, v8;
	v11 =	vor.u32 v34, v48  }
0xef: {  	v10 =	vmul.f32 v29, v29;
	v12 =	vmul.f32 v33, v33;
	v14 =	vor.u32 v42, v48;
	v16 =	vld.idx.msk [tilespmem:v55+s31+$0x0], $0xffff  }
0xf0: {  	v63 =	vor.u32 v62, v48;
	v42 =	vadd.s32 $0x7D80, v47;
	v62 =	vadd.s32 $0x7F80, v47;
	v20 =	vld.idx.msk [tilespmem:v20+s30+$0x0], $0xffff  }
0xf1: {  	v7 =	vadd.f32 v23, v7;
	v35 =	vmul.f32 v29, v9;
	v9 =	vmul.f32 v9, v9;
	v13 =	vld.idx.msk [tilespmem:v13+s30+$0x0], $0xffff  }
0xf2: {  	v30 =	vor.u32 $0x18, v46;
	v40 =	vmul.f32 v33, v6;
	v52 =	vld.idx.msk [tilespmem:v38+s31+$0x0], $0xffff;
	v5 =	vadd.f32 v10, v5  }
0xf3: {  	v6 =	vmul.f32 v6, v6;
	v55 =	vadd.s32 $0x7E80, v47;
	v8 =	vadd.f32 v9, v8;
	v49 =	vld.idx.msk [tilespmem:v11+s30+$0x0], $0xffff  }
0xf4: {  	v7 =	vadd.f32 v26, v7;
	v14 =	vld.idx.msk [tilespmem:v14+s30+$0x0], $0xffff;
	v5 =	vadd.f32 v12, v5;
	v9 =	vmul.f32 v39, v39  }
0xf5: {  	v26 =	vor.u32 $0x17, v46;
	v12 =	vld.idx.msk [tilespmem:v53+s30+$0x0], $0xffff;
	v6 =	vadd.f32 v6, v8;
	v11 =	vor.u32 v59, v48  }
0xf6: {  	v5 =	vadd.f32 v9, v5;
	v9 =	vld.idx.msk [tilespmem:v50+s31+$0x0], $0xffff;
	v54 =	vmul.f32 v39, v13;
	v13 =	vmul.f32 v13, v13  }
0xf7: {  	v7 =	vadd.f32 v31, v7;
	v34 =	vor.u32 $0x19, v46;
	v21 =	vld.idx.msk [tilespmem:v30+s31+$0x0], $0xffff;
	v30 =	vor.u32 v55, v48  }
0xf8: {  	v57 =	vmul.f32 v37, v37;
	v6 =	vadd.f32 v13, v6;
	v10 =	vmul.f32 v49, v49  }
0xf9: {  	v7 =	vadd.f32 v35, v7;
	v29 =	vmul.f32 v16, v16;
	v8 =	vmul.f32 v52, v52;
	v13 =	vld.idx.msk [tilespmem:v17+s30+$0x0], $0xffff  }
0xfa: {  	v35 =	vadd.s32 $0x7D00, v47;
	v24 =	vmul.f32 v14, v14;
	v11 =	vld.idx.msk [tilespmem:v11+s30+$0x0], $0xffff;
	v6 =	vadd.f32 v10, v6  }
0xfb: {  	v53 =	vmul.f32 v20, v20;
	v5 =	vadd.f32 v8, v5;
	v25 =	vmul.f32 v9, v9;
	v10 =	vld.idx.msk [tilespmem:v58+s31+$0x0], $0xffff  }
0xfc: {  	v7 =	vadd.f32 v40, v7;
	v28 =	vmul.f32 v12, v12;
	v6 =	vadd.f32 v24, v6  }
0xfd: {  	v23 =	vor.u32 v35, v48;
	v4 =	vadd.f32 v57, v4;
	v17 =	vld.idx.msk [tilespmem:v63+s30+$0x0], $0xffff;
	v5 =	vadd.f32 v25, v5  }
0xfe: {  	v22 =	vld.idx.msk [tilespmem:v22+s30+$0x0], $0xffff;
	v40 =	vor.u32 $0x1A, v46;
	v31 =	vmul.f32 v13, v13;
	v6 =	vadd.f32 v28, v6  }
0xff: {  	v50 =	vor.u32 $0x1B, v46;
	v8 =	vld.idx.msk [tilespmem:v26+s31+$0x0], $0xffff;
	v26 =	vor.u32 v42, v48;
	v5 =	vadd.f32 v29, v5  }
0x100: {  	v38 =	vmul.f32 v11, v11;
	v33 =	vmul.f32 v10, v10;
	v6 =	vadd.f32 v31, v6  }
0x101: {  	v57 =	vor.u32 $0x1D, v46;
	v39 =	vmul.f32 v19, v19;
	v60 =	vmul.f32 v52, v49  }
0x102: {  	v18 =	vld.idx.msk [tilespmem:v34+s31+$0x0], $0xffff;
	v49 =	vmul.f32 v17, v17;
	v5 =	vadd.f32 v33, v5;
	v6 =	vadd.f32 v38, v6  }
0x103: {  	v59 =	vmul.f32 v22, v22;
	v7 =	vadd.f32 v54, v7;
	v23 =	vld.idx.msk [tilespmem:v23+s30+$0x0], $0xffff;
	v54 =	vor.u32 $0x1C, v46  }
0x104: {  	v52 =	vmul.f32 v8, v8;
	v26 =	vld.idx.msk [tilespmem:v26+s30+$0x0], $0xffff;
	v5 =	vadd.f32 v39, v5;
	v6 =	vadd.f32 v49, v6  }
0x105: {  	v56 =	vmul.f32 v21, v21;
	v42 =	vor.u32 $0x1F, v46;
	v25 =	vld.idx.msk [tilespmem:v40+s31+$0x0], $0xffff;
	v58 =	vadd.s32 $0x7F00, v47  }
0x106: {  	v27 =	vld.idx.msk [tilespmem:v27+s30+$0x0], $0xffff;
	v31 =	vor.u32 v58, v48;
	v5 =	vadd.f32 v52, v5;
	v6 =	vadd.f32 v53, v6  }
0x107: {  	v63 =	vor.u32 v62, v48;
	v7 =	vadd.f32 v60, v7;
	v60 =	vmul.f32 v18, v18;
	v24 =	vld.idx.msk [tilespmem:v50+s31+$0x0], $0xffff  }
0x108: {  	v29 =	vld.idx.msk [tilespmem:v54+s31+$0x0], $0xffff;
	v38 =	vmul.f32 v23, v23;
	v5 =	vadd.f32 v56, v5;
	v6 =	vadd.f32 v59, v6  }
0x109: {  	v30 =	vld.idx.msk [tilespmem:v30+s30+$0x0], $0xffff;
	v4 =	vmax.f32 v4, $9.999999960e-13;
	v12 =	vmul.f32 v16, v12;
	v40 =	vmul.f32 v26, v26  }
0x10a: {  	v28 =	vld.idx.msk [tilespmem:v57+s31+$0x0], $0xffff;
	v39 =	vmul.f32 v25, v25;
	v5 =	vadd.f32 v60, v5;
	v6 =	vadd.f32 v38, v6  }
0x10b: {  	v62 =	vadd.f32 v45, v43;
	v9 =	vmul.f32 v9, v14;
	v47 =	vmul.f32 v27, v27;
	v14 =	vld.idx.msk [tilespmem:v31+s30+$0x0], $0xffff  }
0x10c: {  	v15 =	vld.idx.msk [tilespmem:v63+s30+$0x0], $0xffff;
	v46 =	vmul.f32 v24, v24;
	v5 =	vadd.f32 v39, v5;
	v6 =	vadd.f32 v40, v6  }
0x10d: {  	v32 =	vld.idx.msk [tilespmem:v61+s31+$0x0], $0xffff;
	v45 =	vmul.f32 v18, v22;
	v7 =	vadd.f32 v9, v7;
	v48 =	vmul.f32 v29, v29  }
0x10e: {  	v49 =	vmul.f32 v30, v30;
	v5 =	vadd.f32 v46, v5;
	v6 =	vadd.f32 v47, v6  }
0x10f: {  	v50 =	vshra.s32 v1, $0x1;
	v1 =	vmul.f32 $5.000000000e-01, v1;
	v33 =	vld.idx.msk [tilespmem:v42+s31+$0x0], $0xffff;
	v51 =	vmul.f32 v28, v28  }
0x110: {  	v52 =	vmul.f32 v14, v14;
	v5 =	vadd.f32 v48, v5;
	v6 =	vadd.f32 v49, v6  }
0x111: {  	v7 =	vadd.f32 v12, v7;
	v10 =	vmul.f32 v10, v13;
	v54 =	vmul.f32 v15, v15  }
0x112: {  	v53 =	vmul.f32 v32, v32;
	v5 =	vadd.f32 v51, v5;
	v6 =	vadd.f32 v52, v6  }
0x113: {  	v11 =	vmul.f32 v19, v11;
	v7 =	vadd.f32 v10, v7;
	v31 =	vsub.s32 $0x5F3759DF, v50  }
0x114: {  	v57 =	vmul.f32 v33, v33;
	v5 =	vadd.f32 v53, v5;
	v6 =	vadd.f32 v54, v6  }
0x115: {  	v8 =	vmul.f32 v8, v17;
	v7 =	vadd.f32 v11, v7;
	v55 =	vmul.f32 v31, v1  }
0x116: {  	v56 =	vshra.s32 v4, $0x1;
	v5 =	vadd.f32 v57, v5;
	v6 =	vmax.f32 v6, $9.999999960e-13  }
0x117: {  	v4 =	vmul.f32 $5.000000000e-01, v4;
	v59 =	vshra.s32 v6, $0x1;
	v6 =	vmul.f32 $5.000000000e-01, v6  }
0x118: {  	v9 =	vsub.s32 $0x5F3759DF, v56;
	v5 =	vmax.f32 v5, $9.999999960e-13;
	v10 =	vsub.s32 $0x5F3759DF, v59  }
0x119: {  	v61 =	vshra.s32 v5, $0x1;
	v5 =	vmul.f32 $5.000000000e-01, v5;
	v60 =	vmul.f32 v10, v6  }
0x11a: {  	v16 =	vmul.f32 v31, v55;
	v58 =	vmul.f32 v9, v4;
	v19 =	vsub.s32 $0x5F3759DF, v61  }
0x11b: {  	v63 =	vmul.f32 v19, v5;
	v12 =	vmul.f32 v10, v60  }
0x11c: {  	v7 =	vadd.f32 v8, v7;
	v16 =	vsub.f32 $1.500000000e+00, v16;
	v13 =	vmul.f32 v9, v58  }
0x11d: {  	v56 =	vmul.f32 v28, v30;
	v39 =	vmul.f32 v19, v63;
	v12 =	vsub.f32 $1.500000000e+00, v12  }
0x11e: {  	v16 =	vmul.f32 v31, v16;
	v40 =	vmul.f32 v21, v20;
	v38 =	vsub.f32 $1.500000000e+00, v13  }
0x11f: {  	v58 =	vmul.f32 v32, v14;
	v43 =	vsub.f32 $1.500000000e+00, v39;
	v10 =	vmul.f32 v10, v12  }
0x120: {  	v42 =	vmul.f32 v16, v1;
	v7 =	vadd.f32 v40, v7;
	v9 =	vmul.f32 v9, v38  }
0x121: {  	v11 =	vmul.f32 v19, v43;
	v48 =	vmul.f32 v10, v6  }
0x122: {  	v7 =	vadd.f32 v45, v7;
	v49 =	vmul.f32 v25, v23;
	v50 =	vmul.f32 v9, v4  }
0x123: {  	v47 =	vadd.f32 v44, v62;
	v52 =	vmul.f32 v11, v5;
	v51 =	vmul.f32 v48, v10  }
0x124: {  	v46 =	vmul.f32 v42, v16;
	v7 =	vadd.f32 v49, v7;
	v18 =	vmul.f32 v50, v9  }
0x125: {  	v53 =	vmul.f32 v24, v26;
	v17 =	vmul.f32 v52, v11;
	v13 =	vsub.f32 $1.500000000e+00, v51  }
0x126: {  	v54 =	vmul.f32 v29, v27;
	v18 =	vsub.f32 $1.500000000e+00, v18;
	v12 =	vsub.f32 $1.500000000e+00, v46  }
0x127: {  	v7 =	vadd.f32 v53, v7;
	v55 =	vsub.f32 $1.500000000e+00, v17;
	v10 =	vmul.f32 v13, v10  }
0x128: {  	v2 =	vadd.f32 v2, v47;
	v9 =	vmul.f32 v18, v9;
	v12 =	vmul.f32 v12, v16  }
0x129: {  	v7 =	vadd.f32 v54, v7;
	v57 =	vmul.f32 v55, v11;
	v6 =	vmul.f32 v10, v6  }
0x12a: {  	v0 =	vadd.f32 v0, v2;
	v61 =	vmul.f32 v33, v15;
	v1 =	vmul.f32 v12, v1  }
0x12b: {  	v7 =	vadd.f32 v56, v7;
	v5 =	vmul.f32 v57, v5;
	v59 =	vmul.f32 v6, v10  }
0x12c: {  	v0 =	vadd.f32 v3, v0;
	v4 =	vmul.f32 v9, v4;
	v1 =	vmul.f32 v1, v12  }
0x12d: {  	v60 =	vadd.f32 v58, v7;
	v5 =	vmul.f32 v5, v57;
	v3 =	vsub.f32 $1.500000000e+00, v59  }
0x12e: {  	v62 =	vmul.f32 v37, v41;
	v4 =	vmul.f32 v4, v9;
	v1 =	vsub.f32 $1.500000000e+00, v1  }
0x12f: {  	v6 =	vadd.f32 v61, v60;
	v5 =	vsub.f32 $1.500000000e+00, v5;
	v3 =	vmul.f32 v3, v10  }
0x130: {  	v0 =	vadd.f32 v62, v0;
	v63 =	vlaneseq.u32;
	v1 =	vmul.f32 v1, v12  }
0x131: {  	v4 =	vsub.f32 $1.500000000e+00, v4;
	v2 =	vmul.f32 v5, v57;
	v3 =	vmul.f32 v3, v6  }
0x132: {  	s28 =	sadd.s32 $0x40, s28;
	v0 =	vmul.f32 v1, v0;
	v1 =	vmul.u32 $0xFFFFFFFF, v63  }
0x133: {  	p0 =	sne.s32 s28, $0x800;
	v4 =	vmul.f32 v4, v9;
	v2 =	vmul.f32 v2, v3  }
.Ltmp3:
0x134: {  	v1 =	vadd.s32 $0xF, v1;
	(pc) =	sbr.rel @!p0 .LBB2_5-.Ltmp3, $3  }
0x135: {  	v0 =	vmul.f32 v4, v0;
	v1 =	vperm.xlane v2, v1;
	_ =	sdelay $0x1  }
0x136: {  	v0 =	vsel vm0, v0, v1  }
0x137: {  	s26 =	sadd.s32 $0x10, s26;
	[tilespmem:s29+$0x14500] =	vst v0  }
.LBB2_2:
0x138: {  	s29 =	sshra.s32 s28, $0x2  }
0x139: {  	v0 =	vld [tilespmem:s29+$0x8];
	_ =	sdelay $0x2  }
0x13a: {  	v1 =	vld [tilespmem:s29+$0x288];
	_ =	sdelay $0x1  }
0x13b: {  	(v2sf) =	vpush v0, $0x0;
	_ =	sdelay $0x2  }
0x13c: {  	v1 =	vshll.u32 v1, $0x4  }
0x13d: {  	(v2sf) =	vpush v1, $0x0;
	_ =	sdelay $0x1  }
0x13e: {  	(v2sf) =	vpush v0, $0x1;
	_ =	sdelay $0x2  }
0x13f: {  	(v2sf) =	vpush v1, $0x1;
	_ =	sdelay $0x5  }
0x140: {  	s0 =	spop (v2sf);
	(v2sf) =	vpush v0, $0x2;
	_ =	sdelay $0x2  }
0x141: {  	s0 =	sand.u32 $0xFFFFF80, s0  }
0x142: {  	s5 =	spop (v2sf);
	(v2sf) =	vpush v1, $0x2;
	s0 =	sadd.s32 s1, s0  }
0x143: {  	[tilespmem:s30], [sflag:$0x3] =	stream.strided.gather [hbm4b:s0+s11], $0x1000, s12, s11, $0x38;
	[tilespmem:$0x14700] =	vst v63  }
0x144: {  	s0 =	sand.u32 $0xFFFFF80, s5;
	s5 =	spop (v2sf);
	(v2sf) =	vpush v0, $0x3  }
0x145: {  	s0 =	sadd.s32 s4, s0  }
0x146: {  	[tilespmem:s31], [sflag:$0x5] =	stream.linear.gather [hbm4b:s0+s3], $0x400, $0x38;
	[tilespmem:$0x14700] =	vst v63  }
0x147: {  	s0 =	sand.u32 $0xFFFFF80, s5;
	s5 =	spop (v2sf);
	(v2sf) =	vpush v1, $0x3  }
0x148: {  	s0 =	sadd.s32 s1, s0  }
0x149: {  	[tilespmem:s2], [sflag:$0x3] =	stream.strided.gather [hbm4b:s0+s11], $0x1000, s12, s11, $0x38;
	[tilespmem:$0x14700] =	vst v63  }
0x14a: {  	s0 =	sand.u32 $0xFFFFF80, s5  }
0x14b: {  	s5 =	simm.s32 $0x12900;
	s0 =	sadd.s32 s4, s0  }
0x14c: {  	[tilespmem:s5], [sflag:$0x5] =	stream.linear.gather [hbm4b:s0+s3], $0x400, $0x38;
	[tilespmem:$0x14700] =	vst v63  }
0x14d: {  	s5 =	spop (v2sf);
	(v2sf) =	vpush v0, $0x4  }
0x14e: {  	s0 =	sand.u32 $0xFFFFF80, s5  }
0x14f: {  	s5 =	simm.s32 $0xA500;
	s0 =	sadd.s32 s1, s0  }
0x150: {  	[tilespmem:s5], [sflag:$0x3] =	stream.strided.gather [hbm4b:s0+s11], $0x1000, s12, s11, $0x38;
	[tilespmem:$0x14700] =	vst v63  }
0x151: {  	s5 =	spop (v2sf);
	(v2sf) =	vpush v1, $0x4;
	_ =	sdelay $0x1  }
0x152: {  	s0 =	sand.u32 $0xFFFFF80, s5;
	s5 =	spop (v2sf);
	(v2sf) =	vpush v0, $0x5  }
0x153: {  	s0 =	sadd.s32 s4, s0  }
0x154: {  	[tilespmem:s6], [sflag:$0x5] =	stream.linear.gather [hbm4b:s0+s3], $0x400, $0x38;
	[tilespmem:$0x14700] =	vst v63  }
0x155: {  	s0 =	sand.u32 $0xFFFFF80, s5;
	s5 =	spop (v2sf);
	(v2sf) =	vpush v1, $0x5;
	_ =	sdelay $0x3  }
0x156: {  	s0 =	sadd.s32 s1, s0  }
0x157: {  	[tilespmem:s7], [sflag:$0x3] =	stream.strided.gather [hbm4b:s0+s11], $0x1000, s12, s11, $0x38;
	[tilespmem:$0x14700] =	vst v63  }
0x158: {  	s0 =	sand.u32 $0xFFFFF80, s5;
	s5 =	spop (v2sf);
	(v2sf) =	vpush v0, $0x6  }
0x159: {  	s0 =	sadd.s32 s4, s0  }
0x15a: {  	[tilespmem:s8], [sflag:$0x5] =	stream.linear.gather [hbm4b:s0+s3], $0x400, $0x38;
	[tilespmem:$0x14700] =	vst v63  }
0x15b: {  	s0 =	sand.u32 $0xFFFFF80, s5  }
0x15c: {  	s0 =	sadd.s32 s1, s0;
	s5 =	spop (v2sf);
	(v2sf) =	vpush v1, $0x6  }
0x15d: {  	[tilespmem:s10], [sflag:$0x3] =	stream.strided.gather [hbm4b:s0+s11], $0x1000, s12, s11, $0x38;
	[tilespmem:$0x14700] =	vst v63  }
0x15e: {  	s0 =	sand.u32 $0xFFFFF80, s5;
	s5 =	spop (v2sf);
	(v2sf) =	vpush v0, $0x7  }
0x15f: {  	s0 =	sadd.s32 s4, s0  }
0x160: {  	[tilespmem:s15], [sflag:$0x5] =	stream.linear.gather [hbm4b:s0+s3], $0x400, $0x38;
	[tilespmem:$0x14700] =	vst v63  }
0x161: {  	s0 =	sand.u32 $0xFFFFF80, s5;
	s5 =	spop (v2sf);
	(v2sf) =	vpush v1, $0x7  }
0x162: {  	s0 =	sadd.s32 s1, s0  }
0x163: {  	[tilespmem:s16], [sflag:$0x3] =	stream.strided.gather [hbm4b:s0+s11], $0x1000, s12, s11, $0x38;
	[tilespmem:$0x14700] =	vst v63  }
0x164: {  	s0 =	sand.u32 $0xFFFFF80, s5  }
0x165: {  	s0 =	sadd.s32 s4, s0  }
0x166: {  	[tilespmem:s17], [sflag:$0x5] =	stream.linear.gather [hbm4b:s0+s3], $0x400, $0x38;
	[tilespmem:$0x14700] =	vst v63  }
0x167: {  	s5 =	spop (v2sf)  }
0x168: {  	s0 =	sand.u32 $0xFFFFF80, s5  }
0x169: {  	s0 =	sadd.s32 s1, s0  }
0x16a: {  	[tilespmem:s18], [sflag:$0x3] =	stream.strided.gather [hbm4b:s0+s11], $0x1000, s12, s11, $0x38;
	[tilespmem:$0x14700] =	vst v63  }
0x16b: {  	s5 =	spop (v2sf)  }
0x16c: {  	s0 =	sand.u32 $0xFFFFF80, s5  }
0x16d: {  	s5 =	spop (v2sf);
	s0 =	sadd.s32 s4, s0  }
0x16e: {  	[tilespmem:s19], [sflag:$0x5] =	stream.linear.gather [hbm4b:s0+s3], $0x400, $0x38;
	[tilespmem:$0x14700] =	vst v63  }
0x16f: {  	s0 =	sand.u32 $0xFFFFF80, s5  }
0x170: {  	s5 =	spop (v2sf);
	s0 =	sadd.s32 s1, s0  }
0x171: {  	[tilespmem:s20], [sflag:$0x3] =	stream.strided.gather [hbm4b:s0+s11], $0x1000, s12, s11, $0x38;
	[tilespmem:$0x14700] =	vst v63  }
0x172: {  	s0 =	sand.u32 $0xFFFFF80, s5  }
0x173: {  	s0 =	sadd.s32 s4, s0  }
0x174: {  	[tilespmem:s21], [sflag:$0x5] =	stream.linear.gather [hbm4b:s0+s3], $0x400, $0x38;
	[tilespmem:$0x14700] =	vst v63  }
0x175: {  	_ =	swait.ge [sflag:s22], $0x8000  }
0x176: {  	v0 =	vor.u32 s26, v36;
	[sflag:s22] =	ssyncset.done $0x0  }
0x177: {  	[sflag:s22] =	ssyncadd.s32 $0xFFFF8000  }
0x178: {  	_ =	swait.ge [sflag:s23], $0x2000  }
0x179: {  	[sflag:s23] =	ssyncset.done $0x0  }
0x17a: {  	[sflag:s23] =	ssyncadd.s32 $0xFFFFE000  }
0x17b: {  	v1 =	vld.idx.msk [tilespmem:v0+s3+$0x0], $0xffff;
	_ =	sdelay $0x3  }
0x17c: {  	v0 =	vld.idx.msk [tilespmem:v0+s9+$0x0], $0xffff  }
0x17d: {  	v35 =	vand.u32 $0x7F, v1;
	v1 =	vld [tilespmem:$0x1FFD0]  }
0x17e: {  	v2 =	vld [tilespmem:$0x1FDE0];
	_ =	sdelay $0x2  }
0x17f: {  	v3 =	vld [tilespmem:$0x1FE00];
	v0 =	vand.u32 $0x7, v0  }
0x180: {  	v0 =	vshll.u32 v0, $0x7;
	v1 =	vor.u32 v1, v35  }
0x181: {  	v36 =	vor.u32 v2, v0;
	v0 =	vld [tilespmem:$0x1FDF0];
	_ =	sdelay $0x1  }
0x182: {  	v54 =	vld [tilespmem:$0x1FF20]  }
0x183: {  	v60 =	vld [tilespmem:$0x1FF30];
	v3 =	vor.u32 v3, v35  }
0x184: {  	v31 =	vld.idx.msk [tilespmem:v1+s13+$0x0], $0xffff  }
0x185: {  	v0 =	vor.u32 v0, v35;
	v1 =	vld [tilespmem:$0x1FE10]  }
0x186: {  	v45 =	vld [tilespmem:$0x1FF40];
	v4 =	vor.u32 $0x2, v36  }
0x187: {  	v47 =	vld [tilespmem:$0x1FF50]  }
0x188: {  	v32 =	vld.idx.msk [tilespmem:v3+s13+$0x0], $0xffff;
	v3 =	vor.u32 $0x4, v36  }
0x189: {  	v49 =	vld [tilespmem:$0x1FF60]  }
0x18a: {  	v5 =	vor.u32 v1, v35;
	v1 =	vld.idx.msk [tilespmem:v0+s13+$0x0], $0xffff;
	v0 =	vor.u32 $0x3, v36  }
0x18b: {  	v33 =	vld.idx.msk [tilespmem:v4+s14+$0x0], $0xffff  }
0x18c: {  	v4 =	vld [tilespmem:$0x1FE30]  }
0x18d: {  	v27 =	vld.idx.msk [tilespmem:v3+s14+$0x0], $0xffff  }
0x18e: {  	v2 =	vor.u32 $0x1, v36;
	v3 =	vld [tilespmem:$0x1FE50]  }
0x18f: {  	v30 =	vld.idx.msk [tilespmem:v0+s14+$0x0], $0xffff  }
0x190: {  	v6 =	vor.u32 $0xB, v36;
	v0 =	vld [tilespmem:$0x1FE40]  }
0x191: {  	v50 =	vld [tilespmem:$0x1FF70];
	v4 =	vor.u32 v4, v35  }
0x192: {  	v29 =	vld.idx.msk [tilespmem:v36+s14+$0x0], $0xffff  }
0x193: {  	v34 =	vld.idx.msk [tilespmem:v2+s14+$0x0], $0xffff;
	v3 =	vor.u32 v3, v35  }
0x194: {  	v2 =	vld [tilespmem:$0x1FE20]  }
0x195: {  	v14 =	vld.idx.msk [tilespmem:v6+s14+$0x0], $0xffff;
	v0 =	vor.u32 v0, v35  }
0x196: {  	v25 =	vld.idx.msk [tilespmem:v4+s13+$0x0], $0xffff;
	v4 =	vor.u32 $0x7, v36  }
0x197: {  	v6 =	vld [tilespmem:$0x1FEC0]  }
0x198: {  	v20 =	vld.idx.msk [tilespmem:v3+s13+$0x0], $0xffff;
	v3 =	vor.u32 $0x9, v36  }
0x199: {  	v28 =	vld.idx.msk [tilespmem:v5+s13+$0x0], $0xffff  }
0x19a: {  	v22 =	vld.idx.msk [tilespmem:v0+s13+$0x0], $0xffff;
	v0 =	vor.u32 $0x8, v36  }
0x19b: {  	v21 =	vld.idx.msk [tilespmem:v4+s14+$0x0], $0xffff  }
0x19c: {  	v5 =	vor.u32 $0x5, v36;
	v4 =	vld [tilespmem:$0x1FE80]  }
0x19d: {  	v17 =	vld.idx.msk [tilespmem:v3+s14+$0x0], $0xffff  }
0x19e: {  	v40 =	vor.u32 $0x11, v36;
	v3 =	vld [tilespmem:$0x1FEA0]  }
0x19f: {  	v41 =	vor.u32 $0x12, v36;
	v19 =	vld.idx.msk [tilespmem:v0+s14+$0x0], $0xffff  }
0x1a0: {  	v53 =	vor.u32 $0x13, v36;
	v0 =	vld [tilespmem:$0x1FE90]  }
0x1a1: {  	v55 =	vor.u32 $0x14, v36;
	v24 =	vld.idx.msk [tilespmem:v5+s14+$0x0], $0xffff  }
0x1a2: {  	v44 =	vor.u32 $0x15, v36;
	v5 =	vld [tilespmem:$0x1FE60]  }
0x1a3: {  	v63 =	vld.idx.msk [tilespmem:v40+s14+$0x0], $0xffff;
	v3 =	vor.u32 v3, v35  }
0x1a4: {  	v46 =	vor.u32 $0x16, v36;
	v62 =	vld.idx.msk [tilespmem:v41+s14+$0x0], $0xffff  }
0x1a5: {  	v41 =	vor.u32 v60, v35;
	v60 =	vld.idx.msk [tilespmem:v53+s14+$0x0], $0xffff;
	v0 =	vor.u32 v0, v35  }
0x1a6: {  	v57 =	vld.idx.msk [tilespmem:v55+s14+$0x0], $0xffff;
	v4 =	vor.u32 v4, v35  }
0x1a7: {  	v56 =	vld.idx.msk [tilespmem:v44+s14+$0x0], $0xffff;
	v5 =	vor.u32 v5, v35  }
0x1a8: {  	v11 =	vld.idx.msk [tilespmem:v3+s13+$0x0], $0xffff;
	v3 =	vor.u32 $0xE, v36  }
0x1a9: {  	v53 =	vld.idx.msk [tilespmem:v46+s14+$0x0], $0xffff  }
0x1aa: {  	v13 =	vld.idx.msk [tilespmem:v0+s13+$0x0], $0xffff;
	v0 =	vor.u32 $0xD, v36  }
0x1ab: {  	v15 =	vld.idx.msk [tilespmem:v4+s13+$0x0], $0xffff  }
0x1ac: {  	v4 =	vor.u32 $0xC, v36;
	v18 =	vld.idx.msk [tilespmem:v5+s13+$0x0], $0xffff  }
0x1ad: {  	v8 =	vld.idx.msk [tilespmem:v3+s14+$0x0], $0xffff  }
0x1ae: {  	v5 =	vor.u32 $0xA, v36;
	v3 =	vld [tilespmem:$0x1FEF0]  }
0x1af: {  	v9 =	vld.idx.msk [tilespmem:v0+s14+$0x0], $0xffff  }
0x1b0: {  	v0 =	vld [tilespmem:$0x1FEE0]  }
0x1b1: {  	v12 =	vld.idx.msk [tilespmem:v4+s14+$0x0], $0xffff  }
0x1b2: {  	v40 =	vor.u32 v54, v35;
	v4 =	vld [tilespmem:$0x1FED0]  }
0x1b3: {  	v16 =	vld.idx.msk [tilespmem:v5+s14+$0x0], $0xffff  }
0x1b4: {  	v2 =	vor.u32 v2, v35;
	v5 =	vld [tilespmem:$0x1FEB0]  }
0x1b5: {  	v39 =	vor.u32 v3, v35;
	v3 =	vld [tilespmem:$0x1FF00];
	v0 =	vor.u32 v0, v35  }
0x1b6: {  	v44 =	vld [tilespmem:$0x1FF90]  }
0x1b7: {  	v6 =	vor.u32 v6, v35;
	v58 =	vld.idx.msk [tilespmem:v40+s13+$0x0], $0xffff  }
0x1b8: {  	v37 =	vor.u32 $0xF, v36;
	v55 =	vld.idx.msk [tilespmem:v41+s13+$0x0], $0xffff  }
0x1b9: {  	v26 =	vld.idx.msk [tilespmem:v2+s13+$0x0], $0xffff;
	v5 =	vor.u32 v5, v35  }
0x1ba: {  	v4 =	vor.u32 v4, v35;
	v51 =	vor.u32 v3, v35;
	v3 =	vld.idx.msk [tilespmem:v0+s13+$0x0], $0xffff  }
0x1bb: {  	v38 =	vor.u32 $0x10, v36;
	v0 =	vld [tilespmem:$0x1FF10]  }
0x1bc: {  	v7 =	vld.idx.msk [tilespmem:v6+s13+$0x0], $0xffff  }
0x1bd: {  	v6 =	vld.idx.msk [tilespmem:v37+s14+$0x0], $0xffff  }
0x1be: {  	v10 =	vld.idx.msk [tilespmem:v5+s13+$0x0], $0xffff  }
0x1bf: {  	v5 =	vld.idx.msk [tilespmem:v4+s13+$0x0], $0xffff  }
0x1c0: {  	v4 =	vld.idx.msk [tilespmem:v38+s14+$0x0], $0xffff;
	v52 =	vor.u32 v0, v35  }
0x1c1: {  	v37 =	vor.u32 v47, v35;
	v61 =	vld.idx.msk [tilespmem:v51+s13+$0x0], $0xffff  }
0x1c2: {  	v40 =	vor.u32 v50, v35;
	v51 =	vld [tilespmem:$0x1FF80]  }
0x1c3: {  	v2 =	vor.u32 $0x6, v36;
	v0 =	vld.idx.msk [tilespmem:v39+s13+$0x0], $0xffff  }
0x1c4: {  	v38 =	vor.u32 v49, v35;
	v39 =	vor.u32 v45, v35;
	v45 =	vld [tilespmem:$0x1FFA0]  }
0x1c5: {  	v59 =	vld.idx.msk [tilespmem:v52+s13+$0x0], $0xffff  }
0x1c6: {  	v52 =	vld.idx.msk [tilespmem:v37+s13+$0x0], $0xffff;
	v37 =	vor.u32 $0x19, v36  }
0x1c7: {  	v43 =	vld.idx.msk [tilespmem:v40+s13+$0x0], $0xffff  }
0x1c8: {  	v23 =	vld.idx.msk [tilespmem:v2+s14+$0x0], $0xffff  }
0x1c9: {  	v46 =	vld.idx.msk [tilespmem:v38+s13+$0x0], $0xffff;
	v38 =	vor.u32 $0x1A, v36  }
0x1ca: {  	v54 =	vld.idx.msk [tilespmem:v39+s13+$0x0], $0xffff;
	v39 =	vor.u32 $0x18, v36  }
0x1cb: {  	v41 =	vor.u32 v51, v35;
	v51 =	vld.idx.msk [tilespmem:v37+s14+$0x0], $0xffff;
	v37 =	vor.u32 v45, v35  }
0x1cc: {  	v40 =	vor.u32 $0x1B, v36;
	v49 =	vld [tilespmem:$0x1FFB0]  }
0x1cd: {  	v2 =	vld [tilespmem:$0x1FE70]  }
0x1ce: {  	v50 =	vld.idx.msk [tilespmem:v38+s14+$0x0], $0xffff  }
0x1cf: {  	v47 =	vld.idx.msk [tilespmem:v39+s14+$0x0], $0xffff  }
0x1d0: {  	v39 =	vor.u32 v44, v35;
	v37 =	vld.idx.msk [tilespmem:v37+s13+$0x0], $0xffff  }
0x1d1: {  	v38 =	vor.u32 v49, v35;
	v49 =	vld.idx.msk [tilespmem:v40+s14+$0x0], $0xffff  }
0x1d2: {  	v48 =	vor.u32 $0x17, v36;
	v40 =	vld [tilespmem:$0x1FFC0]  }
0x1d3: {  	v42 =	vor.u32 $0x1C, v36;
	v45 =	vld.idx.msk [tilespmem:v41+s13+$0x0], $0xffff  }
0x1d4: {  	v2 =	vor.u32 v2, v35;
	v41 =	vld [tilespmem:$0x1FFE0]  }
0x1d5: {  	v44 =	vld.idx.msk [tilespmem:v39+s13+$0x0], $0xffff;
	v39 =	vor.u32 $0x1D, v36;
	[tilespmem:$0x1FDC0] =	vst v37;
	v37 =	vor.u32 $0x1E, v36;
	v36 =	vor.u32 $0x1F, v36;
	_ =	sdelay $0x1  }
0x1d6: {  	v48 =	vld.idx.msk [tilespmem:v48+s14+$0x0], $0xffff;
	v40 =	vor.u32 v40, v35  }
0x1d7: {  	v42 =	vld.idx.msk [tilespmem:v42+s14+$0x0], $0xffff  }
0x1d8: {  	v2 =	vld.idx.msk [tilespmem:v2+s13+$0x0], $0xffff;
	v35 =	vor.u32 v41, v35  }
0x1d9: {  	p0 =	seq.s32 s28, $0x7C0;
	v36 =	vld.idx.msk [tilespmem:v36+s14+$0x0], $0xffff  }
.Ltmp4:
0x1da: {  	v38 =	vld.idx.msk [tilespmem:v38+s13+$0x0], $0xffff;
	(pc) =	sbr.rel @p0 .LBB2_4-.Ltmp4, $4  }
0x1db: {  	v40 =	vld.idx.msk [tilespmem:v40+s13+$0x0], $0xffff  }
0x1dc: {  	v39 =	vld.idx.msk [tilespmem:v39+s14+$0x0], $0xffff  }
0x1dd: {  	v41 =	vld.idx.msk [tilespmem:v35+s13+$0x0], $0xffff  }
0x1de: {  	v37 =	vld.idx.msk [tilespmem:v37+s14+$0x0], $0xffff;
	[tilespmem:$0x1FDD0] =	vst v36  }
0x1df: {  	v35 =	vld [tilespmem:s29+$0x10]  }
0x1e0: {  	v36 =	vld [tilespmem:s29+$0x290];
	_ =	sdelay $0x3  }
0x1e1: {  	(v2sf) =	vpush v35, $0x0  }
0x1e2: {  	v36 =	vshll.u32 v36, $0x4  }
0x1e3: {  	(v2sf) =	vpush v36, $0x0;
	_ =	sdelay $0x2  }
0x1e4: {  	(v2sf) =	vpush v35, $0x1;
	_ =	sdelay $0x5  }
0x1e5: {  	(v2sf) =	vpush v36, $0x1;
	_ =	sdelay $0x3  }
0x1e6: {  	s0 =	spop (v2sf);
	(v2sf) =	vpush v35, $0x2;
	_ =	sdelay $0x1  }
0x1e7: {  	s0 =	sand.u32 $0xFFFFF80, s0;
	s2 =	spop (v2sf);
	(v2sf) =	vpush v36, $0x2  }
0x1e8: {  	s0 =	sadd.s32 s1, s0  }
0x1e9: {  	[tilespmem:s13], [sflag:$0x2] =	stream.strided.gather [hbm4b:s0+s11], $0x1000, s12, s11, $0x38;
	[tilespmem:$0x14700] =	vst v63  }
0x1ea: {  	s5 =	spop (v2sf);
	(v2sf) =	vpush v35, $0x3;
	s0 =	sand.u32 $0xFFFFF80, s2  }
0x1eb: {  	s0 =	sadd.s32 s4, s0  }
0x1ec: {  	[tilespmem:s14], [sflag:$0x4] =	stream.linear.gather [hbm4b:s0+s3], $0x400, $0x38;
	[tilespmem:$0x14700] =	vst v63  }
0x1ed: {  	s0 =	sand.u32 $0xFFFFF80, s5  }
0x1ee: {  	s2 =	simm.s32 $0x1500;
	s0 =	sadd.s32 s1, s0  }
0x1ef: {  	[tilespmem:s2], [sflag:$0x2] =	stream.strided.gather [hbm4b:s0+s11], $0x1000, s12, s11, $0x38;
	[tilespmem:$0x14700] =	vst v63  }
0x1f0: {  	s2 =	spop (v2sf);
	(v2sf) =	vpush v36, $0x3;
	_ =	sdelay $0x2  }
0x1f1: {  	s0 =	sand.u32 $0xFFFFF80, s2  }
0x1f2: {  	s5 =	simm.s32 $0x10900;
	s0 =	sadd.s32 s4, s0;
	s2 =	spop (v2sf);
	(v2sf) =	vpush v35, $0x4  }
0x1f3: {  	[tilespmem:s5], [sflag:$0x4] =	stream.linear.gather [hbm4b:s0+s3], $0x400, $0x38;
	[tilespmem:$0x14700] =	vst v63  }
0x1f4: {  	s0 =	sand.u32 $0xFFFFF80, s2;
	s2 =	spop (v2sf);
	(v2sf) =	vpush v36, $0x4  }
0x1f5: {  	s5 =	simm.s32 $0x2500;
	s0 =	sadd.s32 s1, s0  }
0x1f6: {  	[tilespmem:s5], [sflag:$0x2] =	stream.strided.gather [hbm4b:s0+s11], $0x1000, s12, s11, $0x38;
	[tilespmem:$0x14700] =	vst v63  }
0x1f7: {  	s0 =	sand.u32 $0xFFFFF80, s2;
	s2 =	spop (v2sf);
	(v2sf) =	vpush v35, $0x5;
	_ =	sdelay $0x3  }
0x1f8: {  	s5 =	simm.s32 $0x10D00;
	s0 =	sadd.s32 s4, s0  }
0x1f9: {  	[tilespmem:s5], [sflag:$0x4] =	stream.linear.gather [hbm4b:s0+s3], $0x400, $0x38;
	[tilespmem:$0x14700] =	vst v63  }
0x1fa: {  	s0 =	sand.u32 $0xFFFFF80, s2;
	s2 =	spop (v2sf);
	(v2sf) =	vpush v36, $0x5  }
0x1fb: {  	s5 =	simm.s32 $0x3500;
	s0 =	sadd.s32 s1, s0  }
0x1fc: {  	[tilespmem:s5], [sflag:$0x2] =	stream.strided.gather [hbm4b:s0+s11], $0x1000, s12, s11, $0x38;
	[tilespmem:$0x14700] =	vst v63  }
0x1fd: {  	s0 =	sand.u32 $0xFFFFF80, s2  }
0x1fe: {  	s5 =	simm.s32 $0x11100;
	s0 =	sadd.s32 s4, s0;
	s2 =	spop (v2sf);
	(v2sf) =	vpush v35, $0x6  }
0x1ff: {  	[tilespmem:s5], [sflag:$0x4] =	stream.linear.gather [hbm4b:s0+s3], $0x400, $0x38;
	[tilespmem:$0x14700] =	vst v63  }
0x200: {  	s0 =	sand.u32 $0xFFFFF80, s2;
	s2 =	spop (v2sf);
	(v2sf) =	vpush v36, $0x6  }
0x201: {  	s5 =	simm.s32 $0x4500;
	s0 =	sadd.s32 s1, s0  }
0x202: {  	[tilespmem:s5], [sflag:$0x2] =	stream.strided.gather [hbm4b:s0+s11], $0x1000, s12, s11, $0x38;
	[tilespmem:$0x14700] =	vst v63  }
0x203: {  	s0 =	sand.u32 $0xFFFFF80, s2;
	s2 =	spop (v2sf);
	(v2sf) =	vpush v35, $0x7  }
0x204: {  	s5 =	simm.s32 $0x11500;
	s0 =	sadd.s32 s4, s0  }
0x205: {  	[tilespmem:s5], [sflag:$0x4] =	stream.linear.gather [hbm4b:s0+s3], $0x400, $0x38;
	[tilespmem:$0x14700] =	vst v63  }
0x206: {  	s0 =	sand.u32 $0xFFFFF80, s2  }
0x207: {  	s5 =	simm.s32 $0x5500;
	s0 =	sadd.s32 s1, s0  }
0x208: {  	[tilespmem:s5], [sflag:$0x2] =	stream.strided.gather [hbm4b:s0+s11], $0x1000, s12, s11, $0x38;
	[tilespmem:$0x14700] =	vst v63  }
0x209: {  	s2 =	spop (v2sf);
	(v2sf) =	vpush v36, $0x7  }
0x20a: {  	s0 =	sand.u32 $0xFFFFF80, s2  }
0x20b: {  	s5 =	simm.s32 $0x11900;
	s0 =	sadd.s32 s4, s0  }
0x20c: {  	[tilespmem:s5], [sflag:$0x4] =	stream.linear.gather [hbm4b:s0+s3], $0x400, $0x38;
	[tilespmem:$0x14700] =	vst v63  }
0x20d: {  	s2 =	spop (v2sf)  }
0x20e: {  	s0 =	sand.u32 $0xFFFFF80, s2  }
0x20f: {  	s5 =	simm.s32 $0x6500;
	s2 =	spop (v2sf);
	s0 =	sadd.s32 s1, s0  }
0x210: {  	[tilespmem:s5], [sflag:$0x2] =	stream.strided.gather [hbm4b:s0+s11], $0x1000, s12, s11, $0x38;
	[tilespmem:$0x14700] =	vst v63  }
0x211: {  	s0 =	sand.u32 $0xFFFFF80, s2  }
0x212: {  	s5 =	simm.s32 $0x11D00;
	s2 =	spop (v2sf);
	s0 =	sadd.s32 s4, s0  }
0x213: {  	[tilespmem:s5], [sflag:$0x4] =	stream.linear.gather [hbm4b:s0+s3], $0x400, $0x38;
	[tilespmem:$0x14700] =	vst v63  }
0x214: {  	s0 =	sand.u32 $0xFFFFF80, s2  }
0x215: {  	s5 =	simm.s32 $0x7500;
	s0 =	sadd.s32 s1, s0  }
0x216: {  	[tilespmem:s5], [sflag:$0x2] =	stream.strided.gather [hbm4b:s0+s11], $0x1000, s12, s11, $0x38;
	[tilespmem:$0x14700] =	vst v63  }
.Ltmp5:
0x217: {  	_ = 	snop;
	(pc) =	sbr.rel .LBB2_4-.Ltmp5, $4  }
0x218: {  	s2 =	spop (v2sf)  }
0x219: {  	s0 =	sand.u32 $0xFFFFF80, s2  }
0x21a: {  	s5 =	simm.s32 $0x12100;
	s2 =	simm.s32 $0x9500;
	s0 =	sadd.s32 s4, s0  }
0x21b: {  	[tilespmem:s5], [sflag:$0x4] =	stream.linear.gather [hbm4b:s0+s3], $0x400, $0x38;
	[tilespmem:$0x14700] =	vst v63  }
.LBB2_6:
0x21c: {  	_ =	sfence.sel $0x180000  }
0x21d: {  	[bflag:$0x0] =	sbarrier.arrive $0xFFFF  }
0x21e: {  	_ =	strace $0x90000047  }
0x21f: {  	s0 =	stileid.u32;
	[bflag:$0x2] =	sbarrier.arrive $0xFFFF  }
0x220: {  	p0 =	sne.s32 s0, $0x0;
	s0 =	rddreg [dreg:$0x5]  }
0x221: {  	s0 =	sadd.s32 @!p0 $0x100000, s0  }
0x222: {  	[sflag:s0] =	ssyncadd.tile.s32 @!p0 $0x1;
	_ =	shalt  }
.Lfunc_end2:
_tile_overlayer_lowered:
.L_overlay_start_2:
0x223: {  	(tag) =	ssettag $0x2  }
0x224: {  	s0 =	rddreg [dreg:$0x0];
	s2 =	stileid.u32  }
0x225: {  	s1 =	rddreg [dreg:$0x1];
	p0 =	sne.s32 s2, $0x0  }
0x226: {  	s3 =	rddreg [dreg:$0x2];
	[bflag:$0x3] =	sbarrier.arrive $0xFFFF;
	s2 =	simm.s32 @!p0 $0x1C06  }
0x227: {  	[timem:s3], [sflag:s2] =	dma.local @!p0 [hbm:s0], s1  }
0x228: {  	s0 =	simm.s32 @!p0 $0x6  }
0x229: {  	_ =	swait.ge @!p0 [sflag:s0], s1  }
0x22a: {  	s1 =	ssub.s32 @!p0 $0x0, s1;
	[sflag:s0] =	ssyncset.done @!p0 $0x0  }
0x22b: {  	[sflag:s0] =	ssyncadd.s32 @!p0 s1  }
0x22c: {  	[bflag:$0x3] =	sbarrier.arrive $0xFFFF  }
0x22d: {  	_ =	shalt  }

</sc_bundles>
